<compile_context>
chip_gen: v7x
topology: tpu7x:2x2x1
jax: 0.10.2.dev20260603
libtpu: 0.0.44.dev20260713+nightly
codegen_flags: <defaults>
</compile_context>

<pallas_src>
import functools
import jax
import jax.numpy as jnp
from jax import lax
from jax.experimental import pallas as pl
from jax.experimental.pallas import tpu as pltpu
from jax.experimental.pallas import tpu_sc as plsc

B = 64
R = 65536
NW = 32
RW = R // NW
C = 512
NCH = RW // C


def _splat(v):
    return jnp.full((16,), v, jnp.int32)


def _sc_body(x_hbm, mf_hbm, out_hbm, xv, mfv, tlo, thi, pv, qv, outv0, outv1,
             sem0, sem1):
    wid = lax.axis_index("s") * 2 + lax.axis_index("c")
    base = wid * RW

    pltpu.sync_copy(x_hbm, xv)
    pltpu.sync_copy(mf_hbm.at[pl.ds(base, RW)], mfv)

    iota = lax.iota(jnp.int32, 16)
    hi2 = iota >> 2
    lo2 = iota & 3

    @plsc.parallel_loop(0, B, step=1, unroll=4)
    def build(b):
        xb = b * 32
        p01 = (plsc.load_gather(xv, [xb + hi2])
               * plsc.load_gather(xv, [xb + 4 + lo2]))
        p23 = (plsc.load_gather(xv, [xb + 8 + hi2])
               * plsc.load_gather(xv, [xb + 12 + lo2]))
        p45 = (plsc.load_gather(xv, [xb + 16 + hi2])
               * plsc.load_gather(xv, [xb + 20 + lo2]))
        p67 = (plsc.load_gather(xv, [xb + 24 + hi2])
               * plsc.load_gather(xv, [xb + 28 + lo2]))
        pv[b, pl.ds(16, 16)] = p01
        qv[b, pl.ds(16, 16)] = p45
        tb = b * 256
        bsplat = jnp.full((16,), 0, jnp.int32) + b
        for j in range(16):
            s_lo = plsc.load_gather(pv, [bsplat, _splat(16 + j)])
            tlo[pl.ds(tb + j * 16, 16)] = s_lo * p23
            s_hi = plsc.load_gather(qv, [bsplat, _splat(16 + j)])
            thi[pl.ds(tb + j * 16, 16)] = s_hi * p67

    def run_chunk(outbuf, cbase):
        @plsc.parallel_loop(0, C // 16, unroll=2)
        def rv_body(rv):
            code = mfv[pl.ds(cbase + rv * 16, 16)]
            ilo = (code >> 8) & 255
            ihi = code & 255
            cb = rv >> 3
            col = (rv & 7) * 16

            @plsc.parallel_loop(0, B, step=1, unroll=16)
            def b_body(b):
                vlo = plsc.load_gather(tlo, [ilo + b * 256])
                vhi = plsc.load_gather(thi, [ihi + b * 256])
                outbuf[b >> 3, cb, b & 7, pl.ds(col, 16)] = vlo * vhi

    pending = [None, None]
    for c in range(NCH):
        buf, sem = (outv0, sem0) if c % 2 == 0 else (outv1, sem1)
        if pending[c % 2] is not None:
            pending[c % 2].wait()
        run_chunk(buf, c * C)
        cb0 = (base + c * C) // 128
        pending[c % 2] = pltpu.async_copy(
            buf, out_hbm.at[:, pl.ds(cb0, C // 128)], sem
        )
    pending[0].wait()
    pending[1].wait()


@jax.jit
def _run(xf, mff):
    f = functools.partial(
        pl.kernel,
        out_type=jax.ShapeDtypeStruct((B // 8, R // 128, 8, 128), jnp.float32),
        mesh=plsc.VectorSubcoreMesh(core_axis_name="c", subcore_axis_name="s"),
        compiler_params=pltpu.CompilerParams(
            needs_layout_passes=False, use_tc_tiling_on_sc=False
        ),
        scratch_types=[
            pltpu.VMEM((B * 32,), jnp.float32),
            pltpu.VMEM((RW,), jnp.int32),
            pltpu.VMEM((B * 256,), jnp.float32),
            pltpu.VMEM((B * 256,), jnp.float32),
            pltpu.VMEM((B, 32), jnp.float32),
            pltpu.VMEM((B, 32), jnp.float32),
            pltpu.VMEM((B // 8, C // 128, 8, 128), jnp.float32),
            pltpu.VMEM((B // 8, C // 128, 8, 128), jnp.float32),
            pltpu.SemaphoreType.DMA,
            pltpu.SemaphoreType.DMA,
        ],
    )(_sc_body)
    out4 = f(xf, mff)
    return out4.transpose(0, 2, 1, 3).reshape(B, R)


def kernel(x, mf_idx):
    shifts = jnp.arange(14, -2, -2, dtype=jnp.int32)
    code = jnp.sum(mf_idx.astype(jnp.int32) << shifts[None, :], axis=1,
                   dtype=jnp.int32)
    return _run(x.reshape(-1), code)

# --- scband reference (transcript-rebuilt; emitter-appended) ---
"""Pipeline reference for scband-rules-layer-27565100105868 (READ-ONLY COPY).

The authoritative reference and input builder live on the scoring server;
editing this copy changes nothing except your own understanding.
"""

import jax, jax.numpy as jnp
import numpy as np
import itertools

MFS_NUM = [4, 4, 4, 4, 4, 4, 4, 4]  # mfs_num for each of the 8 fuzzy variables


def _build_mf_idx():
    # cartesian product of membership-function indices, shape [R, n_vars]
    idx = np.array(list(itertools.product(*[range(n) for n in MFS_NUM])), dtype=np.int32)
    return jnp.asarray(idx)


def setup_inputs(seed: int = 0) -> dict:
    key = jax.random.key(seed)
    # x: membership degrees per (variable, mf), shape [B, n_vars, max_mfs]
    x = jax.random.uniform(key, (64, 8, 4), dtype=jnp.float32)
    mf_idx = _build_mf_idx()  # [65536, 8] int32 buffer (non-learned)
    return {"x": x, "mf_idx": mf_idx}


def reference(x, mf_idx):
    B = x.shape[0]
    R, V = mf_idx.shape
    # torch: x.transpose(1, 2) -> [B, max_mfs, n_vars]
    xt = jnp.transpose(x, (0, 2, 1))
    # torch.gather(xt, 1, batch_idx) where batch_idx = mf_idx.expand(B, R, V)
    idx = jnp.broadcast_to(mf_idx[None, :, :].astype(jnp.int32), (B, R, V))
    antecedents = jnp.take_along_axis(xt, idx, axis=1)  # [B, R, V]
    rules = jnp.prod(antecedents, axis=2)  # [B, R]
    return rules

if __name__ == "__main__":
    import jax
    _d = setup_inputs()
    print(jax.jit(kernel)(*tuple(_d.values())))

</pallas_src>

<mosaic_0001>
#map = affine_map<(d0, d1) -> (0)>
#map1 = affine_map<(d0, d1) -> (0, 0, 0, 0)>
module attributes {stable_mosaic.version = 14 : i64} {
  func.func @_sc_body(%arg0: i32, %arg1: i32, %arg2: memref<2048xf32, #tpu.memory_space<hbm>>, %arg3: memref<65536xi32, #tpu.memory_space<hbm>>, %arg4: memref<8x512x8x128xf32, #tpu.memory_space<hbm>>, %arg5: memref<2048xf32, #tpu.memory_space<vmem>>, %arg6: memref<2048xi32, #tpu.memory_space<vmem>>, %arg7: memref<16384xf32, #tpu.memory_space<vmem>>, %arg8: memref<16384xf32, #tpu.memory_space<vmem>>, %arg9: memref<64x32xf32, #tpu.memory_space<vmem>>, %arg10: memref<64x32xf32, #tpu.memory_space<vmem>>, %arg11: memref<8x4x8x128xf32, #tpu.memory_space<vmem>>, %arg12: memref<8x4x8x128xf32, #tpu.memory_space<vmem>>, %arg13: memref<!tpu.dma_semaphore, #tpu.memory_space<semaphore_mem>>, %arg14: memref<!tpu.dma_semaphore, #tpu.memory_space<semaphore_mem>>) attributes {dimension_semantics = [#tpu.dimension_semantics<core_parallel>, #tpu.dimension_semantics<subcore_parallel>], iteration_bounds = array<i64: 2, 16>, scalar_prefetch = 0 : i64, scratch_operands = 10 : i64, tpu.core_type = #tpu.core_type<sc_vector_subcore>, window_params = [{transform_indices = #map}, {transform_indices = #map}, {transform_indices = #map1}]} {
    %mul3A = arith.constant 2 : i32
    %mul3A_0 = arith.muli %arg1, %mul3A : i32
    %add3A = arith.addi %mul3A_0, %arg0 : i32
    %mul3A_1 = arith.constant 2048 : i32
    %mul3A_2 = arith.muli %add3A, %mul3A_1 : i32
    "tpu.region"() ({
      %run_scoped3A = tpu.sem_alloc : memref<!tpu.dma_semaphore, #tpu.memory_space<semaphore_mem>>
      tpu.enqueue_dma source(%arg2 : memref<2048xf32, #tpu.memory_space<hbm>>) target(%arg5 : memref<2048xf32, #tpu.memory_space<vmem>>) target_semaphore(%run_scoped3A : memref<!tpu.dma_semaphore, #tpu.memory_space<semaphore_mem>>)
      tpu.wait_dma2 semaphore(%run_scoped3A : memref<!tpu.dma_semaphore, #tpu.memory_space<semaphore_mem>>) src(%arg2 : memref<2048xf32, #tpu.memory_space<hbm>>) dst(%arg5 : memref<2048xf32, #tpu.memory_space<vmem>>)
      tpu.yield
    }) : () -> ()
    "tpu.region"() ({
      %run_scoped3A = tpu.sem_alloc : memref<!tpu.dma_semaphore, #tpu.memory_space<semaphore_mem>>
      %dma_start3A_180 = tpu.memref_slice %arg3[%mul3A_2] : memref<65536xi32, #tpu.memory_space<hbm>> -> memref<2048xi32, #tpu.memory_space<hbm>>
      %dma_start3A_181 = tpu.memref_slice %arg3[%mul3A_2] : memref<65536xi32, #tpu.memory_space<hbm>> -> memref<2048xi32, #tpu.memory_space<hbm>>
      tpu.enqueue_dma source(%dma_start3A_181 : memref<2048xi32, #tpu.memory_space<hbm>>) target(%arg6 : memref<2048xi32, #tpu.memory_space<vmem>>) target_semaphore(%run_scoped3A : memref<!tpu.dma_semaphore, #tpu.memory_space<semaphore_mem>>)
      %dma_wait3A_182 = tpu.memref_slice %arg3[%mul3A_2] : memref<65536xi32, #tpu.memory_space<hbm>> -> memref<2048xi32, #tpu.memory_space<hbm>>
      %dma_wait3A_183 = tpu.memref_slice %arg3[%mul3A_2] : memref<65536xi32, #tpu.memory_space<hbm>> -> memref<2048xi32, #tpu.memory_space<hbm>>
      tpu.wait_dma2 semaphore(%run_scoped3A : memref<!tpu.dma_semaphore, #tpu.memory_space<semaphore_mem>>) src(%dma_wait3A_183 : memref<2048xi32, #tpu.memory_space<hbm>>) dst(%arg6 : memref<2048xi32, #tpu.memory_space<vmem>>)
      tpu.yield
    }) : () -> ()
    %iota3A = tpu.iota {dimensions = array<i32: 0>} : vector<16xi32>
    %shift_right_arithmetic3A = arith.constant 2 : i32
    %shift_right_arithmetic3A_3 = vector.broadcast %shift_right_arithmetic3A : i32 to vector<16xi32>
    %shift_right_arithmetic3A_4 = arith.shrsi %iota3A, %shift_right_arithmetic3A_3 : vector<16xi32>
    %and3A = arith.constant 3 : i32
    %and3A_5 = vector.broadcast %and3A : i32 to vector<16xi32>
    %and3A_6 = arith.andi %iota3A, %and3A_5 : vector<16xi32>
    %parallel_loop3A = arith.constant 0 : i32
    %parallel_loop3A_7 = arith.constant 64 : i32
    %parallel_loop3A_8 = arith.constant 1 : i32
    scf.for %parallel_loop3A_180 = %parallel_loop3A to %parallel_loop3A_7 step %parallel_loop3A_8  : i32 {
      %parallel_loop3A_181 = arith.constant 32 : i32
      %parallel_loop3A_182 = arith.muli %parallel_loop3A_180, %parallel_loop3A_181 : i32
      %parallel_loop3A_183 = vector.broadcast %parallel_loop3A_182 : i32 to vector<16xi32>
      %parallel_loop3A_184 = arith.addi %parallel_loop3A_183, %shift_right_arithmetic3A_4 : vector<16xi32>
      %parallel_loop3A_185 = tpu.vector_load_idx %arg5[%parallel_loop3A_184] : memref<2048xf32, #tpu.memory_space<vmem>>[vector<16xi32>], vector<16xf32>,
      %parallel_loop3A_186 = arith.constant 4 : i32
      %parallel_loop3A_187 = arith.addi %parallel_loop3A_182, %parallel_loop3A_186 : i32
      %parallel_loop3A_188 = vector.broadcast %parallel_loop3A_187 : i32 to vector<16xi32>
      %parallel_loop3A_189 = arith.addi %parallel_loop3A_188, %and3A_6 : vector<16xi32>
      %parallel_loop3A_190 = tpu.vector_load_idx %arg5[%parallel_loop3A_189] : memref<2048xf32, #tpu.memory_space<vmem>>[vector<16xi32>], vector<16xf32>,
      %parallel_loop3A_191 = arith.mulf %parallel_loop3A_185, %parallel_loop3A_190 : vector<16xf32>
      %parallel_loop3A_192 = arith.constant 8 : i32
      %parallel_loop3A_193 = arith.addi %parallel_loop3A_182, %parallel_loop3A_192 : i32
      %parallel_loop3A_194 = vector.broadcast %parallel_loop3A_193 : i32 to vector<16xi32>
      %parallel_loop3A_195 = arith.addi %parallel_loop3A_194, %shift_right_arithmetic3A_4 : vector<16xi32>
      %parallel_loop3A_196 = tpu.vector_load_idx %arg5[%parallel_loop3A_195] : memref<2048xf32, #tpu.memory_space<vmem>>[vector<16xi32>], vector<16xf32>,
      %parallel_loop3A_197 = arith.constant 12 : i32
      %parallel_loop3A_198 = arith.addi %parallel_loop3A_182, %parallel_loop3A_197 : i32
      %parallel_loop3A_199 = vector.broadcast %parallel_loop3A_198 : i32 to vector<16xi32>
      %parallel_loop3A_200 = arith.addi %parallel_loop3A_199, %and3A_6 : vector<16xi32>
      %parallel_loop3A_201 = tpu.vector_load_idx %arg5[%parallel_loop3A_200] : memref<2048xf32, #tpu.memory_space<vmem>>[vector<16xi32>], vector<16xf32>,
      %parallel_loop3A_202 = arith.mulf %parallel_loop3A_196, %parallel_loop3A_201 : vector<16xf32>
      %parallel_loop3A_203 = arith.constant 16 : i32
      %parallel_loop3A_204 = arith.addi %parallel_loop3A_182, %parallel_loop3A_203 : i32
      %parallel_loop3A_205 = vector.broadcast %parallel_loop3A_204 : i32 to vector<16xi32>
      %parallel_loop3A_206 = arith.addi %parallel_loop3A_205, %shift_right_arithmetic3A_4 : vector<16xi32>
      %parallel_loop3A_207 = tpu.vector_load_idx %arg5[%parallel_loop3A_206] : memref<2048xf32, #tpu.memory_space<vmem>>[vector<16xi32>], vector<16xf32>,
      %parallel_loop3A_208 = arith.constant 20 : i32
      %parallel_loop3A_209 = arith.addi %parallel_loop3A_182, %parallel_loop3A_208 : i32
      %parallel_loop3A_210 = vector.broadcast %parallel_loop3A_209 : i32 to vector<16xi32>
      %parallel_loop3A_211 = arith.addi %parallel_loop3A_210, %and3A_6 : vector<16xi32>
      %parallel_loop3A_212 = tpu.vector_load_idx %arg5[%parallel_loop3A_211] : memref<2048xf32, #tpu.memory_space<vmem>>[vector<16xi32>], vector<16xf32>,
      %parallel_loop3A_213 = arith.mulf %parallel_loop3A_207, %parallel_loop3A_212 : vector<16xf32>
      %parallel_loop3A_214 = arith.constant 24 : i32
      %parallel_loop3A_215 = arith.addi %parallel_loop3A_182, %parallel_loop3A_214 : i32
      %parallel_loop3A_216 = vector.broadcast %parallel_loop3A_215 : i32 to vector<16xi32>
      %parallel_loop3A_217 = arith.addi %parallel_loop3A_216, %shift_right_arithmetic3A_4 : vector<16xi32>
      %parallel_loop3A_218 = tpu.vector_load_idx %arg5[%parallel_loop3A_217] : memref<2048xf32, #tpu.memory_space<vmem>>[vector<16xi32>], vector<16xf32>,
      %parallel_loop3A_219 = arith.constant 28 : i32
      %parallel_loop3A_220 = arith.addi %parallel_loop3A_182, %parallel_loop3A_219 : i32
      %parallel_loop3A_221 = vector.broadcast %parallel_loop3A_220 : i32 to vector<16xi32>
      %parallel_loop3A_222 = arith.addi %parallel_loop3A_221, %and3A_6 : vector<16xi32>
      %parallel_loop3A_223 = tpu.vector_load_idx %arg5[%parallel_loop3A_222] : memref<2048xf32, #tpu.memory_space<vmem>>[vector<16xi32>], vector<16xf32>,
      %parallel_loop3A_224 = arith.mulf %parallel_loop3A_218, %parallel_loop3A_223 : vector<16xf32>
      %parallel_loop3A_225 = arith.index_cast %parallel_loop3A_180 : i32 to index
      %parallel_loop3A_226 = arith.constant 16 : index
      %parallel_loop3A_227 = tpu.vector_load %arg9[%parallel_loop3A_225, %parallel_loop3A_226] {strides = array<i32>} : memref<64x32xf32, #tpu.memory_space<vmem>>, vector<16xf32>,
      tpu.vector_store %arg9[%parallel_loop3A_225, %parallel_loop3A_226], %parallel_loop3A_191 {strides = array<i32>} : memref<64x32xf32, #tpu.memory_space<vmem>>, vector<16xf32>,
      %parallel_loop3A_228 = arith.index_cast %parallel_loop3A_180 : i32 to index
      %parallel_loop3A_229 = arith.constant 16 : index
      %parallel_loop3A_230 = tpu.vector_load %arg10[%parallel_loop3A_228, %parallel_loop3A_229] {strides = array<i32>} : memref<64x32xf32, #tpu.memory_space<vmem>>, vector<16xf32>,
      tpu.vector_store %arg10[%parallel_loop3A_228, %parallel_loop3A_229], %parallel_loop3A_213 {strides = array<i32>} : memref<64x32xf32, #tpu.memory_space<vmem>>, vector<16xf32>,
      %parallel_loop3A_231 = arith.constant 256 : i32
      %parallel_loop3A_232 = arith.muli %parallel_loop3A_180, %parallel_loop3A_231 : i32
      %parallel_loop3A_233 = arith.constant 0 : i32
      %parallel_loop3A_234 = vector.broadcast %parallel_loop3A_233 : i32 to vector<16xi32>
      %parallel_loop3A_235 = vector.broadcast %parallel_loop3A_180 : i32 to vector<16xi32>
      %parallel_loop3A_236 = arith.addi %parallel_loop3A_234, %parallel_loop3A_235 : vector<16xi32>
      %parallel_loop3A_237 = arith.constant 16 : i32
      %parallel_loop3A_238 = vector.broadcast %parallel_loop3A_237 : i32 to vector<16xi32>
      %parallel_loop3A_239 = tpu.vector_load_idx %arg9[%parallel_loop3A_236, %parallel_loop3A_238] : memref<64x32xf32, #tpu.memory_space<vmem>>[vector<16xi32>, vector<16xi32>], vector<16xf32>,
      %parallel_loop3A_240 = arith.mulf %parallel_loop3A_239, %parallel_loop3A_202 : vector<16xf32>
      %parallel_loop3A_241 = arith.constant 0 : i32
      %parallel_loop3A_242 = arith.addi %parallel_loop3A_232, %parallel_loop3A_241 : i32
      %parallel_loop3A_243 = arith.index_cast %parallel_loop3A_242 : i32 to index
      %parallel_loop3A_244 = tpu.vector_load %arg7[%parallel_loop3A_243] {strides = array<i32>} : memref<16384xf32, #tpu.memory_space<vmem>>, vector<16xf32>,
      tpu.vector_store %arg7[%parallel_loop3A_243], %parallel_loop3A_240 {strides = array<i32>} : memref<16384xf32, #tpu.memory_space<vmem>>, vector<16xf32>,
      %parallel_loop3A_245 = arith.constant 16 : i32
      %parallel_loop3A_246 = vector.broadcast %parallel_loop3A_245 : i32 to vector<16xi32>
      %parallel_loop3A_247 = tpu.vector_load_idx %arg10[%parallel_loop3A_236, %parallel_loop3A_246] : memref<64x32xf32, #tpu.memory_space<vmem>>[vector<16xi32>, vector<16xi32>], vector<16xf32>,
      %parallel_loop3A_248 = arith.mulf %parallel_loop3A_247, %parallel_loop3A_224 : vector<16xf32>
      %parallel_loop3A_249 = arith.constant 0 : i32
      %parallel_loop3A_250 = arith.addi %parallel_loop3A_232, %parallel_loop3A_249 : i32
      %parallel_loop3A_251 = arith.index_cast %parallel_loop3A_250 : i32 to index
      %parallel_loop3A_252 = tpu.vector_load %arg8[%parallel_loop3A_251] {strides = array<i32>} : memref<16384xf32, #tpu.memory_space<vmem>>, vector<16xf32>,
      tpu.vector_store %arg8[%parallel_loop3A_251], %parallel_loop3A_248 {strides = array<i32>} : memref<16384xf32, #tpu.memory_space<vmem>>, vector<16xf32>,
      %parallel_loop3A_253 = arith.constant 17 : i32
      %parallel_loop3A_254 = vector.broadcast %parallel_loop3A_253 : i32 to vector<16xi32>
      %parallel_loop3A_255 = tpu.vector_load_idx %arg9[%parallel_loop3A_236, %parallel_loop3A_254] : memref<64x32xf32, #tpu.memory_space<vmem>>[vector<16xi32>, vector<16xi32>], vector<16xf32>,
      %parallel_loop3A_256 = arith.mulf %parallel_loop3A_255, %parallel_loop3A_202 : vector<16xf32>
      %parallel_loop3A_257 = arith.constant 16 : i32
      %parallel_loop3A_258 = arith.addi %parallel_loop3A_232, %parallel_loop3A_257 : i32
      %parallel_loop3A_259 = arith.index_cast %parallel_loop3A_258 : i32 to index
      %parallel_loop3A_260 = tpu.vector_load %arg7[%parallel_loop3A_259] {strides = array<i32>} : memref<16384xf32, #tpu.memory_space<vmem>>, vector<16xf32>,
      tpu.vector_store %arg7[%parallel_loop3A_259], %parallel_loop3A_256 {strides = array<i32>} : memref<16384xf32, #tpu.memory_space<vmem>>, vector<16xf32>,
      %parallel_loop3A_261 = arith.constant 17 : i32
      %parallel_loop3A_262 = vector.broadcast %parallel_loop3A_261 : i32 to vector<16xi32>
      %parallel_loop3A_263 = tpu.vector_load_idx %arg10[%parallel_loop3A_236, %parallel_loop3A_262] : memref<64x32xf32, #tpu.memory_space<vmem>>[vector<16xi32>, vector<16xi32>], vector<16xf32>,
      %parallel_loop3A_264 = arith.mulf %parallel_loop3A_263, %parallel_loop3A_224 : vector<16xf32>
      %parallel_loop3A_265 = arith.constant 16 : i32
      %parallel_loop3A_266 = arith.addi %parallel_loop3A_232, %parallel_loop3A_265 : i32
      %parallel_loop3A_267 = arith.index_cast %parallel_loop3A_266 : i32 to index
      %parallel_loop3A_268 = tpu.vector_load %arg8[%parallel_loop3A_267] {strides = array<i32>} : memref<16384xf32, #tpu.memory_space<vmem>>, vector<16xf32>,
      tpu.vector_store %arg8[%parallel_loop3A_267], %parallel_loop3A_264 {strides = array<i32>} : memref<16384xf32, #tpu.memory_space<vmem>>, vector<16xf32>,
      %parallel_loop3A_269 = arith.constant 18 : i32
      %parallel_loop3A_270 = vector.broadcast %parallel_loop3A_269 : i32 to vector<16xi32>
      %parallel_loop3A_271 = tpu.vector_load_idx %arg9[%parallel_loop3A_236, %parallel_loop3A_270] : memref<64x32xf32, #tpu.memory_space<vmem>>[vector<16xi32>, vector<16xi32>], vector<16xf32>,
      %parallel_loop3A_272 = arith.mulf %parallel_loop3A_271, %parallel_loop3A_202 : vector<16xf32>
      %parallel_loop3A_273 = arith.constant 32 : i32
      %parallel_loop3A_274 = arith.addi %parallel_loop3A_232, %parallel_loop3A_273 : i32
      %parallel_loop3A_275 = arith.index_cast %parallel_loop3A_274 : i32 to index
      %parallel_loop3A_276 = tpu.vector_load %arg7[%parallel_loop3A_275] {strides = array<i32>} : memref<16384xf32, #tpu.memory_space<vmem>>, vector<16xf32>,
      tpu.vector_store %arg7[%parallel_loop3A_275], %parallel_loop3A_272 {strides = array<i32>} : memref<16384xf32, #tpu.memory_space<vmem>>, vector<16xf32>,
      %parallel_loop3A_277 = arith.constant 18 : i32
      %parallel_loop3A_278 = vector.broadcast %parallel_loop3A_277 : i32 to vector<16xi32>
      %parallel_loop3A_279 = tpu.vector_load_idx %arg10[%parallel_loop3A_236, %parallel_loop3A_278] : memref<64x32xf32, #tpu.memory_space<vmem>>[vector<16xi32>, vector<16xi32>], vector<16xf32>,
      %parallel_loop3A_280 = arith.mulf %parallel_loop3A_279, %parallel_loop3A_224 : vector<16xf32>
      %parallel_loop3A_281 = arith.constant 32 : i32
      %parallel_loop3A_282 = arith.addi %parallel_loop3A_232, %parallel_loop3A_281 : i32
      %parallel_loop3A_283 = arith.index_cast %parallel_loop3A_282 : i32 to index
      %parallel_loop3A_284 = tpu.vector_load %arg8[%parallel_loop3A_283] {strides = array<i32>} : memref<16384xf32, #tpu.memory_space<vmem>>, vector<16xf32>,
      tpu.vector_store %arg8[%parallel_loop3A_283], %parallel_loop3A_280 {strides = array<i32>} : memref<16384xf32, #tpu.memory_space<vmem>>, vector<16xf32>,
      %parallel_loop3A_285 = arith.constant 19 : i32
      %parallel_loop3A_286 = vector.broadcast %parallel_loop3A_285 : i32 to vector<16xi32>
      %parallel_loop3A_287 = tpu.vector_load_idx %arg9[%parallel_loop3A_236, %parallel_loop3A_286] : memref<64x32xf32, #tpu.memory_space<vmem>>[vector<16xi32>, vector<16xi32>], vector<16xf32>,
      %parallel_loop3A_288 = arith.mulf %parallel_loop3A_287, %parallel_loop3A_202 : vector<16xf32>
      %parallel_loop3A_289 = arith.constant 48 : i32
      %parallel_loop3A_290 = arith.addi %parallel_loop3A_232, %parallel_loop3A_289 : i32
      %parallel_loop3A_291 = arith.index_cast %parallel_loop3A_290 : i32 to index
      %parallel_loop3A_292 = tpu.vector_load %arg7[%parallel_loop3A_291] {strides = array<i32>} : memref<16384xf32, #tpu.memory_space<vmem>>, vector<16xf32>,
      tpu.vector_store %arg7[%parallel_loop3A_291], %parallel_loop3A_288 {strides = array<i32>} : memref<16384xf32, #tpu.memory_space<vmem>>, vector<16xf32>,
      %parallel_loop3A_293 = arith.constant 19 : i32
      %parallel_loop3A_294 = vector.broadcast %parallel_loop3A_293 : i32 to vector<16xi32>
      %parallel_loop3A_295 = tpu.vector_load_idx %arg10[%parallel_loop3A_236, %parallel_loop3A_294] : memref<64x32xf32, #tpu.memory_space<vmem>>[vector<16xi32>, vector<16xi32>], vector<16xf32>,
      %parallel_loop3A_296 = arith.mulf %parallel_loop3A_295, %parallel_loop3A_224 : vector<16xf32>
      %parallel_loop3A_297 = arith.constant 48 : i32
      %parallel_loop3A_298 = arith.addi %parallel_loop3A_232, %parallel_loop3A_297 : i32
      %parallel_loop3A_299 = arith.index_cast %parallel_loop3A_298 : i32 to index
      %parallel_loop3A_300 = tpu.vector_load %arg8[%parallel_loop3A_299] {strides = array<i32>} : memref<16384xf32, #tpu.memory_space<vmem>>, vector<16xf32>,
      tpu.vector_store %arg8[%parallel_loop3A_299], %parallel_loop3A_296 {strides = array<i32>} : memref<16384xf32, #tpu.memory_space<vmem>>, vector<16xf32>,
      %parallel_loop3A_301 = arith.constant 20 : i32
      %parallel_loop3A_302 = vector.broadcast %parallel_loop3A_301 : i32 to vector<16xi32>
      %parallel_loop3A_303 = tpu.vector_load_idx %arg9[%parallel_loop3A_236, %parallel_loop3A_302] : memref<64x32xf32, #tpu.memory_space<vmem>>[vector<16xi32>, vector<16xi32>], vector<16xf32>,
      %parallel_loop3A_304 = arith.mulf %parallel_loop3A_303, %parallel_loop3A_202 : vector<16xf32>
      %parallel_loop3A_305 = arith.constant 64 : i32
      %parallel_loop3A_306 = arith.addi %parallel_loop3A_232, %parallel_loop3A_305 : i32
      %parallel_loop3A_307 = arith.index_cast %parallel_loop3A_306 : i32 to index
      %parallel_loop3A_308 = tpu.vector_load %arg7[%parallel_loop3A_307] {strides = array<i32>} : memref<16384xf32, #tpu.memory_space<vmem>>, vector<16xf32>,
      tpu.vector_store %arg7[%parallel_loop3A_307], %parallel_loop3A_304 {strides = array<i32>} : memref<16384xf32, #tpu.memory_space<vmem>>, vector<16xf32>,
      %parallel_loop3A_309 = arith.constant 20 : i32
      %parallel_loop3A_310 = vector.broadcast %parallel_loop3A_309 : i32 to vector<16xi32>
      %parallel_loop3A_311 = tpu.vector_load_idx %arg10[%parallel_loop3A_236, %parallel_loop3A_310] : memref<64x32xf32, #tpu.memory_space<vmem>>[vector<16xi32>, vector<16xi32>], vector<16xf32>,
      %parallel_loop3A_312 = arith.mulf %parallel_loop3A_311, %parallel_loop3A_224 : vector<16xf32>
      %parallel_loop3A_313 = arith.constant 64 : i32
      %parallel_loop3A_314 = arith.addi %parallel_loop3A_232, %parallel_loop3A_313 : i32
      %parallel_loop3A_315 = arith.index_cast %parallel_loop3A_314 : i32 to index
      %parallel_loop3A_316 = tpu.vector_load %arg8[%parallel_loop3A_315] {strides = array<i32>} : memref<16384xf32, #tpu.memory_space<vmem>>, vector<16xf32>,
      tpu.vector_store %arg8[%parallel_loop3A_315], %parallel_loop3A_312 {strides = array<i32>} : memref<16384xf32, #tpu.memory_space<vmem>>, vector<16xf32>,
      %parallel_loop3A_317 = arith.constant 21 : i32
      %parallel_loop3A_318 = vector.broadcast %parallel_loop3A_317 : i32 to vector<16xi32>
      %parallel_loop3A_319 = tpu.vector_load_idx %arg9[%parallel_loop3A_236, %parallel_loop3A_318] : memref<64x32xf32, #tpu.memory_space<vmem>>[vector<16xi32>, vector<16xi32>], vector<16xf32>,
      %parallel_loop3A_320 = arith.mulf %parallel_loop3A_319, %parallel_loop3A_202 : vector<16xf32>
      %parallel_loop3A_321 = arith.constant 80 : i32
      %parallel_loop3A_322 = arith.addi %parallel_loop3A_232, %parallel_loop3A_321 : i32
      %parallel_loop3A_323 = arith.index_cast %parallel_loop3A_322 : i32 to index
      %parallel_loop3A_324 = tpu.vector_load %arg7[%parallel_loop3A_323] {strides = array<i32>} : memref<16384xf32, #tpu.memory_space<vmem>>, vector<16xf32>,
      tpu.vector_store %arg7[%parallel_loop3A_323], %parallel_loop3A_320 {strides = array<i32>} : memref<16384xf32, #tpu.memory_space<vmem>>, vector<16xf32>,
      %parallel_loop3A_325 = arith.constant 21 : i32
      %parallel_loop3A_326 = vector.broadcast %parallel_loop3A_325 : i32 to vector<16xi32>
      %parallel_loop3A_327 = tpu.vector_load_idx %arg10[%parallel_loop3A_236, %parallel_loop3A_326] : memref<64x32xf32, #tpu.memory_space<vmem>>[vector<16xi32>, vector<16xi32>], vector<16xf32>,
      %parallel_loop3A_328 = arith.mulf %parallel_loop3A_327, %parallel_loop3A_224 : vector<16xf32>
      %parallel_loop3A_329 = arith.constant 80 : i32
      %parallel_loop3A_330 = arith.addi %parallel_loop3A_232, %parallel_loop3A_329 : i32
      %parallel_loop3A_331 = arith.index_cast %parallel_loop3A_330 : i32 to index
      %parallel_loop3A_332 = tpu.vector_load %arg8[%parallel_loop3A_331] {strides = array<i32>} : memref<16384xf32, #tpu.memory_space<vmem>>, vector<16xf32>,
      tpu.vector_store %arg8[%parallel_loop3A_331], %parallel_loop3A_328 {strides = array<i32>} : memref<16384xf32, #tpu.memory_space<vmem>>, vector<16xf32>,
      %parallel_loop3A_333 = arith.constant 22 : i32
      %parallel_loop3A_334 = vector.broadcast %parallel_loop3A_333 : i32 to vector<16xi32>
      %parallel_loop3A_335 = tpu.vector_load_idx %arg9[%parallel_loop3A_236, %parallel_loop3A_334] : memref<64x32xf32, #tpu.memory_space<vmem>>[vector<16xi32>, vector<16xi32>], vector<16xf32>,
      %parallel_loop3A_336 = arith.mulf %parallel_loop3A_335, %parallel_loop3A_202 : vector<16xf32>
      %parallel_loop3A_337 = arith.constant 96 : i32
      %parallel_loop3A_338 = arith.addi %parallel_loop3A_232, %parallel_loop3A_337 : i32
      %parallel_loop3A_339 = arith.index_cast %parallel_loop3A_338 : i32 to index
      %parallel_loop3A_340 = tpu.vector_load %arg7[%parallel_loop3A_339] {strides = array<i32>} : memref<16384xf32, #tpu.memory_space<vmem>>, vector<16xf32>,
      tpu.vector_store %arg7[%parallel_loop3A_339], %parallel_loop3A_336 {strides = array<i32>} : memref<16384xf32, #tpu.memory_space<vmem>>, vector<16xf32>,
      %parallel_loop3A_341 = arith.constant 22 : i32
      %parallel_loop3A_342 = vector.broadcast %parallel_loop3A_341 : i32 to vector<16xi32>
      %parallel_loop3A_343 = tpu.vector_load_idx %arg10[%parallel_loop3A_236, %parallel_loop3A_342] : memref<64x32xf32, #tpu.memory_space<vmem>>[vector<16xi32>, vector<16xi32>], vector<16xf32>,
      %parallel_loop3A_344 = arith.mulf %parallel_loop3A_343, %parallel_loop3A_224 : vector<16xf32>
      %parallel_loop3A_345 = arith.constant 96 : i32
      %parallel_loop3A_346 = arith.addi %parallel_loop3A_232, %parallel_loop3A_345 : i32
      %parallel_loop3A_347 = arith.index_cast %parallel_loop3A_346 : i32 to index
      %parallel_loop3A_348 = tpu.vector_load %arg8[%parallel_loop3A_347] {strides = array<i32>} : memref<16384xf32, #tpu.memory_space<vmem>>, vector<16xf32>,
      tpu.vector_store %arg8[%parallel_loop3A_347], %parallel_loop3A_344 {strides = array<i32>} : memref<16384xf32, #tpu.memory_space<vmem>>, vector<16xf32>,
      %parallel_loop3A_349 = arith.constant 23 : i32
      %parallel_loop3A_350 = vector.broadcast %parallel_loop3A_349 : i32 to vector<16xi32>
      %parallel_loop3A_351 = tpu.vector_load_idx %arg9[%parallel_loop3A_236, %parallel_loop3A_350] : memref<64x32xf32, #tpu.memory_space<vmem>>[vector<16xi32>, vector<16xi32>], vector<16xf32>,
      %parallel_loop3A_352 = arith.mulf %parallel_loop3A_351, %parallel_loop3A_202 : vector<16xf32>
      %parallel_loop3A_353 = arith.constant 112 : i32
      %parallel_loop3A_354 = arith.addi %parallel_loop3A_232, %parallel_loop3A_353 : i32
      %parallel_loop3A_355 = arith.index_cast %parallel_loop3A_354 : i32 to index
      %parallel_loop3A_356 = tpu.vector_load %arg7[%parallel_loop3A_355] {strides = array<i32>} : memref<16384xf32, #tpu.memory_space<vmem>>, vector<16xf32>,
      tpu.vector_store %arg7[%parallel_loop3A_355], %parallel_loop3A_352 {strides = array<i32>} : memref<16384xf32, #tpu.memory_space<vmem>>, vector<16xf32>,
      %parallel_loop3A_357 = arith.constant 23 : i32
      %parallel_loop3A_358 = vector.broadcast %parallel_loop3A_357 : i32 to vector<16xi32>
      %parallel_loop3A_359 = tpu.vector_load_idx %arg10[%parallel_loop3A_236, %parallel_loop3A_358] : memref<64x32xf32, #tpu.memory_space<vmem>>[vector<16xi32>, vector<16xi32>], vector<16xf32>,
      %parallel_loop3A_360 = arith.mulf %parallel_loop3A_359, %parallel_loop3A_224 : vector<16xf32>
      %parallel_loop3A_361 = arith.constant 112 : i32
      %parallel_loop3A_362 = arith.addi %parallel_loop3A_232, %parallel_loop3A_361 : i32
      %parallel_loop3A_363 = arith.index_cast %parallel_loop3A_362 : i32 to index
      %parallel_loop3A_364 = tpu.vector_load %arg8[%parallel_loop3A_363] {strides = array<i32>} : memref<16384xf32, #tpu.memory_space<vmem>>, vector<16xf32>,
      tpu.vector_store %arg8[%parallel_loop3A_363], %parallel_loop3A_360 {strides = array<i32>} : memref<16384xf32, #tpu.memory_space<vmem>>, vector<16xf32>,
      %parallel_loop3A_365 = arith.constant 24 : i32
      %parallel_loop3A_366 = vector.broadcast %parallel_loop3A_365 : i32 to vector<16xi32>
      %parallel_loop3A_367 = tpu.vector_load_idx %arg9[%parallel_loop3A_236, %parallel_loop3A_366] : memref<64x32xf32, #tpu.memory_space<vmem>>[vector<16xi32>, vector<16xi32>], vector<16xf32>,
      %parallel_loop3A_368 = arith.mulf %parallel_loop3A_367, %parallel_loop3A_202 : vector<16xf32>
      %parallel_loop3A_369 = arith.constant 128 : i32
      %parallel_loop3A_370 = arith.addi %parallel_loop3A_232, %parallel_loop3A_369 : i32
      %parallel_loop3A_371 = arith.index_cast %parallel_loop3A_370 : i32 to index
      %parallel_loop3A_372 = tpu.vector_load %arg7[%parallel_loop3A_371] {strides = array<i32>} : memref<16384xf32, #tpu.memory_space<vmem>>, vector<16xf32>,
      tpu.vector_store %arg7[%parallel_loop3A_371], %parallel_loop3A_368 {strides = array<i32>} : memref<16384xf32, #tpu.memory_space<vmem>>, vector<16xf32>,
      %parallel_loop3A_373 = arith.constant 24 : i32
      %parallel_loop3A_374 = vector.broadcast %parallel_loop3A_373 : i32 to vector<16xi32>
      %parallel_loop3A_375 = tpu.vector_load_idx %arg10[%parallel_loop3A_236, %parallel_loop3A_374] : memref<64x32xf32, #tpu.memory_space<vmem>>[vector<16xi32>, vector<16xi32>], vector<16xf32>,
      %parallel_loop3A_376 = arith.mulf %parallel_loop3A_375, %parallel_loop3A_224 : vector<16xf32>
      %parallel_loop3A_377 = arith.constant 128 : i32
      %parallel_loop3A_378 = arith.addi %parallel_loop3A_232, %parallel_loop3A_377 : i32
      %parallel_loop3A_379 = arith.index_cast %parallel_loop3A_378 : i32 to index
      %parallel_loop3A_380 = tpu.vector_load %arg8[%parallel_loop3A_379] {strides = array<i32>} : memref<16384xf32, #tpu.memory_space<vmem>>, vector<16xf32>,
      tpu.vector_store %arg8[%parallel_loop3A_379], %parallel_loop3A_376 {strides = array<i32>} : memref<16384xf32, #tpu.memory_space<vmem>>, vector<16xf32>,
      %parallel_loop3A_381 = arith.constant 25 : i32
      %parallel_loop3A_382 = vector.broadcast %parallel_loop3A_381 : i32 to vector<16xi32>
      %parallel_loop3A_383 = tpu.vector_load_idx %arg9[%parallel_loop3A_236, %parallel_loop3A_382] : memref<64x32xf32, #tpu.memory_space<vmem>>[vector<16xi32>, vector<16xi32>], vector<16xf32>,
      %parallel_loop3A_384 = arith.mulf %parallel_loop3A_383, %parallel_loop3A_202 : vector<16xf32>
      %parallel_loop3A_385 = arith.constant 144 : i32
      %parallel_loop3A_386 = arith.addi %parallel_loop3A_232, %parallel_loop3A_385 : i32
      %parallel_loop3A_387 = arith.index_cast %parallel_loop3A_386 : i32 to index
      %parallel_loop3A_388 = tpu.vector_load %arg7[%parallel_loop3A_387] {strides = array<i32>} : memref<16384xf32, #tpu.memory_space<vmem>>, vector<16xf32>,
      tpu.vector_store %arg7[%parallel_loop3A_387], %parallel_loop3A_384 {strides = array<i32>} : memref<16384xf32, #tpu.memory_space<vmem>>, vector<16xf32>,
      %parallel_loop3A_389 = arith.constant 25 : i32
      %parallel_loop3A_390 = vector.broadcast %parallel_loop3A_389 : i32 to vector<16xi32>
      %parallel_loop3A_391 = tpu.vector_load_idx %arg10[%parallel_loop3A_236, %parallel_loop3A_390] : memref<64x32xf32, #tpu.memory_space<vmem>>[vector<16xi32>, vector<16xi32>], vector<16xf32>,
      %parallel_loop3A_392 = arith.mulf %parallel_loop3A_391, %parallel_loop3A_224 : vector<16xf32>
      %parallel_loop3A_393 = arith.constant 144 : i32
      %parallel_loop3A_394 = arith.addi %parallel_loop3A_232, %parallel_loop3A_393 : i32
      %parallel_loop3A_395 = arith.index_cast %parallel_loop3A_394 : i32 to index
      %parallel_loop3A_396 = tpu.vector_load %arg8[%parallel_loop3A_395] {strides = array<i32>} : memref<16384xf32, #tpu.memory_space<vmem>>, vector<16xf32>,
      tpu.vector_store %arg8[%parallel_loop3A_395], %parallel_loop3A_392 {strides = array<i32>} : memref<16384xf32, #tpu.memory_space<vmem>>, vector<16xf32>,
      %parallel_loop3A_397 = arith.constant 26 : i32
      %parallel_loop3A_398 = vector.broadcast %parallel_loop3A_397 : i32 to vector<16xi32>
      %parallel_loop3A_399 = tpu.vector_load_idx %arg9[%parallel_loop3A_236, %parallel_loop3A_398] : memref<64x32xf32, #tpu.memory_space<vmem>>[vector<16xi32>, vector<16xi32>], vector<16xf32>,
      %parallel_loop3A_400 = arith.mulf %parallel_loop3A_399, %parallel_loop3A_202 : vector<16xf32>
      %parallel_loop3A_401 = arith.constant 160 : i32
      %parallel_loop3A_402 = arith.addi %parallel_loop3A_232, %parallel_loop3A_401 : i32
      %parallel_loop3A_403 = arith.index_cast %parallel_loop3A_402 : i32 to index
      %parallel_loop3A_404 = tpu.vector_load %arg7[%parallel_loop3A_403] {strides = array<i32>} : memref<16384xf32, #tpu.memory_space<vmem>>, vector<16xf32>,
      tpu.vector_store %arg7[%parallel_loop3A_403], %parallel_loop3A_400 {strides = array<i32>} : memref<16384xf32, #tpu.memory_space<vmem>>, vector<16xf32>,
      %parallel_loop3A_405 = arith.constant 26 : i32
      %parallel_loop3A_406 = vector.broadcast %parallel_loop3A_405 : i32 to vector<16xi32>
      %parallel_loop3A_407 = tpu.vector_load_idx %arg10[%parallel_loop3A_236, %parallel_loop3A_406] : memref<64x32xf32, #tpu.memory_space<vmem>>[vector<16xi32>, vector<16xi32>], vector<16xf32>,
      %parallel_loop3A_408 = arith.mulf %parallel_loop3A_407, %parallel_loop3A_224 : vector<16xf32>
      %parallel_loop3A_409 = arith.constant 160 : i32
      %parallel_loop3A_410 = arith.addi %parallel_loop3A_232, %parallel_loop3A_409 : i32
      %parallel_loop3A_411 = arith.index_cast %parallel_loop3A_410 : i32 to index
      %parallel_loop3A_412 = tpu.vector_load %arg8[%parallel_loop3A_411] {strides = array<i32>} : memref<16384xf32, #tpu.memory_space<vmem>>, vector<16xf32>,
      tpu.vector_store %arg8[%parallel_loop3A_411], %parallel_loop3A_408 {strides = array<i32>} : memref<16384xf32, #tpu.memory_space<vmem>>, vector<16xf32>,
      %parallel_loop3A_413 = arith.constant 27 : i32
      %parallel_loop3A_414 = vector.broadcast %parallel_loop3A_413 : i32 to vector<16xi32>
      %parallel_loop3A_415 = tpu.vector_load_idx %arg9[%parallel_loop3A_236, %parallel_loop3A_414] : memref<64x32xf32, #tpu.memory_space<vmem>>[vector<16xi32>, vector<16xi32>], vector<16xf32>,
      %parallel_loop3A_416 = arith.mulf %parallel_loop3A_415, %parallel_loop3A_202 : vector<16xf32>
      %parallel_loop3A_417 = arith.constant 176 : i32
      %parallel_loop3A_418 = arith.addi %parallel_loop3A_232, %parallel_loop3A_417 : i32
      %parallel_loop3A_419 = arith.index_cast %parallel_loop3A_418 : i32 to index
      %parallel_loop3A_420 = tpu.vector_load %arg7[%parallel_loop3A_419] {strides = array<i32>} : memref<16384xf32, #tpu.memory_space<vmem>>, vector<16xf32>,
      tpu.vector_store %arg7[%parallel_loop3A_419], %parallel_loop3A_416 {strides = array<i32>} : memref<16384xf32, #tpu.memory_space<vmem>>, vector<16xf32>,
      %parallel_loop3A_421 = arith.constant 27 : i32
      %parallel_loop3A_422 = vector.broadcast %parallel_loop3A_421 : i32 to vector<16xi32>
      %parallel_loop3A_423 = tpu.vector_load_idx %arg10[%parallel_loop3A_236, %parallel_loop3A_422] : memref<64x32xf32, #tpu.memory_space<vmem>>[vector<16xi32>, vector<16xi32>], vector<16xf32>,
      %parallel_loop3A_424 = arith.mulf %parallel_loop3A_423, %parallel_loop3A_224 : vector<16xf32>
      %parallel_loop3A_425 = arith.constant 176 : i32
      %parallel_loop3A_426 = arith.addi %parallel_loop3A_232, %parallel_loop3A_425 : i32
      %parallel_loop3A_427 = arith.index_cast %parallel_loop3A_426 : i32 to index
      %parallel_loop3A_428 = tpu.vector_load %arg8[%parallel_loop3A_427] {strides = array<i32>} : memref<16384xf32, #tpu.memory_space<vmem>>, vector<16xf32>,
      tpu.vector_store %arg8[%parallel_loop3A_427], %parallel_loop3A_424 {strides = array<i32>} : memref<16384xf32, #tpu.memory_space<vmem>>, vector<16xf32>,
      %parallel_loop3A_429 = arith.constant 28 : i32
      %parallel_loop3A_430 = vector.broadcast %parallel_loop3A_429 : i32 to vector<16xi32>
      %parallel_loop3A_431 = tpu.vector_load_idx %arg9[%parallel_loop3A_236, %parallel_loop3A_430] : memref<64x32xf32, #tpu.memory_space<vmem>>[vector<16xi32>, vector<16xi32>], vector<16xf32>,
      %parallel_loop3A_432 = arith.mulf %parallel_loop3A_431, %parallel_loop3A_202 : vector<16xf32>
      %parallel_loop3A_433 = arith.constant 192 : i32
      %parallel_loop3A_434 = arith.addi %parallel_loop3A_232, %parallel_loop3A_433 : i32
      %parallel_loop3A_435 = arith.index_cast %parallel_loop3A_434 : i32 to index
      %parallel_loop3A_436 = tpu.vector_load %arg7[%parallel_loop3A_435] {strides = array<i32>} : memref<16384xf32, #tpu.memory_space<vmem>>, vector<16xf32>,
      tpu.vector_store %arg7[%parallel_loop3A_435], %parallel_loop3A_432 {strides = array<i32>} : memref<16384xf32, #tpu.memory_space<vmem>>, vector<16xf32>,
      %parallel_loop3A_437 = arith.constant 28 : i32
      %parallel_loop3A_438 = vector.broadcast %parallel_loop3A_437 : i32 to vector<16xi32>
      %parallel_loop3A_439 = tpu.vector_load_idx %arg10[%parallel_loop3A_236, %parallel_loop3A_438] : memref<64x32xf32, #tpu.memory_space<vmem>>[vector<16xi32>, vector<16xi32>], vector<16xf32>,
      %parallel_loop3A_440 = arith.mulf %parallel_loop3A_439, %parallel_loop3A_224 : vector<16xf32>
      %parallel_loop3A_441 = arith.constant 192 : i32
      %parallel_loop3A_442 = arith.addi %parallel_loop3A_232, %parallel_loop3A_441 : i32
      %parallel_loop3A_443 = arith.index_cast %parallel_loop3A_442 : i32 to index
      %parallel_loop3A_444 = tpu.vector_load %arg8[%parallel_loop3A_443] {strides = array<i32>} : memref<16384xf32, #tpu.memory_space<vmem>>, vector<16xf32>,
      tpu.vector_store %arg8[%parallel_loop3A_443], %parallel_loop3A_440 {strides = array<i32>} : memref<16384xf32, #tpu.memory_space<vmem>>, vector<16xf32>,
      %parallel_loop3A_445 = arith.constant 29 : i32
      %parallel_loop3A_446 = vector.broadcast %parallel_loop3A_445 : i32 to vector<16xi32>
      %parallel_loop3A_447 = tpu.vector_load_idx %arg9[%parallel_loop3A_236, %parallel_loop3A_446] : memref<64x32xf32, #tpu.memory_space<vmem>>[vector<16xi32>, vector<16xi32>], vector<16xf32>,
      %parallel_loop3A_448 = arith.mulf %parallel_loop3A_447, %parallel_loop3A_202 : vector<16xf32>
      %parallel_loop3A_449 = arith.constant 208 : i32
      %parallel_loop3A_450 = arith.addi %parallel_loop3A_232, %parallel_loop3A_449 : i32
      %parallel_loop3A_451 = arith.index_cast %parallel_loop3A_450 : i32 to index
      %parallel_loop3A_452 = tpu.vector_load %arg7[%parallel_loop3A_451] {strides = array<i32>} : memref<16384xf32, #tpu.memory_space<vmem>>, vector<16xf32>,
      tpu.vector_store %arg7[%parallel_loop3A_451], %parallel_loop3A_448 {strides = array<i32>} : memref<16384xf32, #tpu.memory_space<vmem>>, vector<16xf32>,
      %parallel_loop3A_453 = arith.constant 29 : i32
      %parallel_loop3A_454 = vector.broadcast %parallel_loop3A_453 : i32 to vector<16xi32>
      %parallel_loop3A_455 = tpu.vector_load_idx %arg10[%parallel_loop3A_236, %parallel_loop3A_454] : memref<64x32xf32, #tpu.memory_space<vmem>>[vector<16xi32>, vector<16xi32>], vector<16xf32>,
      %parallel_loop3A_456 = arith.mulf %parallel_loop3A_455, %parallel_loop3A_224 : vector<16xf32>
      %parallel_loop3A_457 = arith.constant 208 : i32
      %parallel_loop3A_458 = arith.addi %parallel_loop3A_232, %parallel_loop3A_457 : i32
      %parallel_loop3A_459 = arith.index_cast %parallel_loop3A_458 : i32 to index
      %parallel_loop3A_460 = tpu.vector_load %arg8[%parallel_loop3A_459] {strides = array<i32>} : memref<16384xf32, #tpu.memory_space<vmem>>, vector<16xf32>,
      tpu.vector_store %arg8[%parallel_loop3A_459], %parallel_loop3A_456 {strides = array<i32>} : memref<16384xf32, #tpu.memory_space<vmem>>, vector<16xf32>,
      %parallel_loop3A_461 = arith.constant 30 : i32
      %parallel_loop3A_462 = vector.broadcast %parallel_loop3A_461 : i32 to vector<16xi32>
      %parallel_loop3A_463 = tpu.vector_load_idx %arg9[%parallel_loop3A_236, %parallel_loop3A_462] : memref<64x32xf32, #tpu.memory_space<vmem>>[vector<16xi32>, vector<16xi32>], vector<16xf32>,
      %parallel_loop3A_464 = arith.mulf %parallel_loop3A_463, %parallel_loop3A_202 : vector<16xf32>
      %parallel_loop3A_465 = arith.constant 224 : i32
      %parallel_loop3A_466 = arith.addi %parallel_loop3A_232, %parallel_loop3A_465 : i32
      %parallel_loop3A_467 = arith.index_cast %parallel_loop3A_466 : i32 to index
      %parallel_loop3A_468 = tpu.vector_load %arg7[%parallel_loop3A_467] {strides = array<i32>} : memref<16384xf32, #tpu.memory_space<vmem>>, vector<16xf32>,
      tpu.vector_store %arg7[%parallel_loop3A_467], %parallel_loop3A_464 {strides = array<i32>} : memref<16384xf32, #tpu.memory_space<vmem>>, vector<16xf32>,
      %parallel_loop3A_469 = arith.constant 30 : i32
      %parallel_loop3A_470 = vector.broadcast %parallel_loop3A_469 : i32 to vector<16xi32>
      %parallel_loop3A_471 = tpu.vector_load_idx %arg10[%parallel_loop3A_236, %parallel_loop3A_470] : memref<64x32xf32, #tpu.memory_space<vmem>>[vector<16xi32>, vector<16xi32>], vector<16xf32>,
      %parallel_loop3A_472 = arith.mulf %parallel_loop3A_471, %parallel_loop3A_224 : vector<16xf32>
      %parallel_loop3A_473 = arith.constant 224 : i32
      %parallel_loop3A_474 = arith.addi %parallel_loop3A_232, %parallel_loop3A_473 : i32
      %parallel_loop3A_475 = arith.index_cast %parallel_loop3A_474 : i32 to index
      %parallel_loop3A_476 = tpu.vector_load %arg8[%parallel_loop3A_475] {strides = array<i32>} : memref<16384xf32, #tpu.memory_space<vmem>>, vector<16xf32>,
      tpu.vector_store %arg8[%parallel_loop3A_475], %parallel_loop3A_472 {strides = array<i32>} : memref<16384xf32, #tpu.memory_space<vmem>>, vector<16xf32>,
      %parallel_loop3A_477 = arith.constant 31 : i32
      %parallel_loop3A_478 = vector.broadcast %parallel_loop3A_477 : i32 to vector<16xi32>
      %parallel_loop3A_479 = tpu.vector_load_idx %arg9[%parallel_loop3A_236, %parallel_loop3A_478] : memref<64x32xf32, #tpu.memory_space<vmem>>[vector<16xi32>, vector<16xi32>], vector<16xf32>,
      %parallel_loop3A_480 = arith.mulf %parallel_loop3A_479, %parallel_loop3A_202 : vector<16xf32>
      %parallel_loop3A_481 = arith.constant 240 : i32
      %parallel_loop3A_482 = arith.addi %parallel_loop3A_232, %parallel_loop3A_481 : i32
      %parallel_loop3A_483 = arith.index_cast %parallel_loop3A_482 : i32 to index
      %parallel_loop3A_484 = tpu.vector_load %arg7[%parallel_loop3A_483] {strides = array<i32>} : memref<16384xf32, #tpu.memory_space<vmem>>, vector<16xf32>,
      tpu.vector_store %arg7[%parallel_loop3A_483], %parallel_loop3A_480 {strides = array<i32>} : memref<16384xf32, #tpu.memory_space<vmem>>, vector<16xf32>,
      %parallel_loop3A_485 = arith.constant 31 : i32
      %parallel_loop3A_486 = vector.broadcast %parallel_loop3A_485 : i32 to vector<16xi32>
      %parallel_loop3A_487 = tpu.vector_load_idx %arg10[%parallel_loop3A_236, %parallel_loop3A_486] : memref<64x32xf32, #tpu.memory_space<vmem>>[vector<16xi32>, vector<16xi32>], vector<16xf32>,
      %parallel_loop3A_488 = arith.mulf %parallel_loop3A_487, %parallel_loop3A_224 : vector<16xf32>
      %parallel_loop3A_489 = arith.constant 240 : i32
      %parallel_loop3A_490 = arith.addi %parallel_loop3A_232, %parallel_loop3A_489 : i32
      %parallel_loop3A_491 = arith.index_cast %parallel_loop3A_490 : i32 to index
      %parallel_loop3A_492 = tpu.vector_load %arg8[%parallel_loop3A_491] {strides = array<i32>} : memref<16384xf32, #tpu.memory_space<vmem>>, vector<16xf32>,
      tpu.vector_store %arg8[%parallel_loop3A_491], %parallel_loop3A_488 {strides = array<i32>} : memref<16384xf32, #tpu.memory_space<vmem>>, vector<16xf32>,
    } {sc.loop_unroll_factor = 4 : i64, sc.parallel_access}
    %parallel_loop3A_9 = arith.constant 0 : i32
    %parallel_loop3A_10 = arith.constant 32 : i32
    %parallel_loop3A_11 = arith.constant 1 : i32
    scf.for %parallel_loop3A_180 = %parallel_loop3A_9 to %parallel_loop3A_10 step %parallel_loop3A_11  : i32 {
      %parallel_loop3A_181 = arith.constant 16 : i32
      %parallel_loop3A_182 = arith.muli %parallel_loop3A_180, %parallel_loop3A_181 : i32
      %parallel_loop3A_183 = arith.constant 0 : i32
      %parallel_loop3A_184 = arith.addi %parallel_loop3A_183, %parallel_loop3A_182 : i32
      %parallel_loop3A_185 = arith.index_cast %parallel_loop3A_184 : i32 to index
      %parallel_loop3A_186 = tpu.vector_load %arg6[%parallel_loop3A_185] {strides = array<i32>} : memref<2048xi32, #tpu.memory_space<vmem>>, vector<16xi32>,
      %parallel_loop3A_187 = arith.constant 8 : i32
      %parallel_loop3A_188 = vector.broadcast %parallel_loop3A_187 : i32 to vector<16xi32>
      %parallel_loop3A_189 = arith.shrsi %parallel_loop3A_186, %parallel_loop3A_188 : vector<16xi32>
      %parallel_loop3A_190 = arith.constant 255 : i32
      %parallel_loop3A_191 = vector.broadcast %parallel_loop3A_190 : i32 to vector<16xi32>
      %parallel_loop3A_192 = arith.andi %parallel_loop3A_189, %parallel_loop3A_191 : vector<16xi32>
      %parallel_loop3A_193 = arith.constant 255 : i32
      %parallel_loop3A_194 = vector.broadcast %parallel_loop3A_193 : i32 to vector<16xi32>
      %parallel_loop3A_195 = arith.andi %parallel_loop3A_186, %parallel_loop3A_194 : vector<16xi32>
      %parallel_loop3A_196 = arith.constant 3 : i32
      %parallel_loop3A_197 = arith.shrsi %parallel_loop3A_180, %parallel_loop3A_196 : i32
      %parallel_loop3A_198 = arith.constant 7 : i32
      %parallel_loop3A_199 = arith.andi %parallel_loop3A_180, %parallel_loop3A_198 : i32
      %parallel_loop3A_200 = arith.constant 16 : i32
      %parallel_loop3A_201 = arith.muli %parallel_loop3A_199, %parallel_loop3A_200 : i32
      %parallel_loop3A_202 = arith.constant 0 : i32
      %parallel_loop3A_203 = arith.constant 64 : i32
      %parallel_loop3A_204 = arith.constant 1 : i32
      scf.for %parallel_loop3A_205 = %parallel_loop3A_202 to %parallel_loop3A_203 step %parallel_loop3A_204  : i32 {
        %parallel_loop3A_206 = arith.constant 256 : i32
        %parallel_loop3A_207 = arith.muli %parallel_loop3A_205, %parallel_loop3A_206 : i32
        %parallel_loop3A_208 = vector.broadcast %parallel_loop3A_207 : i32 to vector<16xi32>
        %parallel_loop3A_209 = arith.addi %parallel_loop3A_192, %parallel_loop3A_208 : vector<16xi32>
        %parallel_loop3A_210 = tpu.vector_load_idx %arg7[%parallel_loop3A_209] : memref<16384xf32, #tpu.memory_space<vmem>>[vector<16xi32>], vector<16xf32>,
        %parallel_loop3A_211 = arith.constant 256 : i32
        %parallel_loop3A_212 = arith.muli %parallel_loop3A_205, %parallel_loop3A_211 : i32
        %parallel_loop3A_213 = vector.broadcast %parallel_loop3A_212 : i32 to vector<16xi32>
        %parallel_loop3A_214 = arith.addi %parallel_loop3A_195, %parallel_loop3A_213 : vector<16xi32>
        %parallel_loop3A_215 = tpu.vector_load_idx %arg8[%parallel_loop3A_214] : memref<16384xf32, #tpu.memory_space<vmem>>[vector<16xi32>], vector<16xf32>,
        %parallel_loop3A_216 = arith.mulf %parallel_loop3A_210, %parallel_loop3A_215 : vector<16xf32>
        %parallel_loop3A_217 = arith.constant 3 : i32
        %parallel_loop3A_218 = arith.shrsi %parallel_loop3A_205, %parallel_loop3A_217 : i32
        %parallel_loop3A_219 = arith.constant 7 : i32
        %parallel_loop3A_220 = arith.andi %parallel_loop3A_205, %parallel_loop3A_219 : i32
        %parallel_loop3A_221 = arith.index_cast %parallel_loop3A_218 : i32 to index
        %parallel_loop3A_222 = arith.index_cast %parallel_loop3A_197 : i32 to index
        %parallel_loop3A_223 = arith.index_cast %parallel_loop3A_220 : i32 to index
        %parallel_loop3A_224 = arith.index_cast %parallel_loop3A_201 : i32 to index
        %parallel_loop3A_225 = tpu.vector_load %arg11[%parallel_loop3A_221, %parallel_loop3A_222, %parallel_loop3A_223, %parallel_loop3A_224] {strides = array<i32>} : memref<8x4x8x128xf32, #tpu.memory_space<vmem>>, vector<16xf32>,
        tpu.vector_store %arg11[%parallel_loop3A_221, %parallel_loop3A_222, %parallel_loop3A_223, %parallel_loop3A_224], %parallel_loop3A_216 {strides = array<i32>} : memref<8x4x8x128xf32, #tpu.memory_space<vmem>>, vector<16xf32>,
      } {sc.loop_unroll_factor = 16 : i64, sc.parallel_access}
    } {sc.loop_unroll_factor = 2 : i64, sc.parallel_access}
    %add3A_12 = arith.constant 0 : i32
    %add3A_13 = arith.addi %mul3A_2, %add3A_12 : i32
    %jit3A = arith.constant 128 : i32
    %div3A = arith.divsi %add3A_13, %jit3A : i32
    %sign3A = arith.constant 0 : i32
    %sign3A_14 = arith.cmpi sgt, %add3A_13, %sign3A : i32
    %sign3A_15 = arith.extui %sign3A_14 : i1 to i32
    %sign3A_16 = arith.constant 0 : i32
    %sign3A_17 = arith.cmpi slt, %add3A_13, %sign3A_16 : i32
    %sign3A_18 = arith.extui %sign3A_17 : i1 to i32
    %sign3A_19 = arith.subi %sign3A_15, %sign3A_18 : i32
    %sign3A_20 = arith.constant 0 : i32
    %sign3A_21 = arith.cmpi sgt, %jit3A, %sign3A_20 : i32
    %sign3A_22 = arith.extui %sign3A_21 : i1 to i32
    %sign3A_23 = arith.constant 0 : i32
    %sign3A_24 = arith.cmpi slt, %jit3A, %sign3A_23 : i32
    %sign3A_25 = arith.extui %sign3A_24 : i1 to i32
    %sign3A_26 = arith.subi %sign3A_22, %sign3A_25 : i32
    %ne3A = arith.cmpi ne, %sign3A_19, %sign3A_26 : i32
    %rem3A = arith.remsi %add3A_13, %jit3A : i32
    %ne3A_27 = arith.constant 0 : i32
    %ne3A_28 = arith.cmpi ne, %rem3A, %ne3A_27 : i32
    %and3A_29 = arith.andi %ne3A, %ne3A_28 : i1
    %sub3A = arith.constant 1 : i32
    %sub3A_30 = arith.subi %div3A, %sub3A : i32
    %select_n3A = arith.select %and3A_29, %sub3A_30, %div3A : i32
    %dma_start3A = arith.constant 0 : i32
    %dma_start3A_31 = arith.constant 0 : i32
    %dma_start3A_32 = arith.constant 0 : i32
    %dma_start3A_33 = tpu.memref_slice %arg4[%dma_start3A, %select_n3A, %dma_start3A_31, %dma_start3A_32] : memref<8x512x8x128xf32, #tpu.memory_space<hbm>> -> memref<8x4x8x128xf32, #tpu.memory_space<hbm>>
    %dma_start3A_34 = arith.constant 0 : i32
    %dma_start3A_35 = arith.constant 0 : i32
    %dma_start3A_36 = arith.constant 0 : i32
    %dma_start3A_37 = tpu.memref_slice %arg4[%dma_start3A_34, %select_n3A, %dma_start3A_35, %dma_start3A_36] : memref<8x512x8x128xf32, #tpu.memory_space<hbm>> -> memref<8x4x8x128xf32, #tpu.memory_space<hbm>>
    tpu.enqueue_dma source(%arg11 : memref<8x4x8x128xf32, #tpu.memory_space<vmem>>) target(%dma_start3A_37 : memref<8x4x8x128xf32, #tpu.memory_space<hbm>>) target_semaphore(%arg13 : memref<!tpu.dma_semaphore, #tpu.memory_space<semaphore_mem>>)
    %parallel_loop3A_38 = arith.constant 0 : i32
    %parallel_loop3A_39 = arith.constant 32 : i32
    %parallel_loop3A_40 = arith.constant 1 : i32
    scf.for %parallel_loop3A_180 = %parallel_loop3A_38 to %parallel_loop3A_39 step %parallel_loop3A_40  : i32 {
      %parallel_loop3A_181 = arith.constant 16 : i32
      %parallel_loop3A_182 = arith.muli %parallel_loop3A_180, %parallel_loop3A_181 : i32
      %parallel_loop3A_183 = arith.constant 512 : i32
      %parallel_loop3A_184 = arith.addi %parallel_loop3A_183, %parallel_loop3A_182 : i32
      %parallel_loop3A_185 = arith.index_cast %parallel_loop3A_184 : i32 to index
      %parallel_loop3A_186 = tpu.vector_load %arg6[%parallel_loop3A_185] {strides = array<i32>} : memref<2048xi32, #tpu.memory_space<vmem>>, vector<16xi32>,
      %parallel_loop3A_187 = arith.constant 8 : i32
      %parallel_loop3A_188 = vector.broadcast %parallel_loop3A_187 : i32 to vector<16xi32>
      %parallel_loop3A_189 = arith.shrsi %parallel_loop3A_186, %parallel_loop3A_188 : vector<16xi32>
      %parallel_loop3A_190 = arith.constant 255 : i32
      %parallel_loop3A_191 = vector.broadcast %parallel_loop3A_190 : i32 to vector<16xi32>
      %parallel_loop3A_192 = arith.andi %parallel_loop3A_189, %parallel_loop3A_191 : vector<16xi32>
      %parallel_loop3A_193 = arith.constant 255 : i32
      %parallel_loop3A_194 = vector.broadcast %parallel_loop3A_193 : i32 to vector<16xi32>
      %parallel_loop3A_195 = arith.andi %parallel_loop3A_186, %parallel_loop3A_194 : vector<16xi32>
      %parallel_loop3A_196 = arith.constant 3 : i32
      %parallel_loop3A_197 = arith.shrsi %parallel_loop3A_180, %parallel_loop3A_196 : i32
      %parallel_loop3A_198 = arith.constant 7 : i32
      %parallel_loop3A_199 = arith.andi %parallel_loop3A_180, %parallel_loop3A_198 : i32
      %parallel_loop3A_200 = arith.constant 16 : i32
      %parallel_loop3A_201 = arith.muli %parallel_loop3A_199, %parallel_loop3A_200 : i32
      %parallel_loop3A_202 = arith.constant 0 : i32
      %parallel_loop3A_203 = arith.constant 64 : i32
      %parallel_loop3A_204 = arith.constant 1 : i32
      scf.for %parallel_loop3A_205 = %parallel_loop3A_202 to %parallel_loop3A_203 step %parallel_loop3A_204  : i32 {
        %parallel_loop3A_206 = arith.constant 256 : i32
        %parallel_loop3A_207 = arith.muli %parallel_loop3A_205, %parallel_loop3A_206 : i32
        %parallel_loop3A_208 = vector.broadcast %parallel_loop3A_207 : i32 to vector<16xi32>
        %parallel_loop3A_209 = arith.addi %parallel_loop3A_192, %parallel_loop3A_208 : vector<16xi32>
        %parallel_loop3A_210 = tpu.vector_load_idx %arg7[%parallel_loop3A_209] : memref<16384xf32, #tpu.memory_space<vmem>>[vector<16xi32>], vector<16xf32>,
        %parallel_loop3A_211 = arith.constant 256 : i32
        %parallel_loop3A_212 = arith.muli %parallel_loop3A_205, %parallel_loop3A_211 : i32
        %parallel_loop3A_213 = vector.broadcast %parallel_loop3A_212 : i32 to vector<16xi32>
        %parallel_loop3A_214 = arith.addi %parallel_loop3A_195, %parallel_loop3A_213 : vector<16xi32>
        %parallel_loop3A_215 = tpu.vector_load_idx %arg8[%parallel_loop3A_214] : memref<16384xf32, #tpu.memory_space<vmem>>[vector<16xi32>], vector<16xf32>,
        %parallel_loop3A_216 = arith.mulf %parallel_loop3A_210, %parallel_loop3A_215 : vector<16xf32>
        %parallel_loop3A_217 = arith.constant 3 : i32
        %parallel_loop3A_218 = arith.shrsi %parallel_loop3A_205, %parallel_loop3A_217 : i32
        %parallel_loop3A_219 = arith.constant 7 : i32
        %parallel_loop3A_220 = arith.andi %parallel_loop3A_205, %parallel_loop3A_219 : i32
        %parallel_loop3A_221 = arith.index_cast %parallel_loop3A_218 : i32 to index
        %parallel_loop3A_222 = arith.index_cast %parallel_loop3A_197 : i32 to index
        %parallel_loop3A_223 = arith.index_cast %parallel_loop3A_220 : i32 to index
        %parallel_loop3A_224 = arith.index_cast %parallel_loop3A_201 : i32 to index
        %parallel_loop3A_225 = tpu.vector_load %arg12[%parallel_loop3A_221, %parallel_loop3A_222, %parallel_loop3A_223, %parallel_loop3A_224] {strides = array<i32>} : memref<8x4x8x128xf32, #tpu.memory_space<vmem>>, vector<16xf32>,
        tpu.vector_store %arg12[%parallel_loop3A_221, %parallel_loop3A_222, %parallel_loop3A_223, %parallel_loop3A_224], %parallel_loop3A_216 {strides = array<i32>} : memref<8x4x8x128xf32, #tpu.memory_space<vmem>>, vector<16xf32>,
      } {sc.loop_unroll_factor = 16 : i64, sc.parallel_access}
    } {sc.loop_unroll_factor = 2 : i64, sc.parallel_access}
    %add3A_41 = arith.constant 512 : i32
    %add3A_42 = arith.addi %mul3A_2, %add3A_41 : i32
    %jit3A_43 = arith.constant 128 : i32
    %div3A_44 = arith.divsi %add3A_42, %jit3A_43 : i32
    %sign3A_45 = arith.constant 0 : i32
    %sign3A_46 = arith.cmpi sgt, %add3A_42, %sign3A_45 : i32
    %sign3A_47 = arith.extui %sign3A_46 : i1 to i32
    %sign3A_48 = arith.constant 0 : i32
    %sign3A_49 = arith.cmpi slt, %add3A_42, %sign3A_48 : i32
    %sign3A_50 = arith.extui %sign3A_49 : i1 to i32
    %sign3A_51 = arith.subi %sign3A_47, %sign3A_50 : i32
    %sign3A_52 = arith.constant 0 : i32
    %sign3A_53 = arith.cmpi sgt, %jit3A_43, %sign3A_52 : i32
    %sign3A_54 = arith.extui %sign3A_53 : i1 to i32
    %sign3A_55 = arith.constant 0 : i32
    %sign3A_56 = arith.cmpi slt, %jit3A_43, %sign3A_55 : i32
    %sign3A_57 = arith.extui %sign3A_56 : i1 to i32
    %sign3A_58 = arith.subi %sign3A_54, %sign3A_57 : i32
    %ne3A_59 = arith.cmpi ne, %sign3A_51, %sign3A_58 : i32
    %rem3A_60 = arith.remsi %add3A_42, %jit3A_43 : i32
    %ne3A_61 = arith.constant 0 : i32
    %ne3A_62 = arith.cmpi ne, %rem3A_60, %ne3A_61 : i32
    %and3A_63 = arith.andi %ne3A_59, %ne3A_62 : i1
    %sub3A_64 = arith.constant 1 : i32
    %sub3A_65 = arith.subi %div3A_44, %sub3A_64 : i32
    %select_n3A_66 = arith.select %and3A_63, %sub3A_65, %div3A_44 : i32
    %dma_start3A_67 = arith.constant 0 : i32
    %dma_start3A_68 = arith.constant 0 : i32
    %dma_start3A_69 = arith.constant 0 : i32
    %dma_start3A_70 = tpu.memref_slice %arg4[%dma_start3A_67, %select_n3A_66, %dma_start3A_68, %dma_start3A_69] : memref<8x512x8x128xf32, #tpu.memory_space<hbm>> -> memref<8x4x8x128xf32, #tpu.memory_space<hbm>>
    %dma_start3A_71 = arith.constant 0 : i32
    %dma_start3A_72 = arith.constant 0 : i32
    %dma_start3A_73 = arith.constant 0 : i32
    %dma_start3A_74 = tpu.memref_slice %arg4[%dma_start3A_71, %select_n3A_66, %dma_start3A_72, %dma_start3A_73] : memref<8x512x8x128xf32, #tpu.memory_space<hbm>> -> memref<8x4x8x128xf32, #tpu.memory_space<hbm>>
    tpu.enqueue_dma source(%arg12 : memref<8x4x8x128xf32, #tpu.memory_space<vmem>>) target(%dma_start3A_74 : memref<8x4x8x128xf32, #tpu.memory_space<hbm>>) target_semaphore(%arg14 : memref<!tpu.dma_semaphore, #tpu.memory_space<semaphore_mem>>)
    %dma_wait3A = arith.constant 0 : i32
    %dma_wait3A_75 = arith.constant 0 : i32
    %dma_wait3A_76 = arith.constant 0 : i32
    %dma_wait3A_77 = tpu.memref_slice %arg4[%dma_wait3A, %select_n3A, %dma_wait3A_75, %dma_wait3A_76] : memref<8x512x8x128xf32, #tpu.memory_space<hbm>> -> memref<8x4x8x128xf32, #tpu.memory_space<hbm>>
    %dma_wait3A_78 = arith.constant 0 : i32
    %dma_wait3A_79 = arith.constant 0 : i32
    %dma_wait3A_80 = arith.constant 0 : i32
    %dma_wait3A_81 = tpu.memref_slice %arg4[%dma_wait3A_78, %select_n3A, %dma_wait3A_79, %dma_wait3A_80] : memref<8x512x8x128xf32, #tpu.memory_space<hbm>> -> memref<8x4x8x128xf32, #tpu.memory_space<hbm>>
    tpu.wait_dma2 semaphore(%arg13 : memref<!tpu.dma_semaphore, #tpu.memory_space<semaphore_mem>>) src(%arg11 : memref<8x4x8x128xf32, #tpu.memory_space<vmem>>) dst(%dma_wait3A_81 : memref<8x4x8x128xf32, #tpu.memory_space<hbm>>)
    %parallel_loop3A_82 = arith.constant 0 : i32
    %parallel_loop3A_83 = arith.constant 32 : i32
    %parallel_loop3A_84 = arith.constant 1 : i32
    scf.for %parallel_loop3A_180 = %parallel_loop3A_82 to %parallel_loop3A_83 step %parallel_loop3A_84  : i32 {
      %parallel_loop3A_181 = arith.constant 16 : i32
      %parallel_loop3A_182 = arith.muli %parallel_loop3A_180, %parallel_loop3A_181 : i32
      %parallel_loop3A_183 = arith.constant 1024 : i32
      %parallel_loop3A_184 = arith.addi %parallel_loop3A_183, %parallel_loop3A_182 : i32
      %parallel_loop3A_185 = arith.index_cast %parallel_loop3A_184 : i32 to index
      %parallel_loop3A_186 = tpu.vector_load %arg6[%parallel_loop3A_185] {strides = array<i32>} : memref<2048xi32, #tpu.memory_space<vmem>>, vector<16xi32>,
      %parallel_loop3A_187 = arith.constant 8 : i32
      %parallel_loop3A_188 = vector.broadcast %parallel_loop3A_187 : i32 to vector<16xi32>
      %parallel_loop3A_189 = arith.shrsi %parallel_loop3A_186, %parallel_loop3A_188 : vector<16xi32>
      %parallel_loop3A_190 = arith.constant 255 : i32
      %parallel_loop3A_191 = vector.broadcast %parallel_loop3A_190 : i32 to vector<16xi32>
      %parallel_loop3A_192 = arith.andi %parallel_loop3A_189, %parallel_loop3A_191 : vector<16xi32>
      %parallel_loop3A_193 = arith.constant 255 : i32
      %parallel_loop3A_194 = vector.broadcast %parallel_loop3A_193 : i32 to vector<16xi32>
      %parallel_loop3A_195 = arith.andi %parallel_loop3A_186, %parallel_loop3A_194 : vector<16xi32>
      %parallel_loop3A_196 = arith.constant 3 : i32
      %parallel_loop3A_197 = arith.shrsi %parallel_loop3A_180, %parallel_loop3A_196 : i32
      %parallel_loop3A_198 = arith.constant 7 : i32
      %parallel_loop3A_199 = arith.andi %parallel_loop3A_180, %parallel_loop3A_198 : i32
      %parallel_loop3A_200 = arith.constant 16 : i32
      %parallel_loop3A_201 = arith.muli %parallel_loop3A_199, %parallel_loop3A_200 : i32
      %parallel_loop3A_202 = arith.constant 0 : i32
      %parallel_loop3A_203 = arith.constant 64 : i32
      %parallel_loop3A_204 = arith.constant 1 : i32
      scf.for %parallel_loop3A_205 = %parallel_loop3A_202 to %parallel_loop3A_203 step %parallel_loop3A_204  : i32 {
        %parallel_loop3A_206 = arith.constant 256 : i32
        %parallel_loop3A_207 = arith.muli %parallel_loop3A_205, %parallel_loop3A_206 : i32
        %parallel_loop3A_208 = vector.broadcast %parallel_loop3A_207 : i32 to vector<16xi32>
        %parallel_loop3A_209 = arith.addi %parallel_loop3A_192, %parallel_loop3A_208 : vector<16xi32>
        %parallel_loop3A_210 = tpu.vector_load_idx %arg7[%parallel_loop3A_209] : memref<16384xf32, #tpu.memory_space<vmem>>[vector<16xi32>], vector<16xf32>,
        %parallel_loop3A_211 = arith.constant 256 : i32
        %parallel_loop3A_212 = arith.muli %parallel_loop3A_205, %parallel_loop3A_211 : i32
        %parallel_loop3A_213 = vector.broadcast %parallel_loop3A_212 : i32 to vector<16xi32>
        %parallel_loop3A_214 = arith.addi %parallel_loop3A_195, %parallel_loop3A_213 : vector<16xi32>
        %parallel_loop3A_215 = tpu.vector_load_idx %arg8[%parallel_loop3A_214] : memref<16384xf32, #tpu.memory_space<vmem>>[vector<16xi32>], vector<16xf32>,
        %parallel_loop3A_216 = arith.mulf %parallel_loop3A_210, %parallel_loop3A_215 : vector<16xf32>
        %parallel_loop3A_217 = arith.constant 3 : i32
        %parallel_loop3A_218 = arith.shrsi %parallel_loop3A_205, %parallel_loop3A_217 : i32
        %parallel_loop3A_219 = arith.constant 7 : i32
        %parallel_loop3A_220 = arith.andi %parallel_loop3A_205, %parallel_loop3A_219 : i32
        %parallel_loop3A_221 = arith.index_cast %parallel_loop3A_218 : i32 to index
        %parallel_loop3A_222 = arith.index_cast %parallel_loop3A_197 : i32 to index
        %parallel_loop3A_223 = arith.index_cast %parallel_loop3A_220 : i32 to index
        %parallel_loop3A_224 = arith.index_cast %parallel_loop3A_201 : i32 to index
        %parallel_loop3A_225 = tpu.vector_load %arg11[%parallel_loop3A_221, %parallel_loop3A_222, %parallel_loop3A_223, %parallel_loop3A_224] {strides = array<i32>} : memref<8x4x8x128xf32, #tpu.memory_space<vmem>>, vector<16xf32>,
        tpu.vector_store %arg11[%parallel_loop3A_221, %parallel_loop3A_222, %parallel_loop3A_223, %parallel_loop3A_224], %parallel_loop3A_216 {strides = array<i32>} : memref<8x4x8x128xf32, #tpu.memory_space<vmem>>, vector<16xf32>,
      } {sc.loop_unroll_factor = 16 : i64, sc.parallel_access}
    } {sc.loop_unroll_factor = 2 : i64, sc.parallel_access}
    %add3A_85 = arith.constant 1024 : i32
    %add3A_86 = arith.addi %mul3A_2, %add3A_85 : i32
    %jit3A_87 = arith.constant 128 : i32
    %div3A_88 = arith.divsi %add3A_86, %jit3A_87 : i32
    %sign3A_89 = arith.constant 0 : i32
    %sign3A_90 = arith.cmpi sgt, %add3A_86, %sign3A_89 : i32
    %sign3A_91 = arith.extui %sign3A_90 : i1 to i32
    %sign3A_92 = arith.constant 0 : i32
    %sign3A_93 = arith.cmpi slt, %add3A_86, %sign3A_92 : i32
    %sign3A_94 = arith.extui %sign3A_93 : i1 to i32
    %sign3A_95 = arith.subi %sign3A_91, %sign3A_94 : i32
    %sign3A_96 = arith.constant 0 : i32
    %sign3A_97 = arith.cmpi sgt, %jit3A_87, %sign3A_96 : i32
    %sign3A_98 = arith.extui %sign3A_97 : i1 to i32
    %sign3A_99 = arith.constant 0 : i32
    %sign3A_100 = arith.cmpi slt, %jit3A_87, %sign3A_99 : i32
    %sign3A_101 = arith.extui %sign3A_100 : i1 to i32
    %sign3A_102 = arith.subi %sign3A_98, %sign3A_101 : i32
    %ne3A_103 = arith.cmpi ne, %sign3A_95, %sign3A_102 : i32
    %rem3A_104 = arith.remsi %add3A_86, %jit3A_87 : i32
    %ne3A_105 = arith.constant 0 : i32
    %ne3A_106 = arith.cmpi ne, %rem3A_104, %ne3A_105 : i32
    %and3A_107 = arith.andi %ne3A_103, %ne3A_106 : i1
    %sub3A_108 = arith.constant 1 : i32
    %sub3A_109 = arith.subi %div3A_88, %sub3A_108 : i32
    %select_n3A_110 = arith.select %and3A_107, %sub3A_109, %div3A_88 : i32
    %dma_start3A_111 = arith.constant 0 : i32
    %dma_start3A_112 = arith.constant 0 : i32
    %dma_start3A_113 = arith.constant 0 : i32
    %dma_start3A_114 = tpu.memref_slice %arg4[%dma_start3A_111, %select_n3A_110, %dma_start3A_112, %dma_start3A_113] : memref<8x512x8x128xf32, #tpu.memory_space<hbm>> -> memref<8x4x8x128xf32, #tpu.memory_space<hbm>>
    %dma_start3A_115 = arith.constant 0 : i32
    %dma_start3A_116 = arith.constant 0 : i32
    %dma_start3A_117 = arith.constant 0 : i32
    %dma_start3A_118 = tpu.memref_slice %arg4[%dma_start3A_115, %select_n3A_110, %dma_start3A_116, %dma_start3A_117] : memref<8x512x8x128xf32, #tpu.memory_space<hbm>> -> memref<8x4x8x128xf32, #tpu.memory_space<hbm>>
    tpu.enqueue_dma source(%arg11 : memref<8x4x8x128xf32, #tpu.memory_space<vmem>>) target(%dma_start3A_118 : memref<8x4x8x128xf32, #tpu.memory_space<hbm>>) target_semaphore(%arg13 : memref<!tpu.dma_semaphore, #tpu.memory_space<semaphore_mem>>)
    %dma_wait3A_119 = arith.constant 0 : i32
    %dma_wait3A_120 = arith.constant 0 : i32
    %dma_wait3A_121 = arith.constant 0 : i32
    %dma_wait3A_122 = tpu.memref_slice %arg4[%dma_wait3A_119, %select_n3A_66, %dma_wait3A_120, %dma_wait3A_121] : memref<8x512x8x128xf32, #tpu.memory_space<hbm>> -> memref<8x4x8x128xf32, #tpu.memory_space<hbm>>
    %dma_wait3A_123 = arith.constant 0 : i32
    %dma_wait3A_124 = arith.constant 0 : i32
    %dma_wait3A_125 = arith.constant 0 : i32
    %dma_wait3A_126 = tpu.memref_slice %arg4[%dma_wait3A_123, %select_n3A_66, %dma_wait3A_124, %dma_wait3A_125] : memref<8x512x8x128xf32, #tpu.memory_space<hbm>> -> memref<8x4x8x128xf32, #tpu.memory_space<hbm>>
    tpu.wait_dma2 semaphore(%arg14 : memref<!tpu.dma_semaphore, #tpu.memory_space<semaphore_mem>>) src(%arg12 : memref<8x4x8x128xf32, #tpu.memory_space<vmem>>) dst(%dma_wait3A_126 : memref<8x4x8x128xf32, #tpu.memory_space<hbm>>)
    %parallel_loop3A_127 = arith.constant 0 : i32
    %parallel_loop3A_128 = arith.constant 32 : i32
    %parallel_loop3A_129 = arith.constant 1 : i32
    scf.for %parallel_loop3A_180 = %parallel_loop3A_127 to %parallel_loop3A_128 step %parallel_loop3A_129  : i32 {
      %parallel_loop3A_181 = arith.constant 16 : i32
      %parallel_loop3A_182 = arith.muli %parallel_loop3A_180, %parallel_loop3A_181 : i32
      %parallel_loop3A_183 = arith.constant 1536 : i32
      %parallel_loop3A_184 = arith.addi %parallel_loop3A_183, %parallel_loop3A_182 : i32
      %parallel_loop3A_185 = arith.index_cast %parallel_loop3A_184 : i32 to index
      %parallel_loop3A_186 = tpu.vector_load %arg6[%parallel_loop3A_185] {strides = array<i32>} : memref<2048xi32, #tpu.memory_space<vmem>>, vector<16xi32>,
      %parallel_loop3A_187 = arith.constant 8 : i32
      %parallel_loop3A_188 = vector.broadcast %parallel_loop3A_187 : i32 to vector<16xi32>
      %parallel_loop3A_189 = arith.shrsi %parallel_loop3A_186, %parallel_loop3A_188 : vector<16xi32>
      %parallel_loop3A_190 = arith.constant 255 : i32
      %parallel_loop3A_191 = vector.broadcast %parallel_loop3A_190 : i32 to vector<16xi32>
      %parallel_loop3A_192 = arith.andi %parallel_loop3A_189, %parallel_loop3A_191 : vector<16xi32>
      %parallel_loop3A_193 = arith.constant 255 : i32
      %parallel_loop3A_194 = vector.broadcast %parallel_loop3A_193 : i32 to vector<16xi32>
      %parallel_loop3A_195 = arith.andi %parallel_loop3A_186, %parallel_loop3A_194 : vector<16xi32>
      %parallel_loop3A_196 = arith.constant 3 : i32
      %parallel_loop3A_197 = arith.shrsi %parallel_loop3A_180, %parallel_loop3A_196 : i32
      %parallel_loop3A_198 = arith.constant 7 : i32
      %parallel_loop3A_199 = arith.andi %parallel_loop3A_180, %parallel_loop3A_198 : i32
      %parallel_loop3A_200 = arith.constant 16 : i32
      %parallel_loop3A_201 = arith.muli %parallel_loop3A_199, %parallel_loop3A_200 : i32
      %parallel_loop3A_202 = arith.constant 0 : i32
      %parallel_loop3A_203 = arith.constant 64 : i32
      %parallel_loop3A_204 = arith.constant 1 : i32
      scf.for %parallel_loop3A_205 = %parallel_loop3A_202 to %parallel_loop3A_203 step %parallel_loop3A_204  : i32 {
        %parallel_loop3A_206 = arith.constant 256 : i32
        %parallel_loop3A_207 = arith.muli %parallel_loop3A_205, %parallel_loop3A_206 : i32
        %parallel_loop3A_208 = vector.broadcast %parallel_loop3A_207 : i32 to vector<16xi32>
        %parallel_loop3A_209 = arith.addi %parallel_loop3A_192, %parallel_loop3A_208 : vector<16xi32>
        %parallel_loop3A_210 = tpu.vector_load_idx %arg7[%parallel_loop3A_209] : memref<16384xf32, #tpu.memory_space<vmem>>[vector<16xi32>], vector<16xf32>,
        %parallel_loop3A_211 = arith.constant 256 : i32
        %parallel_loop3A_212 = arith.muli %parallel_loop3A_205, %parallel_loop3A_211 : i32
        %parallel_loop3A_213 = vector.broadcast %parallel_loop3A_212 : i32 to vector<16xi32>
        %parallel_loop3A_214 = arith.addi %parallel_loop3A_195, %parallel_loop3A_213 : vector<16xi32>
        %parallel_loop3A_215 = tpu.vector_load_idx %arg8[%parallel_loop3A_214] : memref<16384xf32, #tpu.memory_space<vmem>>[vector<16xi32>], vector<16xf32>,
        %parallel_loop3A_216 = arith.mulf %parallel_loop3A_210, %parallel_loop3A_215 : vector<16xf32>
        %parallel_loop3A_217 = arith.constant 3 : i32
        %parallel_loop3A_218 = arith.shrsi %parallel_loop3A_205, %parallel_loop3A_217 : i32
        %parallel_loop3A_219 = arith.constant 7 : i32
        %parallel_loop3A_220 = arith.andi %parallel_loop3A_205, %parallel_loop3A_219 : i32
        %parallel_loop3A_221 = arith.index_cast %parallel_loop3A_218 : i32 to index
        %parallel_loop3A_222 = arith.index_cast %parallel_loop3A_197 : i32 to index
        %parallel_loop3A_223 = arith.index_cast %parallel_loop3A_220 : i32 to index
        %parallel_loop3A_224 = arith.index_cast %parallel_loop3A_201 : i32 to index
        %parallel_loop3A_225 = tpu.vector_load %arg12[%parallel_loop3A_221, %parallel_loop3A_222, %parallel_loop3A_223, %parallel_loop3A_224] {strides = array<i32>} : memref<8x4x8x128xf32, #tpu.memory_space<vmem>>, vector<16xf32>,
        tpu.vector_store %arg12[%parallel_loop3A_221, %parallel_loop3A_222, %parallel_loop3A_223, %parallel_loop3A_224], %parallel_loop3A_216 {strides = array<i32>} : memref<8x4x8x128xf32, #tpu.memory_space<vmem>>, vector<16xf32>,
      } {sc.loop_unroll_factor = 16 : i64, sc.parallel_access}
    } {sc.loop_unroll_factor = 2 : i64, sc.parallel_access}
    %add3A_130 = arith.constant 1536 : i32
    %add3A_131 = arith.addi %mul3A_2, %add3A_130 : i32
    %jit3A_132 = arith.constant 128 : i32
    %div3A_133 = arith.divsi %add3A_131, %jit3A_132 : i32
    %sign3A_134 = arith.constant 0 : i32
    %sign3A_135 = arith.cmpi sgt, %add3A_131, %sign3A_134 : i32
    %sign3A_136 = arith.extui %sign3A_135 : i1 to i32
    %sign3A_137 = arith.constant 0 : i32
    %sign3A_138 = arith.cmpi slt, %add3A_131, %sign3A_137 : i32
    %sign3A_139 = arith.extui %sign3A_138 : i1 to i32
    %sign3A_140 = arith.subi %sign3A_136, %sign3A_139 : i32
    %sign3A_141 = arith.constant 0 : i32
    %sign3A_142 = arith.cmpi sgt, %jit3A_132, %sign3A_141 : i32
    %sign3A_143 = arith.extui %sign3A_142 : i1 to i32
    %sign3A_144 = arith.constant 0 : i32
    %sign3A_145 = arith.cmpi slt, %jit3A_132, %sign3A_144 : i32
    %sign3A_146 = arith.extui %sign3A_145 : i1 to i32
    %sign3A_147 = arith.subi %sign3A_143, %sign3A_146 : i32
    %ne3A_148 = arith.cmpi ne, %sign3A_140, %sign3A_147 : i32
    %rem3A_149 = arith.remsi %add3A_131, %jit3A_132 : i32
    %ne3A_150 = arith.constant 0 : i32
    %ne3A_151 = arith.cmpi ne, %rem3A_149, %ne3A_150 : i32
    %and3A_152 = arith.andi %ne3A_148, %ne3A_151 : i1
    %sub3A_153 = arith.constant 1 : i32
    %sub3A_154 = arith.subi %div3A_133, %sub3A_153 : i32
    %select_n3A_155 = arith.select %and3A_152, %sub3A_154, %div3A_133 : i32
    %dma_start3A_156 = arith.constant 0 : i32
    %dma_start3A_157 = arith.constant 0 : i32
    %dma_start3A_158 = arith.constant 0 : i32
    %dma_start3A_159 = tpu.memref_slice %arg4[%dma_start3A_156, %select_n3A_155, %dma_start3A_157, %dma_start3A_158] : memref<8x512x8x128xf32, #tpu.memory_space<hbm>> -> memref<8x4x8x128xf32, #tpu.memory_space<hbm>>
    %dma_start3A_160 = arith.constant 0 : i32
    %dma_start3A_161 = arith.constant 0 : i32
    %dma_start3A_162 = arith.constant 0 : i32
    %dma_start3A_163 = tpu.memref_slice %arg4[%dma_start3A_160, %select_n3A_155, %dma_start3A_161, %dma_start3A_162] : memref<8x512x8x128xf32, #tpu.memory_space<hbm>> -> memref<8x4x8x128xf32, #tpu.memory_space<hbm>>
    tpu.enqueue_dma source(%arg12 : memref<8x4x8x128xf32, #tpu.memory_space<vmem>>) target(%dma_start3A_163 : memref<8x4x8x128xf32, #tpu.memory_space<hbm>>) target_semaphore(%arg14 : memref<!tpu.dma_semaphore, #tpu.memory_space<semaphore_mem>>)
    %dma_wait3A_164 = arith.constant 0 : i32
    %dma_wait3A_165 = arith.constant 0 : i32
    %dma_wait3A_166 = arith.constant 0 : i32
    %dma_wait3A_167 = tpu.memref_slice %arg4[%dma_wait3A_164, %select_n3A_110, %dma_wait3A_165, %dma_wait3A_166] : memref<8x512x8x128xf32, #tpu.memory_space<hbm>> -> memref<8x4x8x128xf32, #tpu.memory_space<hbm>>
    %dma_wait3A_168 = arith.constant 0 : i32
    %dma_wait3A_169 = arith.constant 0 : i32
    %dma_wait3A_170 = arith.constant 0 : i32
    %dma_wait3A_171 = tpu.memref_slice %arg4[%dma_wait3A_168, %select_n3A_110, %dma_wait3A_169, %dma_wait3A_170] : memref<8x512x8x128xf32, #tpu.memory_space<hbm>> -> memref<8x4x8x128xf32, #tpu.memory_space<hbm>>
    tpu.wait_dma2 semaphore(%arg13 : memref<!tpu.dma_semaphore, #tpu.memory_space<semaphore_mem>>) src(%arg11 : memref<8x4x8x128xf32, #tpu.memory_space<vmem>>) dst(%dma_wait3A_171 : memref<8x4x8x128xf32, #tpu.memory_space<hbm>>)
    %dma_wait3A_172 = arith.constant 0 : i32
    %dma_wait3A_173 = arith.constant 0 : i32
    %dma_wait3A_174 = arith.constant 0 : i32
    %dma_wait3A_175 = tpu.memref_slice %arg4[%dma_wait3A_172, %select_n3A_155, %dma_wait3A_173, %dma_wait3A_174] : memref<8x512x8x128xf32, #tpu.memory_space<hbm>> -> memref<8x4x8x128xf32, #tpu.memory_space<hbm>>
    %dma_wait3A_176 = arith.constant 0 : i32
    %dma_wait3A_177 = arith.constant 0 : i32
    %dma_wait3A_178 = arith.constant 0 : i32
    %dma_wait3A_179 = tpu.memref_slice %arg4[%dma_wait3A_176, %select_n3A_155, %dma_wait3A_177, %dma_wait3A_178] : memref<8x512x8x128xf32, #tpu.memory_space<hbm>> -> memref<8x4x8x128xf32, #tpu.memory_space<hbm>>
    tpu.wait_dma2 semaphore(%arg14 : memref<!tpu.dma_semaphore, #tpu.memory_space<semaphore_mem>>) src(%arg12 : memref<8x4x8x128xf32, #tpu.memory_space<vmem>>) dst(%dma_wait3A_179 : memref<8x4x8x128xf32, #tpu.memory_space<hbm>>)
    return
  }
}

</mosaic_0001>

<sc_bundles>
// kernel: _run.3.cloned.1.call-start
scs
__scs_entry_jumppad:
0x0: {  	(pc) =	sbr.rel $0x88, $3  }
0x1: {  	(tag) =	ssettag $0x0;
	lr =	simm.s32 $0x1  }
0x2: {  	[smem:$0x3F9F] =	sst lr;
	_ =	strace $0xD0000000  }
0x3: {  	_ = 	snop  }
0x4: {  	_ = 	snop  }
0x5: {  	_ = 	snop  }
0x6: {  	_ = 	snop  }
0x7: {  	_ = 	snop  }
__scs_overlays_trampoline_lowered:
0x8: {  	[smem:$0x3FAE] =	sst s0  }
0x9: {  	[smem:$0x3FAF] =	sst s1  }
0xa: {  	[smem:$0x3FB0] =	sst s2  }
0xb: {  	[smem:$0x3FB1] =	sst s3  }
0xc: {  	[smem:$0x3FB2] =	sst s4  }
0xd: {  	[smem:$0x3FB3] =	sst s5  }
0xe: {  	[smem:$0x3FB4] =	sst s6  }
0xf: {  	[smem:$0x3FB5] =	sst s7  }
0x10: {  	[smem:$0x3FB6] =	sst s8  }
0x11: {  	[smem:$0x3FB7] =	sst s9;
	s0 =	simm.s32 @!p0 $0x0  }
0x12: {  	s1 =	sld [smem:$0x3F9D];
	s0 =	simm.s32 @p0 $0x1  }
0x13: {  	[smem:$0x3FB8] =	sst s0;
	s0 =	simm.s32 @!p1 $0x0  }
0x14: {  	s2 =	sld [smem:$0x3F9C];
	s0 =	simm.s32 @p1 $0x1  }
0x15: {  	[smem:$0x3FB9] =	sst s0;
	s0 =	simm.s32 @!p2 $0x0  }
0x16: {  	s3 =	sld [smem:$0x3FDB];
	s0 =	simm.s32 @p2 $0x1  }
0x17: {  	s4 =	simm.s32 $0x1BF5;
	[smem:$0x3FBB] =	sst s0  }
0x18: {  	s0 =	sld [smem:$0x3F9E];
	_ =	swait.ge [sflag:s4], $0x0  }
0x19: {  	s7 =	sld [smem:$0x3F9F]  }
0x1a: {  	s8 =	sadd.s32 $0xFFFFE003, lr  }
0x1b: {  	s9 =	sadd.s32 $0xFFFFFEF7, lr;
	s5 =	simm.s32 $0xFFFFFFFF;
	p2 =	slt.u32 s8, $0xFFFFF086  }
0x1c: {  	p1 =	slt.u32 s9, $0xF7A;
	s5 =	simm.s32 @!p2 $0x0  }
0x1d: {  	s5 =	simm.s32 @p1 $0x1;
	p0 =	seq.s32 s7, s2  }
0x1e: {  	s7 =	smul.u32 @!p0 $0xF7A, s2;
	p2 =	seq.s32 @!p0 s5, $0x0  }
0x1f: {  	s9 =	smul.u32 $0xF7A, s1;
	s8 =	simm.s32 @!p0 $0x1BF5;
	p2 =	por !p2, p0  }
0x20: {  	[sflag:s8] =	ssyncset.s32 @!p0 $0xFFFFF086;
	s6 =	sadd.s32 @!p0 s3, s7;
	s7 =	simm.s32 @!p0 $0x108  }
0x21: {  	s3 =	sadd.s32 s3, s9;
	s6 =	sadd.s32 @!p0 $0x88, s6;
	s7 =	simm.s32 @p2 $0x1082  }
0x22: {  	[simem:s7], [sflag:s8] =	dma.local @!p0 [hbm:s6], $0xF7A  }
0x23: {  	s9 =	sor.u32 $0xD0000000, s2;
	s6 =	simm.s32 $0x108;
	_ =	swait.ge @!p0 [sflag:s8], $0x0  }
0x24: {  	s3 =	sadd.s32 $0x88, s3;
	s6 =	simm.s32 @!p1 $0x1082;
	[sflag:s4] =	ssyncset.s32 $0xFFFFF086  }
0x25: {  	[simem:s6], [sflag:s4] =	dma.local [hbm:s3], $0xF7A  }
0x26: {  	[smem:$0x3F9F] =	sst s1;
	(tag) =	ssettag s2;
	_ =	strace s9  }
0x27: {  	s1 =	sld [smem:$0x3FAF]  }
0x28: {  	s2 =	sld [smem:$0x3FB0]  }
0x29: {  	s4 =	sld [smem:$0x3FB2]  }
0x2a: {  	p0 =	seq.s32 s5, $0x0;
	s5 =	sld [smem:$0x3FB3]  }
0x2b: {  	s6 =	sld [smem:$0x3FB4]  }
0x2c: {  	s7 =	sld [smem:$0x3FB5]  }
0x2d: {  	s3 =	simm.s32 $0x108;
	s8 =	sld [smem:$0x3FB6]  }
0x2e: {  	s3 =	simm.s32 @!p0 $0x1082;
	s9 =	sld [smem:$0x3FB7]  }
0x2f: {  	lr =	sadd.s32 s0, s3;
	s0 =	sld [smem:$0x3FAE]  }
0x30: {  	s3 =	sld [smem:$0x3FB1]  }
0x31: {  	[smem:$0x3FBA] =	sst s10  }
0x32: {  	s10 =	sld [smem:$0x3FB8];
	_ =	sdelay $0x3  }
0x33: {  	p0 =	seq.s32 s10, $0x1;
	s10 =	sld [smem:$0x3FBA];
	_ =	sdelay $0x3  }
0x34: {  	[smem:$0x3FBA] =	sst s10  }
0x35: {  	s10 =	sld [smem:$0x3FB9];
	_ =	sdelay $0x3  }
0x36: {  	p1 =	seq.s32 s10, $0x1;
	s10 =	sld [smem:$0x3FBA];
	_ =	sdelay $0x3  }
0x37: {  	[smem:$0x3FBA] =	sst s10  }
0x38: {  	s10 =	sld [smem:$0x3FBB]  }
0x39: {  	_ = 	snop;
	(pc) =	sbr.ind lr, $3  }
0x3a: {  	_ = 	snop  }
0x3b: {  	_ = 	snop  }
0x3c: {  	p2 =	seq.s32 s10, $0x1;
	s10 =	sld [smem:$0x3FBA]  }
0x3d: {  	_ =	shalt  }
0x3e: {  	_ =	shalt  }
0x3f: {  	_ =	shalt  }
0x40: {  	_ =	shalt  }
0x41: {  	_ =	shalt  }
0x42: {  	_ =	shalt  }
0x43: {  	_ =	shalt  }
0x44: {  	_ =	shalt  }
0x45: {  	_ =	shalt  }
0x46: {  	_ =	shalt  }
0x47: {  	_ =	shalt  }
0x48: {  	_ =	shalt  }
0x49: {  	_ =	shalt  }
0x4a: {  	_ =	shalt  }
0x4b: {  	_ =	shalt  }
0x4c: {  	_ =	shalt  }
0x4d: {  	_ =	shalt  }
0x4e: {  	_ =	shalt  }
0x4f: {  	_ =	shalt  }
0x50: {  	_ =	shalt  }
0x51: {  	_ =	shalt  }
0x52: {  	_ =	shalt  }
0x53: {  	_ =	shalt  }
0x54: {  	_ =	shalt  }
0x55: {  	_ =	shalt  }
0x56: {  	_ =	shalt  }
0x57: {  	_ =	shalt  }
0x58: {  	_ =	shalt  }
0x59: {  	_ =	shalt  }
0x5a: {  	_ =	shalt  }
0x5b: {  	_ =	shalt  }
0x5c: {  	_ =	shalt  }
0x5d: {  	_ =	shalt  }
0x5e: {  	_ =	shalt  }
0x5f: {  	_ =	shalt  }
0x60: {  	_ =	shalt  }
0x61: {  	_ =	shalt  }
0x62: {  	_ =	shalt  }
0x63: {  	_ =	shalt  }
0x64: {  	_ =	shalt  }
0x65: {  	_ =	shalt  }
0x66: {  	_ =	shalt  }
0x67: {  	_ =	shalt  }
0x68: {  	_ =	shalt  }
0x69: {  	_ =	shalt  }
0x6a: {  	_ =	shalt  }
0x6b: {  	_ =	shalt  }
0x6c: {  	_ =	shalt  }
0x6d: {  	_ =	shalt  }
0x6e: {  	_ =	shalt  }
0x6f: {  	_ =	shalt  }
0x70: {  	_ =	shalt  }
0x71: {  	_ =	shalt  }
0x72: {  	_ =	shalt  }
0x73: {  	_ =	shalt  }
0x74: {  	_ =	shalt  }
0x75: {  	_ =	shalt  }
0x76: {  	_ =	shalt  }
0x77: {  	_ =	shalt  }
0x78: {  	_ =	shalt  }
0x79: {  	_ =	shalt  }
0x7a: {  	_ =	shalt  }
0x7b: {  	_ =	shalt  }
0x7c: {  	_ =	shalt  }
0x7d: {  	_ =	shalt  }
0x7e: {  	_ =	shalt  }
0x7f: {  	_ =	shalt  }
0x80: {  	_ =	shalt  }
0x81: {  	_ =	shalt  }
0x82: {  	_ =	shalt  }
0x83: {  	_ =	shalt  }
0x84: {  	_ =	shalt  }
0x85: {  	_ =	shalt  }
0x86: {  	_ =	shalt  }
0x87: {  	_ =	shalt  }
.Lfunc_end0:
.L_simem_size_0:
called_computation_lowered:
.L_overlay_start_0:
0x88: {  	s2 =	sld [smem:$0x3FD9]  }
0x89: {  	s3 =	sld [smem:$0x3FFE];
	_ =	sdelay $0x1  }
0x8a: {  	s1 =	srdreg.scid  }
0x8b: {  	s0 =	sand.u32 $0x1, s1  }
0x8c: {  	s18 =	sshll.u32 s0, $0xA;
	s2 =	sadd.s32 s3, s2  }
0x8d: {  	s2 =	sadd.s32 s2, s18  }
0x8e: {  	[smem:$0x3FC6] =	sst s2  }
0x8f: {  	_ = 	snop  }
0x90: {  	s2 =	sld [smem:$0x3FC9]  }
0x91: {  	s19 =	sld [smem:$0x3FC8]  }
0x92: {  	s4 =	sld [smem:$0x3FD0];
	(tm) =	ssettm $0x1  }
0x93: {  	s5 =	sld [smem:$0x3FFB];
	_ =	sdelay $0x3  }
0x94: {  	_ =	strace s5  }
0x95: {  	s5 =	sld [smem:$0x3FFC];
	_ =	sdelay $0x3  }
0x96: {  	_ =	strace s5  }
0x97: {  	s5 =	sld [smem:$0x3FFD];
	_ =	sdelay $0x3  }
0x98: {  	_ =	strace s5  }
0x99: {  	_ =	strace $0x8FFFFFFF  }
0x9a: {  	s20 =	sld [smem:$0x3FDB];
	_ =	sdelay $0x1  }
0x9b: {  	s6 =	simm.s32 $_scs_section_size  }
0x9c: {  	s7 =	simm.s32 $_size__tile_overlayer_lowered;
	s8 =	simm.s32 $_tile_overlayer_lowered  }
0x9d: {  	s23 =	simm.s32 $0x1BFF;
	s22 =	sshll.u32 s8, $0x1;
	s5 =	sadd.s32 s6, s20  }
0x9e: {  	s9 =	simm.s32 $0x0;
	s21 =	sshll.u32 s7, $0x1;
	s7 =	sadd.s32 s22, s5  }
0x9f: {  	[timem:s9], [sflag:s23] =	dma.local [hbm:s7], s21  }
0xa0: {  	_ =	swait.ge [sflag:s23], s21  }
0xa1: {  	s6 =	ssub.s32 $0x0, s21;
	[sflag:s23] =	ssyncset.done $0x0  }
0xa2: {  	[sflag:s23] =	ssyncadd.s32 s6;
	_ =	sdelay $0x1  }
0xa3: {  	s24 =	simm.s32 $0x1B8B  }
0xa4: {  	_ =	swait.ge [sflag:s24], $0x1  }
0xa5: {  	[sflag:s24] =	ssyncset.done $0x0  }
0xa6: {  	s25 =	simm.s32 $0x1B8E;
	[sflag:s24] =	ssyncadd.s32 $0xFFFFFFFF  }
0xa7: {  	s26 =	simm.s32 $execute0_lowered;
	[smem:$0x3FD2] =	sst s25  }
0xa8: {  	s6 =	sshll.u32 s26, $0x1;
	_ =	strace $0x80000046;
	[dreg:$0x1] =	wrdreg $0xFFFFFFFF  }
0xa9: {  	s28 =	simm.s32 $_size_execute0_lowered;
	s5 =	sadd.s32 s5, s6;
	[dreg:$0x0] =	wrdreg $0x0  }
0xaa: {  	s6 =	sshll.u32 s28, $0x1;
	[dreg:$0x2] =	wrdreg s5  }
0xab: {  	[dreg:$0x3] =	wrdreg s6  }
0xac: {  	[dreg:$0x4] =	wrdreg $0xC0  }
0xad: {  	_ =	task [dreg:s9], $0x5FFFF  }
0xae: {  	[dreg:$0x1] =	wrdreg $0xFFFFFFFF  }
0xaf: {  	[dreg:$0x0] =	wrdreg $0x60  }
0xb0: {  	[dreg:$0x2] =	wrdreg s2  }
0xb1: {  	[dreg:$0x3] =	wrdreg s19  }
0xb2: {  	[dreg:$0x4] =	wrdreg s4  }
0xb3: {  	[dreg:$0x5] =	wrdreg $0x9  }
0xb4: {  	_ =	task.clear_ibuf [dreg:s9], $0x6FFFF;
	_ =	strace $0x90000046  }
0xb5: {  	s29 =	simm.s32 $0x9;
	_ =	strace $0x80000048  }
0xb6: {  	_ =	swait.ge [sflag:s29], $0x1  }
0xb7: {  	[sflag:s29] =	ssyncadd.s32 $0xFFFFFFFF  }
0xb8: {  	_ =	strace $0x90000048  }
0xb9: {  	_ =	sfence  }
0xba: {  	s30 =	sld [smem:$0x0];
	_ =	sdelay $0x2  }
0xbb: {  	s31 =	sshll.u32 s1, $0xD;
	s1 =	sshrl.u32 s1, $0x2  }
0xbc: {  	s3 =	sand.u32 $0x4000, s31;
	s1 =	sadd.s32 s1, s30  }
0xbd: {  	s0 =	sor.u32 s3, s0;
	s1 =	sshll.u32 s1, $0x11  }
0xbe: {  	s0 =	sor.u32 s1, s0  }
0xbf: {  	s0 =	sadd.s32 $0x8F2B, s0  }
0xc0: {  	[sflag:s0] =	ssyncadd.remote.s32 $0x1  }
0xc1: {  	_ =	sfence.sel $0xFFFF  }
0xc2: {  	[dreg:$0x0] =	wrdreg $0xFFFFFFFF;
	(pc) =	sbr.abs _section_cstart, $3  }
0xc3: {  	[dreg:$0x1] =	wrdreg $0xFFFFFFFF  }
0xc4: {  	_ =	task.clear_ibuf [dreg:s9], $0x2FFFF;
	_ =	strace $0x9FFFFFFF  }
0xc5: {  	(tm) =	ssettm $0x7FFFFFFF  }
tec
execute0_lowered:
.L_overlay_start_1:
0x0: {  	(tag) =	ssettag $0x1  }
0x1: {  	s0 =	rddreg [dreg:$0x1]  }
0x2: {  	s4 =	rddreg [dreg:$0x2]  }
0x3: {  	s5 =	srdreg.scid;
	s2 =	simm.s32 $0x0;
	s1 =	stileid.u32  }
0x4: {  	s10 =	simm.s32 $0x3;
	s12 =	simm.s32 $0x9000;
	s13 =	simm.s32 $0x9800  }
0x5: {  	s14 =	simm.s32 $0x1000;
	s15 =	simm.s32 $0x5000;
	s16 =	simm.s32 $0x80000  }
0x6: {  	s19 =	simm.s32 $0x1;
	s20 =	simm.s32 $0x2;
	s5 =	sand.u32 $0x1, s5  }
0x7: {  	s21 =	simm.s32 $0x0;
	s6 =	sshll.u32 s1, $0xC;
	s7 =	sshll.u32 s5, $0xB  }
0x8: {  	[smem:$0x7FF] =	sst s2;
	s5 =	ssub.s32 $0x2, s5;
	s6 =	sor.u32 s7, s6  }
0x9: {  	_ =	strace $0x80000047;
	s30 =	sshrl.u32 s5, $0x1;
	s8 =	sshrl.u32 s6, $0x3  }
0xa: {  	v1 =	vlaneseq.u32;
	s4 =	sadd.s32 s4, s6;
	s9 =	ssub.s32 s5, s30;
	s0 =	sadd.s32 s0, s8  }
0xb: {  	v0 =	vimm.s32 $0x0;
	vm0 =	vcmask $0x300;
	v2 =	vand.u32 $0x3, v1;
	s31 =	sadd.s32 $0x200, s4;
	s7 =	sadd.s32 $0x400, s4;
	[dreg:$0x4] =	wrdreg s0  }
0xc: {  	v0 =	vsel vm0, $0x3, v0;
	v1 =	vshrl.u32 v1, $0x2;
	v2 =	vor.u32 $0x4, v2;
	s8 =	sadd.s32 $0x600, s4;
	s9 =	smax.u32 s9, $0x1;
	[dreg:$0x5] =	wrdreg s31  }
.LBB2_1:
0xd: {  	s0 =	rddreg [dreg:$0x0];
	s1 =	simm.s32 $0x0  }
0xe: {  	[tilespmem:s1], [sflag:$0x3] =	stream.linear.gather [hbm4b:s0+s1], $0x800, $0x38;
	[tilespmem:$0x1A000] =	vst v63  }
0xf: {  	_ =	swait.ge [sflag:s10], $0x800  }
0x10: {  	[sflag:s10] =	ssyncset.done $0x0  }
0x11: {  	s2 =	simm.s32 $0x800;
	s31 =	rddreg [dreg:$0x4];
	[sflag:s10] =	ssyncadd.s32 $0xFFFFF800  }
0x12: {  	[tilespmem:s2], [sflag:$0x3] =	stream.linear.gather [hbm4b:s31+s1], $0x800, $0x38;
	[tilespmem:$0x1A000] =	vst v63  }
0x13: {  	s23 =	simm.s32 $0x7C;
	s24 =	simm.s32 $0x5200;
	_ =	swait.ge [sflag:s10], $0x800  }
0x14: {  	s25 =	simm.s32 $0x1200;
	s26 =	simm.s32 $0x9850;
	[sflag:s10] =	ssyncset.done $0x0  }
0x15: {  	s28 =	simm.s32 $0x9050;
	s29 =	simm.s32 $0x0;
	[sflag:s10] =	ssyncadd.s32 $0xFFFFF800  }
.LBB2_2:
0x16: {  	s0 =	sadd.s32 $0xFFFFFF84, s23;
	s1 =	sadd.s32 $0xFFFFFF94, s23  }
0x17: {  	s2 =	sadd.s32 $0xFFFFFF98, s23;
	s3 =	sadd.s32 $0xFFFFFF8C, s23;
	s5 =	sadd.s32 $0xFFFFFF90, s23;
	v3 =	vmov s0;
	v4 =	vmov s1  }
0x18: {  	s11 =	sadd.s32 $0xFFFFFFA0, s23;
	s17 =	sadd.s32 $0xFFFFFFA4, s23;
	s30 =	sadd.s32 $0xFFFFFFAC, s23;
	v6 =	vmov s2;
	v7 =	vmov s3;
	v8 =	vmov s5  }
0x19: {  	s31 =	sadd.s32 $0xFFFFFFC4, s23;
	v9 =	vmov s11;
	v10 =	vmov s17;
	v12 =	vmov s30  }
0x1a: {  	v19 =	vmov s31;
	v3 =	vshrl.u32 v3, $0x3;
	v4 =	vshrl.u32 v4, $0x3  }
0x1b: {  	v6 =	vshrl.u32 v6, $0x3;
	v7 =	vshrl.u32 v7, $0x3;
	v8 =	vshrl.u32 v8, $0x3  }
0x1c: {  	s30 =	sadd.s32 $0xFFFFFFB0, s23;
	s31 =	sadd.s32 $0xFFFFFFD8, s23;
	v9 =	vshrl.u32 v9, $0x3;
	v10 =	vshrl.u32 v10, $0x3;
	v12 =	vshrl.u32 v12, $0x3  }
0x1d: {  	v13 =	vmov s30;
	v19 =	vshrl.u32 v19, $0x3;
	v23 =	vmov s31  }
0x1e: {  	v3 =	vshll.u32 v3, v0;
	v4 =	vshll.u32 v4, v0;
	v6 =	vshll.u32 v6, v0  }
0x1f: {  	v7 =	vshll.u32 v7, v0;
	v8 =	vshll.u32 v8, v0;
	v9 =	vshll.u32 v9, v0  }
0x20: {  	s30 =	sadd.s32 $0xFFFFFFB4, s23;
	v28 =	vshll.u32 v10, v0;
	v12 =	vshll.u32 v12, v0;
	v13 =	vshrl.u32 v13, $0x3  }
0x21: {  	v15 =	vmov s30;
	v3 =	vbroadcast v3, $0x0;
	v4 =	vbroadcast v4, $0x0  }
0x22: {  	v19 =	vshll.u32 v19, v0;
	v6 =	vbroadcast v6, $0x0;
	v7 =	vbroadcast v7, $0x0  }
0x23: {  	s31 =	sadd.s32 $0xFFFFFFE4, s23;
	v43 =	vshrl.u32 v23, $0x3;
	v8 =	vbroadcast v8, $0x0;
	v27 =	vbroadcast v9, $0x0  }
0x24: {  	s30 =	sadd.s32 $0xFFFFFFB8, s23;
	v26 =	vmov s31;
	v9 =	vbroadcast v28, $0x0;
	v12 =	vbroadcast v12, $0x0  }
0x25: {  	v13 =	vshll.u32 v13, v0;
	v15 =	vshrl.u32 v15, $0x3;
	v16 =	vmov s30  }
0x26: {  	s30 =	sadd.s32 $0xFFFFFFBC, s23;
	v19 =	vbroadcast v19, $0x0;
	v26 =	vshrl.u32 v26, $0x3;
	v13 =	vbroadcast v13, $0x0  }
0x27: {  	v15 =	vshll.u32 v15, v0;
	v16 =	vshrl.u32 v16, $0x3;
	v31 =	vmov s30  }
0x28: {  	v26 =	vshll.u32 v26, v0;
	v5 =	vor.u32 v1, v3;
	v3 =	vor.u32 v2, v3  }
0x29: {  	v4 =	vor.u32 v1, v4;
	v6 =	vor.u32 v2, v6;
	v7 =	vor.u32 v1, v7  }
0x2a: {  	v8 =	vor.u32 v2, v8;
	v14 =	vor.u32 v1, v9;
	v9 =	vor.u32 v2, v9  }
0x2b: {  	s30 =	sadd.s32 $0xFFFFFFC0, s23;
	v15 =	vbroadcast v15, $0x0;
	v17 =	vor.u32 v1, v12;
	v30 =	vshll.u32 v16, v0  }
0x2c: {  	v32 =	vmov s30;
	v35 =	vor.u32 v1, v19;
	v36 =	vor.u32 v2, v19  }
0x2d: {  	s22 =	simm.s32 $0x0;
	s30 =	sadd.s32 $0xFFFFFFCC, s23;
	v26 =	vbroadcast v26, $0x0;
	v18 =	vor.u32 v2, v13;
	v12 =	vbroadcast v30, $0x0  }
0x2e: {  	v13 =	vshrl.u32 v31, $0x3;
	v16 =	vshrl.u32 v32, $0x3;
	v20 =	vmov s30;
	v5 =	vld.idx.msk [tilespmem:v5+s22+$0x0], $0xffff  }
0x2f: {  	s30 =	sadd.s32 $0xFFFFFFD0, s23;
	v15 =	vor.u32 v1, v15;
	v13 =	vshll.u32 v13, v0;
	v16 =	vshll.u32 v16, v0;
	v3 =	vld.idx.msk [tilespmem:v3+s22+$0x0], $0xffff  }
0x30: {  	v33 =	vshrl.u32 v20, $0x3;
	v38 =	vmov s30;
	v45 =	vor.u32 v2, v26;
	v4 =	vld.idx.msk [tilespmem:v4+s22+$0x0], $0xffff  }
0x31: {  	s30 =	sadd.s32 $0xFFFFFFD4, s23;
	v13 =	vbroadcast v13, $0x0;
	v16 =	vbroadcast v16, $0x0;
	v21 =	vor.u32 v2, v12;
	v6 =	vld.idx.msk [tilespmem:v6+s22+$0x0], $0xffff  }
0x32: {  	v20 =	vshll.u32 v33, v0;
	v39 =	vshrl.u32 v38, $0x3;
	v40 =	vmov s30;
	v7 =	vld.idx.msk [tilespmem:v7+s22+$0x0], $0xffff  }
0x33: {  	s30 =	sadd.s32 $0xFFFFFFDC, s23;
	v33 =	vmov s23;
	v37 =	vbroadcast v20, $0x0;
	v41 =	vshll.u32 v39, v0;
	v8 =	vld.idx.msk [tilespmem:v8+s22+$0x0], $0xffff  }
0x34: {  	s6 =	sadd.s32 $0xFFFFFF9C, s23;
	v42 =	vshrl.u32 v40, $0x3;
	v20 =	vshll.u32 v43, v0;
	v24 =	vmov s30;
	v14 =	vld.idx.msk [tilespmem:v14+s22+$0x0], $0xffff  }
0x35: {  	v33 =	vshrl.u32 v33, $0x3;
	v9 =	vld.idx.msk [tilespmem:v9+s22+$0x0], $0xffff;
	v5 =	vmul.f32 v3, v5;
	v3 =	vmov s6  }
0x36: {  	v22 =	vor.u32 v1, v13;
	v34 =	vor.u32 v2, v16;
	v17 =	vld.idx.msk [tilespmem:v17+s22+$0x0], $0xffff;
	v3 =	vshrl.u32 v3, $0x3  }
0x37: {  	s30 =	sadd.s32 $0xFFFFFFE0, s23;
	v20 =	vbroadcast v20, $0x0;
	v24 =	vshrl.u32 v24, $0x3;
	v16 =	vld.idx.msk [tilespmem:v35+s22+$0x0], $0xffff;
	v3 =	vshll.u32 v3, v0  }
0x38: {  	v25 =	vmov s30;
	v54 =	vshll.u32 v33, v0;
	v18 =	vld.idx.msk [tilespmem:v18+s22+$0x0], $0xffff;
	v3 =	vbroadcast v3, $0x0  }
0x39: {  	v24 =	vshll.u32 v24, v0;
	v15 =	vld.idx.msk [tilespmem:v15+s22+$0x0], $0xffff;
	v4 =	vmul.f32 v6, v4;
	v6 =	vor.u32 v2, v27  }
0x3a: {  	s30 =	sadd.s32 $0xFFFFFFEC, s23;
	v25 =	vshrl.u32 v25, $0x3;
	v19 =	vor.u32 v1, v37;
	v10 =	vld.idx.msk [tilespmem:v45+s22+$0x0], $0xffff;
	v29 =	vor.u32 v1, v3  }
0x3b: {  	v46 =	vmov s30;
	s30 =	sadd.s32 $0xFFFFFFF8, s23;
	v56 =	vbroadcast v54, $0x0;
	v24 =	vbroadcast v24, $0x0;
	v21 =	vld.idx.msk [tilespmem:v21+s22+$0x0], $0xffff  }
0x3c: {  	v25 =	vshll.u32 v25, v0;
	v20 =	vor.u32 v2, v20;
	v30 =	vmov s30;
	v22 =	vld.idx.msk [tilespmem:v22+s22+$0x0], $0xffff  }
0x3d: {  	s30 =	sadd.s32 $0xFFFFFFF0, s23;
	v25 =	vbroadcast v25, $0x0;
	v30 =	vshrl.u32 v30, $0x3;
	v59 =	vor.u32 v2, v56;
	v28 =	vld.idx.msk [tilespmem:v34+s22+$0x0], $0xffff  }
0x3e: {  	s31 =	sadd.s32 $0xFFFFFFF4, s23;
	v31 =	vmov s30;
	v24 =	vor.u32 v1, v24;
	v30 =	vshll.u32 v30, v0;
	v13 =	vld.idx.msk [tilespmem:v6+s22+$0x0], $0xffff  }
0x3f: {  	v30 =	vbroadcast v30, $0x0;
	v12 =	vld.idx.msk [tilespmem:v29+s22+$0x0], $0xffff;
	[tilespmem:s28+$0xFFFFFFC0] =	vst v5;
	v5 =	vshll.u32 v42, v0;
	v29 =	vmov s31  }
0x40: {  	v27 =	vor.u32 v1, v26;
	v19 =	vld.idx.msk [tilespmem:v19+s22+$0x0], $0xffff;
	v5 =	vbroadcast v5, $0x0;
	v29 =	vshrl.u32 v29, $0x3  }
0x41: {  	v20 =	vld.idx.msk [tilespmem:v20+s22+$0x0], $0xffff;
	v30 =	vor.u32 v2, v30;
	[tilespmem:s26+$0xFFFFFFC0] =	vst v4;
	v4 =	vbroadcast v41, $0x0;
	v29 =	vshll.u32 v29, v0  }
0x42: {  	s30 =	sadd.s32 $0xFFFFFFFC, s23;
	v26 =	vshrl.u32 v46, $0x3;
	v40 =	vld.idx.msk [tilespmem:v59+s22+$0x0], $0xffff;
	v5 =	vor.u32 v1, v5;
	v29 =	vbroadcast v29, $0x0  }
0x43: {  	v52 =	vmov s30;
	v26 =	vshll.u32 v26, v0;
	v24 =	vld.idx.msk [tilespmem:v24+s22+$0x0], $0xffff;
	v4 =	vor.u32 v2, v4  }
0x44: {  	v47 =	vbroadcast v26, $0x0;
	v6 =	vld.idx.msk [tilespmem:v36+s22+$0x0], $0xffff;
	v51 =	vor.u32 v1, v29;
	v29 =	vshrl.u32 v52, $0x3  }
0x45: {  	s18 =	sshll.u32 s29, $0x5;
	v48 =	vshrl.u32 v31, $0x3;
	v25 =	vor.u32 v2, v25;
	v27 =	vld.idx.msk [tilespmem:v27+s22+$0x0], $0xffff;
	v29 =	vshll.u32 v29, v0  }
0x46: {  	v34 =	vor.u32 v1, v47;
	v3 =	vmov s18;
	v58 =	vld.idx.msk [tilespmem:v30+s22+$0x0], $0xffff;
	v53 =	vbroadcast v29, $0x0  }
0x47: {  	s30 =	sadd.s32 $0x20, s18;
	v50 =	vshll.u32 v48, v0;
	v11 =	vor.u32 $0x10, v3;
	v49 =	vld.idx.msk [tilespmem:v5+s22+$0x0], $0xffff  }
0x48: {  	v32 =	vld.idx.msk [tilespmem:v4+s22+$0x0], $0xffff;
	v5 =	vbroadcast v50, $0x0;
	v4 =	vmov s30;
	v57 =	vor.u32 v1, v53  }
0x49: {  	v9 =	vmul.f32 v9, v14;
	s30 =	sadd.s32 $0x40, s18;
	v60 =	vor.u32 $0x10, v4;
	v26 =	vld.idx.msk [tilespmem:v51+s22+$0x0], $0xffff  }
0x4a: {  	s0 =	sadd.s32 $0x60, s18;
	v15 =	vmul.f32 v21, v15;
	v25 =	vld.idx.msk [tilespmem:v25+s22+$0x0], $0xffff;
	v55 =	vor.u32 v2, v5;
	v5 =	vmov s30  }
0x4b: {  	[tilespmem:s28+$0xFFFFFFE0] =	vst v9;
	v34 =	vld.idx.msk [tilespmem:v34+s22+$0x0], $0xffff;
	v61 =	vmul.f32 v6, v16;
	v6 =	vmov s0;
	v62 =	vor.u32 $0x10, v5  }
0x4c: {  	[tilespmem:s26+$0xFFFFFFE0] =	vst v15;
	v36 =	vor.u32 $0x10, v6;
	v44 =	vld.idx.msk [tilespmem:v11+s12+$0x0], $0xffff;
	v63 =	vmul.f32 v20, v49  }
0x4d: {  	v37 =	vmul.f32 v10, v27;
	[tilespmem:s28+$0x0] =	vst v61;
	v38 =	vld.idx.msk [tilespmem:v57+s22+$0x0], $0xffff  }
0x4e: {  	v41 =	vld.idx.msk [tilespmem:v60+s12+$0x0], $0xffff;
	[tilespmem:s26+$0x0] =	vst v63;
	v39 =	vmul.f32 v58, v26  }
0x4f: {  	v35 =	vld.idx.msk [tilespmem:v55+s22+$0x0], $0xffff;
	[tilespmem:s28+$0x20] =	vst v37  }
0x50: {  	v42 =	vld.idx.msk [tilespmem:v62+s12+$0x0], $0xffff;
	[tilespmem:s26+$0x20] =	vst v39  }
0x51: {  	v7 =	vmul.f32 v8, v7;
	v43 =	vld.idx.msk [tilespmem:v36+s12+$0x0], $0xffff  }
0x52: {  	v10 =	vmul.f32 v18, v17  }
0x53: {  	v44 =	vmul.f32 v44, v7;
	v8 =	vmul.f32 v32, v19  }
0x54: {  	v15 =	vmul.f32 v41, v10;
	v9 =	vmul.f32 v35, v34  }
0x55: {  	[tilespmem:s25+$0xFFFFFE00] =	vst v44;
	v45 =	vmul.f32 v42, v8  }
0x56: {  	v46 =	vld.idx.msk [tilespmem:v11+s13+$0x0], $0xffff;
	[tilespmem:s25+$0xFFFFFF00] =	vst v15;
	v47 =	vmul.f32 v43, v9  }
0x57: {  	v48 =	vld.idx.msk [tilespmem:v60+s13+$0x0], $0xffff;
	[tilespmem:s25+$0x0] =	vst v45  }
0x58: {  	v16 =	vld.idx.msk [tilespmem:v62+s13+$0x0], $0xffff;
	[tilespmem:s25+$0x100] =	vst v47  }
0x59: {  	v11 =	vmul.f32 v13, v12;
	v49 =	vor.u32 $0x11, v3;
	v50 =	vld.idx.msk [tilespmem:v36+s13+$0x0], $0xffff  }
0x5a: {  	v12 =	vmul.f32 v28, v22;
	v51 =	vor.u32 $0x11, v4  }
0x5b: {  	v13 =	vmul.f32 v25, v24;
	v52 =	vor.u32 $0x11, v5;
	v15 =	vmul.f32 v46, v11  }
0x5c: {  	v53 =	vor.u32 $0x11, v6;
	v14 =	vmul.f32 v40, v38;
	v17 =	vmul.f32 v48, v12  }
0x5d: {  	[tilespmem:s24+$0xFFFFFE00] =	vst v15;
	v54 =	vmul.f32 v16, v13  }
0x5e: {  	v55 =	vld.idx.msk [tilespmem:v49+s12+$0x0], $0xffff;
	[tilespmem:s24+$0xFFFFFF00] =	vst v17;
	v56 =	vmul.f32 v50, v14  }
0x5f: {  	v57 =	vld.idx.msk [tilespmem:v51+s12+$0x0], $0xffff;
	[tilespmem:s24+$0x0] =	vst v54  }
0x60: {  	v15 =	vld.idx.msk [tilespmem:v52+s12+$0x0], $0xffff;
	[tilespmem:s24+$0x100] =	vst v56  }
0x61: {  	v17 =	vld.idx.msk [tilespmem:v53+s12+$0x0], $0xffff;
	_ =	sdelay $0x1  }
0x62: {  	v16 =	vmul.f32 v55, v7  }
0x63: {  	v19 =	vmul.f32 v57, v10  }
0x64: {  	[tilespmem:s25+$0xFFFFFE10] =	vst v16;
	v15 =	vmul.f32 v15, v8  }
0x65: {  	v16 =	vld.idx.msk [tilespmem:v49+s13+$0x0], $0xffff;
	[tilespmem:s25+$0xFFFFFF10] =	vst v19;
	v17 =	vmul.f32 v17, v9  }
0x66: {  	v58 =	vld.idx.msk [tilespmem:v51+s13+$0x0], $0xffff;
	[tilespmem:s25+$0x10] =	vst v15  }
0x67: {  	v15 =	vld.idx.msk [tilespmem:v52+s13+$0x0], $0xffff;
	[tilespmem:s25+$0x110] =	vst v17  }
0x68: {  	v59 =	vor.u32 $0x12, v3;
	v60 =	vld.idx.msk [tilespmem:v53+s13+$0x0], $0xffff  }
0x69: {  	v61 =	vor.u32 $0x12, v4  }
0x6a: {  	v62 =	vor.u32 $0x12, v5;
	v16 =	vmul.f32 v16, v11  }
0x6b: {  	v63 =	vor.u32 $0x12, v6;
	v18 =	vmul.f32 v58, v12  }
0x6c: {  	[tilespmem:s24+$0xFFFFFE10] =	vst v16;
	v15 =	vmul.f32 v15, v13  }
0x6d: {  	v16 =	vld.idx.msk [tilespmem:v59+s12+$0x0], $0xffff;
	[tilespmem:s24+$0xFFFFFF10] =	vst v18;
	v23 =	vmul.f32 v60, v14  }
0x6e: {  	v24 =	vld.idx.msk [tilespmem:v61+s12+$0x0], $0xffff;
	[tilespmem:s24+$0x10] =	vst v15  }
0x6f: {  	v15 =	vld.idx.msk [tilespmem:v62+s12+$0x0], $0xffff;
	[tilespmem:s24+$0x110] =	vst v23  }
0x70: {  	v18 =	vld.idx.msk [tilespmem:v63+s12+$0x0], $0xffff;
	_ =	sdelay $0x1  }
0x71: {  	v16 =	vmul.f32 v16, v7  }
0x72: {  	v19 =	vmul.f32 v24, v10  }
0x73: {  	[tilespmem:s25+$0xFFFFFE20] =	vst v16;
	v15 =	vmul.f32 v15, v8  }
0x74: {  	v16 =	vld.idx.msk [tilespmem:v59+s13+$0x0], $0xffff;
	[tilespmem:s25+$0xFFFFFF20] =	vst v19;
	v25 =	vmul.f32 v18, v9  }
0x75: {  	v26 =	vld.idx.msk [tilespmem:v61+s13+$0x0], $0xffff;
	[tilespmem:s25+$0x20] =	vst v15  }
0x76: {  	v15 =	vld.idx.msk [tilespmem:v62+s13+$0x0], $0xffff;
	[tilespmem:s25+$0x120] =	vst v25  }
0x77: {  	v27 =	vor.u32 $0x13, v3;
	v28 =	vld.idx.msk [tilespmem:v63+s13+$0x0], $0xffff  }
0x78: {  	v29 =	vor.u32 $0x13, v4  }
0x79: {  	v30 =	vor.u32 $0x13, v5;
	v16 =	vmul.f32 v16, v11  }
0x7a: {  	v31 =	vor.u32 $0x13, v6;
	v18 =	vmul.f32 v26, v12  }
0x7b: {  	[tilespmem:s24+$0xFFFFFE20] =	vst v16;
	v15 =	vmul.f32 v15, v13  }
0x7c: {  	v16 =	vld.idx.msk [tilespmem:v27+s12+$0x0], $0xffff;
	[tilespmem:s24+$0xFFFFFF20] =	vst v18;
	v32 =	vmul.f32 v28, v14  }
0x7d: {  	v33 =	vld.idx.msk [tilespmem:v29+s12+$0x0], $0xffff;
	[tilespmem:s24+$0x20] =	vst v15  }
0x7e: {  	v15 =	vld.idx.msk [tilespmem:v30+s12+$0x0], $0xffff;
	[tilespmem:s24+$0x120] =	vst v32  }
0x7f: {  	v18 =	vld.idx.msk [tilespmem:v31+s12+$0x0], $0xffff;
	_ =	sdelay $0x1  }
0x80: {  	v16 =	vmul.f32 v16, v7  }
0x81: {  	v19 =	vmul.f32 v33, v10  }
0x82: {  	[tilespmem:s25+$0xFFFFFE30] =	vst v16;
	v15 =	vmul.f32 v15, v8  }
0x83: {  	v16 =	vld.idx.msk [tilespmem:v27+s13+$0x0], $0xffff;
	[tilespmem:s25+$0xFFFFFF30] =	vst v19;
	v34 =	vmul.f32 v18, v9  }
0x84: {  	v35 =	vld.idx.msk [tilespmem:v29+s13+$0x0], $0xffff;
	[tilespmem:s25+$0x30] =	vst v15  }
0x85: {  	v15 =	vld.idx.msk [tilespmem:v30+s13+$0x0], $0xffff;
	[tilespmem:s25+$0x130] =	vst v34  }
0x86: {  	v36 =	vor.u32 $0x14, v3;
	v37 =	vld.idx.msk [tilespmem:v31+s13+$0x0], $0xffff  }
0x87: {  	v38 =	vor.u32 $0x14, v4  }
0x88: {  	v39 =	vor.u32 $0x14, v5;
	v16 =	vmul.f32 v16, v11  }
0x89: {  	v40 =	vor.u32 $0x14, v6;
	v18 =	vmul.f32 v35, v12  }
0x8a: {  	[tilespmem:s24+$0xFFFFFE30] =	vst v16;
	v15 =	vmul.f32 v15, v13  }
0x8b: {  	v16 =	vld.idx.msk [tilespmem:v36+s12+$0x0], $0xffff;
	[tilespmem:s24+$0xFFFFFF30] =	vst v18;
	v41 =	vmul.f32 v37, v14  }
0x8c: {  	v42 =	vld.idx.msk [tilespmem:v38+s12+$0x0], $0xffff;
	[tilespmem:s24+$0x30] =	vst v15  }
0x8d: {  	v15 =	vld.idx.msk [tilespmem:v39+s12+$0x0], $0xffff;
	[tilespmem:s24+$0x130] =	vst v41  }
0x8e: {  	v18 =	vld.idx.msk [tilespmem:v40+s12+$0x0], $0xffff;
	_ =	sdelay $0x1  }
0x8f: {  	v16 =	vmul.f32 v16, v7  }
0x90: {  	v19 =	vmul.f32 v42, v10  }
0x91: {  	[tilespmem:s25+$0xFFFFFE40] =	vst v16;
	v15 =	vmul.f32 v15, v8  }
0x92: {  	v16 =	vld.idx.msk [tilespmem:v36+s13+$0x0], $0xffff;
	[tilespmem:s25+$0xFFFFFF40] =	vst v19;
	v43 =	vmul.f32 v18, v9  }
0x93: {  	v44 =	vld.idx.msk [tilespmem:v38+s13+$0x0], $0xffff;
	[tilespmem:s25+$0x40] =	vst v15  }
0x94: {  	v15 =	vld.idx.msk [tilespmem:v39+s13+$0x0], $0xffff;
	[tilespmem:s25+$0x140] =	vst v43  }
0x95: {  	v45 =	vor.u32 $0x15, v3;
	v46 =	vld.idx.msk [tilespmem:v40+s13+$0x0], $0xffff  }
0x96: {  	v47 =	vor.u32 $0x15, v4  }
0x97: {  	v48 =	vor.u32 $0x15, v5;
	v16 =	vmul.f32 v16, v11  }
0x98: {  	v49 =	vor.u32 $0x15, v6;
	v18 =	vmul.f32 v44, v12  }
0x99: {  	[tilespmem:s24+$0xFFFFFE40] =	vst v16;
	v15 =	vmul.f32 v15, v13  }
0x9a: {  	v16 =	vld.idx.msk [tilespmem:v45+s12+$0x0], $0xffff;
	[tilespmem:s24+$0xFFFFFF40] =	vst v18;
	v50 =	vmul.f32 v46, v14  }
0x9b: {  	v51 =	vld.idx.msk [tilespmem:v47+s12+$0x0], $0xffff;
	[tilespmem:s24+$0x40] =	vst v15  }
0x9c: {  	v15 =	vld.idx.msk [tilespmem:v48+s12+$0x0], $0xffff;
	[tilespmem:s24+$0x140] =	vst v50  }
0x9d: {  	v18 =	vld.idx.msk [tilespmem:v49+s12+$0x0], $0xffff;
	_ =	sdelay $0x1  }
0x9e: {  	v16 =	vmul.f32 v16, v7  }
0x9f: {  	v19 =	vmul.f32 v51, v10  }
0xa0: {  	[tilespmem:s25+$0xFFFFFE50] =	vst v16;
	v15 =	vmul.f32 v15, v8  }
0xa1: {  	v16 =	vld.idx.msk [tilespmem:v45+s13+$0x0], $0xffff;
	[tilespmem:s25+$0xFFFFFF50] =	vst v19;
	v52 =	vmul.f32 v18, v9  }
0xa2: {  	v53 =	vld.idx.msk [tilespmem:v47+s13+$0x0], $0xffff;
	[tilespmem:s25+$0x50] =	vst v15  }
0xa3: {  	v15 =	vld.idx.msk [tilespmem:v48+s13+$0x0], $0xffff;
	[tilespmem:s25+$0x150] =	vst v52  }
0xa4: {  	v54 =	vor.u32 $0x16, v3;
	v55 =	vld.idx.msk [tilespmem:v49+s13+$0x0], $0xffff  }
0xa5: {  	v56 =	vor.u32 $0x16, v4  }
0xa6: {  	v57 =	vor.u32 $0x16, v5;
	v16 =	vmul.f32 v16, v11  }
0xa7: {  	v58 =	vor.u32 $0x16, v6;
	v18 =	vmul.f32 v53, v12  }
0xa8: {  	[tilespmem:s24+$0xFFFFFE50] =	vst v16;
	v15 =	vmul.f32 v15, v13  }
0xa9: {  	v16 =	vld.idx.msk [tilespmem:v54+s12+$0x0], $0xffff;
	[tilespmem:s24+$0xFFFFFF50] =	vst v18;
	v59 =	vmul.f32 v55, v14  }
0xaa: {  	v60 =	vld.idx.msk [tilespmem:v56+s12+$0x0], $0xffff;
	[tilespmem:s24+$0x50] =	vst v15  }
0xab: {  	v15 =	vld.idx.msk [tilespmem:v57+s12+$0x0], $0xffff;
	[tilespmem:s24+$0x150] =	vst v59  }
0xac: {  	v18 =	vld.idx.msk [tilespmem:v58+s12+$0x0], $0xffff;
	_ =	sdelay $0x1  }
0xad: {  	v16 =	vmul.f32 v16, v7  }
0xae: {  	v19 =	vmul.f32 v60, v10  }
0xaf: {  	[tilespmem:s25+$0xFFFFFE60] =	vst v16;
	v15 =	vmul.f32 v15, v8  }
0xb0: {  	v16 =	vld.idx.msk [tilespmem:v54+s13+$0x0], $0xffff;
	[tilespmem:s25+$0xFFFFFF60] =	vst v19;
	v61 =	vmul.f32 v18, v9  }
0xb1: {  	v62 =	vld.idx.msk [tilespmem:v56+s13+$0x0], $0xffff;
	[tilespmem:s25+$0x60] =	vst v15  }
0xb2: {  	v15 =	vld.idx.msk [tilespmem:v57+s13+$0x0], $0xffff;
	[tilespmem:s25+$0x160] =	vst v61  }
0xb3: {  	v63 =	vor.u32 $0x17, v3;
	v24 =	vld.idx.msk [tilespmem:v58+s13+$0x0], $0xffff  }
0xb4: {  	v25 =	vor.u32 $0x17, v4  }
0xb5: {  	v26 =	vor.u32 $0x17, v5;
	v16 =	vmul.f32 v16, v11  }
0xb6: {  	v27 =	vor.u32 $0x17, v6;
	v18 =	vmul.f32 v62, v12  }
0xb7: {  	[tilespmem:s24+$0xFFFFFE60] =	vst v16;
	v15 =	vmul.f32 v15, v13  }
0xb8: {  	v16 =	vld.idx.msk [tilespmem:v63+s12+$0x0], $0xffff;
	[tilespmem:s24+$0xFFFFFF60] =	vst v18;
	v28 =	vmul.f32 v24, v14  }
0xb9: {  	v29 =	vld.idx.msk [tilespmem:v25+s12+$0x0], $0xffff;
	[tilespmem:s24+$0x60] =	vst v15  }
0xba: {  	v15 =	vld.idx.msk [tilespmem:v26+s12+$0x0], $0xffff;
	[tilespmem:s24+$0x160] =	vst v28  }
0xbb: {  	v18 =	vld.idx.msk [tilespmem:v27+s12+$0x0], $0xffff;
	_ =	sdelay $0x1  }
0xbc: {  	v16 =	vmul.f32 v16, v7  }
0xbd: {  	v19 =	vmul.f32 v29, v10  }
0xbe: {  	[tilespmem:s25+$0xFFFFFE70] =	vst v16;
	v15 =	vmul.f32 v15, v8  }
0xbf: {  	v16 =	vld.idx.msk [tilespmem:v63+s13+$0x0], $0xffff;
	[tilespmem:s25+$0xFFFFFF70] =	vst v19;
	v30 =	vmul.f32 v18, v9  }
0xc0: {  	v31 =	vld.idx.msk [tilespmem:v25+s13+$0x0], $0xffff;
	[tilespmem:s25+$0x70] =	vst v15  }
0xc1: {  	v15 =	vld.idx.msk [tilespmem:v26+s13+$0x0], $0xffff;
	[tilespmem:s25+$0x170] =	vst v30  }
0xc2: {  	v32 =	vor.u32 $0x18, v3;
	v33 =	vld.idx.msk [tilespmem:v27+s13+$0x0], $0xffff  }
0xc3: {  	v34 =	vor.u32 $0x18, v4  }
0xc4: {  	v35 =	vor.u32 $0x18, v5;
	v16 =	vmul.f32 v16, v11  }
0xc5: {  	v36 =	vor.u32 $0x18, v6;
	v18 =	vmul.f32 v31, v12  }
0xc6: {  	[tilespmem:s24+$0xFFFFFE70] =	vst v16;
	v15 =	vmul.f32 v15, v13  }
0xc7: {  	v16 =	vld.idx.msk [tilespmem:v32+s12+$0x0], $0xffff;
	[tilespmem:s24+$0xFFFFFF70] =	vst v18;
	v37 =	vmul.f32 v33, v14  }
0xc8: {  	v38 =	vld.idx.msk [tilespmem:v34+s12+$0x0], $0xffff;
	[tilespmem:s24+$0x70] =	vst v15  }
0xc9: {  	v15 =	vld.idx.msk [tilespmem:v35+s12+$0x0], $0xffff;
	[tilespmem:s24+$0x170] =	vst v37  }
0xca: {  	v18 =	vld.idx.msk [tilespmem:v36+s12+$0x0], $0xffff;
	_ =	sdelay $0x1  }
0xcb: {  	v16 =	vmul.f32 v16, v7  }
0xcc: {  	v19 =	vmul.f32 v38, v10  }
0xcd: {  	[tilespmem:s25+$0xFFFFFE80] =	vst v16;
	v15 =	vmul.f32 v15, v8  }
0xce: {  	v16 =	vld.idx.msk [tilespmem:v32+s13+$0x0], $0xffff;
	[tilespmem:s25+$0xFFFFFF80] =	vst v19;
	v39 =	vmul.f32 v18, v9  }
0xcf: {  	v40 =	vld.idx.msk [tilespmem:v34+s13+$0x0], $0xffff;
	[tilespmem:s25+$0x80] =	vst v15  }
0xd0: {  	v15 =	vld.idx.msk [tilespmem:v35+s13+$0x0], $0xffff;
	[tilespmem:s25+$0x180] =	vst v39  }
0xd1: {  	v41 =	vor.u32 $0x19, v3;
	v42 =	vld.idx.msk [tilespmem:v36+s13+$0x0], $0xffff  }
0xd2: {  	v43 =	vor.u32 $0x19, v4  }
0xd3: {  	v44 =	vor.u32 $0x19, v5;
	v16 =	vmul.f32 v16, v11  }
0xd4: {  	v45 =	vor.u32 $0x19, v6;
	v18 =	vmul.f32 v40, v12  }
0xd5: {  	[tilespmem:s24+$0xFFFFFE80] =	vst v16;
	v15 =	vmul.f32 v15, v13  }
0xd6: {  	v16 =	vld.idx.msk [tilespmem:v41+s12+$0x0], $0xffff;
	[tilespmem:s24+$0xFFFFFF80] =	vst v18;
	v46 =	vmul.f32 v42, v14  }
0xd7: {  	v47 =	vld.idx.msk [tilespmem:v43+s12+$0x0], $0xffff;
	[tilespmem:s24+$0x80] =	vst v15  }
0xd8: {  	v15 =	vld.idx.msk [tilespmem:v44+s12+$0x0], $0xffff;
	[tilespmem:s24+$0x180] =	vst v46  }
0xd9: {  	v18 =	vld.idx.msk [tilespmem:v45+s12+$0x0], $0xffff;
	_ =	sdelay $0x1  }
0xda: {  	v16 =	vmul.f32 v16, v7  }
0xdb: {  	v19 =	vmul.f32 v47, v10  }
0xdc: {  	[tilespmem:s25+$0xFFFFFE90] =	vst v16;
	v15 =	vmul.f32 v15, v8  }
0xdd: {  	v16 =	vld.idx.msk [tilespmem:v41+s13+$0x0], $0xffff;
	[tilespmem:s25+$0xFFFFFF90] =	vst v19;
	v48 =	vmul.f32 v18, v9  }
0xde: {  	v49 =	vld.idx.msk [tilespmem:v43+s13+$0x0], $0xffff;
	[tilespmem:s25+$0x90] =	vst v15  }
0xdf: {  	v15 =	vld.idx.msk [tilespmem:v44+s13+$0x0], $0xffff;
	[tilespmem:s25+$0x190] =	vst v48  }
0xe0: {  	v50 =	vor.u32 $0x1A, v3;
	v51 =	vld.idx.msk [tilespmem:v45+s13+$0x0], $0xffff  }
0xe1: {  	v52 =	vor.u32 $0x1A, v4  }
0xe2: {  	v53 =	vor.u32 $0x1A, v5;
	v16 =	vmul.f32 v16, v11  }
0xe3: {  	v54 =	vor.u32 $0x1A, v6;
	v18 =	vmul.f32 v49, v12  }
0xe4: {  	[tilespmem:s24+$0xFFFFFE90] =	vst v16;
	v15 =	vmul.f32 v15, v13  }
0xe5: {  	v16 =	vld.idx.msk [tilespmem:v50+s12+$0x0], $0xffff;
	[tilespmem:s24+$0xFFFFFF90] =	vst v18;
	v55 =	vmul.f32 v51, v14  }
0xe6: {  	v56 =	vld.idx.msk [tilespmem:v52+s12+$0x0], $0xffff;
	[tilespmem:s24+$0x90] =	vst v15  }
0xe7: {  	v15 =	vld.idx.msk [tilespmem:v53+s12+$0x0], $0xffff;
	[tilespmem:s24+$0x190] =	vst v55  }
0xe8: {  	v18 =	vld.idx.msk [tilespmem:v54+s12+$0x0], $0xffff;
	_ =	sdelay $0x1  }
0xe9: {  	v16 =	vmul.f32 v16, v7  }
0xea: {  	v19 =	vmul.f32 v56, v10  }
0xeb: {  	[tilespmem:s25+$0xFFFFFEA0] =	vst v16;
	v15 =	vmul.f32 v15, v8  }
0xec: {  	v16 =	vld.idx.msk [tilespmem:v50+s13+$0x0], $0xffff;
	[tilespmem:s25+$0xFFFFFFA0] =	vst v19;
	v57 =	vmul.f32 v18, v9  }
0xed: {  	v58 =	vld.idx.msk [tilespmem:v52+s13+$0x0], $0xffff;
	[tilespmem:s25+$0xA0] =	vst v15  }
0xee: {  	v15 =	vld.idx.msk [tilespmem:v53+s13+$0x0], $0xffff;
	[tilespmem:s25+$0x1A0] =	vst v57  }
0xef: {  	v59 =	vor.u32 $0x1B, v3;
	v60 =	vld.idx.msk [tilespmem:v54+s13+$0x0], $0xffff  }
0xf0: {  	v61 =	vor.u32 $0x1B, v4  }
0xf1: {  	v62 =	vor.u32 $0x1B, v5;
	v16 =	vmul.f32 v16, v11  }
0xf2: {  	v63 =	vor.u32 $0x1B, v6;
	v18 =	vmul.f32 v58, v12  }
0xf3: {  	[tilespmem:s24+$0xFFFFFEA0] =	vst v16;
	v15 =	vmul.f32 v15, v13  }
0xf4: {  	v16 =	vld.idx.msk [tilespmem:v59+s12+$0x0], $0xffff;
	[tilespmem:s24+$0xFFFFFFA0] =	vst v18;
	v24 =	vmul.f32 v60, v14  }
0xf5: {  	v25 =	vld.idx.msk [tilespmem:v61+s12+$0x0], $0xffff;
	[tilespmem:s24+$0xA0] =	vst v15  }
0xf6: {  	v15 =	vld.idx.msk [tilespmem:v62+s12+$0x0], $0xffff;
	[tilespmem:s24+$0x1A0] =	vst v24  }
0xf7: {  	v18 =	vld.idx.msk [tilespmem:v63+s12+$0x0], $0xffff;
	_ =	sdelay $0x1  }
0xf8: {  	v16 =	vmul.f32 v16, v7  }
0xf9: {  	v19 =	vmul.f32 v25, v10  }
0xfa: {  	[tilespmem:s25+$0xFFFFFEB0] =	vst v16;
	v15 =	vmul.f32 v15, v8  }
0xfb: {  	v16 =	vld.idx.msk [tilespmem:v59+s13+$0x0], $0xffff;
	[tilespmem:s25+$0xFFFFFFB0] =	vst v19;
	v26 =	vmul.f32 v18, v9  }
0xfc: {  	v27 =	vld.idx.msk [tilespmem:v61+s13+$0x0], $0xffff;
	[tilespmem:s25+$0xB0] =	vst v15  }
0xfd: {  	v15 =	vld.idx.msk [tilespmem:v62+s13+$0x0], $0xffff;
	[tilespmem:s25+$0x1B0] =	vst v26  }
0xfe: {  	v28 =	vor.u32 $0x1C, v3;
	v29 =	vld.idx.msk [tilespmem:v63+s13+$0x0], $0xffff  }
0xff: {  	v30 =	vor.u32 $0x1C, v4  }
0x100: {  	v31 =	vor.u32 $0x1C, v5;
	v16 =	vmul.f32 v16, v11  }
0x101: {  	v32 =	vor.u32 $0x1C, v6;
	v18 =	vmul.f32 v27, v12  }
0x102: {  	[tilespmem:s24+$0xFFFFFEB0] =	vst v16;
	v15 =	vmul.f32 v15, v13  }
0x103: {  	v16 =	vld.idx.msk [tilespmem:v28+s12+$0x0], $0xffff;
	[tilespmem:s24+$0xFFFFFFB0] =	vst v18;
	v33 =	vmul.f32 v29, v14  }
0x104: {  	v34 =	vld.idx.msk [tilespmem:v30+s12+$0x0], $0xffff;
	[tilespmem:s24+$0xB0] =	vst v15  }
0x105: {  	v15 =	vld.idx.msk [tilespmem:v31+s12+$0x0], $0xffff;
	[tilespmem:s24+$0x1B0] =	vst v33  }
0x106: {  	v18 =	vld.idx.msk [tilespmem:v32+s12+$0x0], $0xffff;
	_ =	sdelay $0x1  }
0x107: {  	v16 =	vmul.f32 v16, v7  }
0x108: {  	v19 =	vmul.f32 v34, v10  }
0x109: {  	[tilespmem:s25+$0xFFFFFEC0] =	vst v16;
	v15 =	vmul.f32 v15, v8  }
0x10a: {  	v16 =	vld.idx.msk [tilespmem:v28+s13+$0x0], $0xffff;
	[tilespmem:s25+$0xFFFFFFC0] =	vst v19;
	v35 =	vmul.f32 v18, v9  }
0x10b: {  	v36 =	vld.idx.msk [tilespmem:v30+s13+$0x0], $0xffff;
	[tilespmem:s25+$0xC0] =	vst v15  }
0x10c: {  	v15 =	vld.idx.msk [tilespmem:v31+s13+$0x0], $0xffff;
	[tilespmem:s25+$0x1C0] =	vst v35  }
0x10d: {  	v37 =	vor.u32 $0x1D, v3;
	v38 =	vld.idx.msk [tilespmem:v32+s13+$0x0], $0xffff  }
0x10e: {  	v39 =	vor.u32 $0x1D, v4  }
0x10f: {  	v40 =	vor.u32 $0x1D, v5;
	v16 =	vmul.f32 v16, v11  }
0x110: {  	v41 =	vor.u32 $0x1D, v6;
	v18 =	vmul.f32 v36, v12  }
0x111: {  	[tilespmem:s24+$0xFFFFFEC0] =	vst v16;
	v15 =	vmul.f32 v15, v13  }
0x112: {  	v16 =	vld.idx.msk [tilespmem:v37+s12+$0x0], $0xffff;
	[tilespmem:s24+$0xFFFFFFC0] =	vst v18;
	v42 =	vmul.f32 v38, v14  }
0x113: {  	v43 =	vld.idx.msk [tilespmem:v39+s12+$0x0], $0xffff;
	[tilespmem:s24+$0xC0] =	vst v15  }
0x114: {  	v15 =	vld.idx.msk [tilespmem:v40+s12+$0x0], $0xffff;
	[tilespmem:s24+$0x1C0] =	vst v42  }
0x115: {  	v18 =	vld.idx.msk [tilespmem:v41+s12+$0x0], $0xffff;
	_ =	sdelay $0x1  }
0x116: {  	v16 =	vmul.f32 v16, v7  }
0x117: {  	v19 =	vmul.f32 v43, v10  }
0x118: {  	[tilespmem:s25+$0xFFFFFED0] =	vst v16;
	v15 =	vmul.f32 v15, v8  }
0x119: {  	v16 =	vld.idx.msk [tilespmem:v37+s13+$0x0], $0xffff;
	[tilespmem:s25+$0xFFFFFFD0] =	vst v19;
	v44 =	vmul.f32 v18, v9  }
0x11a: {  	v45 =	vld.idx.msk [tilespmem:v39+s13+$0x0], $0xffff;
	[tilespmem:s25+$0xD0] =	vst v15  }
0x11b: {  	v15 =	vld.idx.msk [tilespmem:v40+s13+$0x0], $0xffff;
	[tilespmem:s25+$0x1D0] =	vst v44  }
0x11c: {  	v46 =	vor.u32 $0x1E, v3;
	v47 =	vld.idx.msk [tilespmem:v41+s13+$0x0], $0xffff  }
0x11d: {  	v48 =	vor.u32 $0x1E, v4  }
0x11e: {  	v49 =	vor.u32 $0x1E, v5;
	v16 =	vmul.f32 v16, v11  }
0x11f: {  	v50 =	vor.u32 $0x1E, v6;
	v18 =	vmul.f32 v45, v12  }
0x120: {  	[tilespmem:s24+$0xFFFFFED0] =	vst v16;
	v15 =	vmul.f32 v15, v13  }
0x121: {  	v16 =	vld.idx.msk [tilespmem:v46+s12+$0x0], $0xffff;
	[tilespmem:s24+$0xFFFFFFD0] =	vst v18;
	v51 =	vmul.f32 v47, v14  }
0x122: {  	v52 =	vld.idx.msk [tilespmem:v48+s12+$0x0], $0xffff;
	[tilespmem:s24+$0xD0] =	vst v15  }
0x123: {  	v15 =	vld.idx.msk [tilespmem:v49+s12+$0x0], $0xffff;
	[tilespmem:s24+$0x1D0] =	vst v51  }
0x124: {  	v18 =	vld.idx.msk [tilespmem:v50+s12+$0x0], $0xffff;
	_ =	sdelay $0x1  }
0x125: {  	v16 =	vmul.f32 v16, v7  }
0x126: {  	v19 =	vmul.f32 v52, v10  }
0x127: {  	[tilespmem:s25+$0xFFFFFEE0] =	vst v16;
	v15 =	vmul.f32 v15, v8  }
0x128: {  	v16 =	vld.idx.msk [tilespmem:v46+s13+$0x0], $0xffff;
	[tilespmem:s25+$0xFFFFFFE0] =	vst v19;
	v53 =	vmul.f32 v18, v9  }
0x129: {  	v54 =	vld.idx.msk [tilespmem:v48+s13+$0x0], $0xffff;
	[tilespmem:s25+$0xE0] =	vst v15  }
0x12a: {  	v55 =	vld.idx.msk [tilespmem:v49+s13+$0x0], $0xffff;
	[tilespmem:s25+$0x1E0] =	vst v53  }
0x12b: {  	v3 =	vor.u32 $0x1F, v3;
	v56 =	vld.idx.msk [tilespmem:v50+s13+$0x0], $0xffff  }
0x12c: {  	v4 =	vor.u32 $0x1F, v4  }
0x12d: {  	v5 =	vor.u32 $0x1F, v5;
	v16 =	vmul.f32 v16, v11  }
0x12e: {  	v6 =	vor.u32 $0x1F, v6;
	v15 =	vmul.f32 v54, v12  }
0x12f: {  	[tilespmem:s24+$0xFFFFFEE0] =	vst v16;
	v57 =	vmul.f32 v55, v13  }
0x130: {  	v58 =	vld.idx.msk [tilespmem:v3+s12+$0x0], $0xffff;
	[tilespmem:s24+$0xFFFFFFE0] =	vst v15;
	v59 =	vmul.f32 v56, v14  }
0x131: {  	v60 =	vld.idx.msk [tilespmem:v4+s12+$0x0], $0xffff;
	[tilespmem:s24+$0xE0] =	vst v57  }
0x132: {  	v16 =	vld.idx.msk [tilespmem:v5+s12+$0x0], $0xffff;
	[tilespmem:s24+$0x1E0] =	vst v59  }
0x133: {  	v15 =	vld.idx.msk [tilespmem:v6+s12+$0x0], $0xffff;
	_ =	sdelay $0x1  }
0x134: {  	v7 =	vmul.f32 v58, v7  }
0x135: {  	v10 =	vmul.f32 v60, v10  }
0x136: {  	[tilespmem:s25+$0xFFFFFEF0] =	vst v7;
	v61 =	vmul.f32 v16, v8  }
0x137: {  	v3 =	vld.idx.msk [tilespmem:v3+s13+$0x0], $0xffff;
	[tilespmem:s25+$0xFFFFFFF0] =	vst v10;
	v62 =	vmul.f32 v15, v9  }
0x138: {  	v4 =	vld.idx.msk [tilespmem:v4+s13+$0x0], $0xffff;
	[tilespmem:s25+$0xF0] =	vst v61  }
0x139: {  	v5 =	vld.idx.msk [tilespmem:v5+s13+$0x0], $0xffff;
	[tilespmem:s25+$0x1F0] =	vst v62  }
0x13a: {  	v6 =	vld.idx.msk [tilespmem:v6+s13+$0x0], $0xffff;
	_ =	sdelay $0x1  }
0x13b: {  	p0 =	slt.u32 s29, $0x3C;
	v3 =	vmul.f32 v3, v11  }
.Ltmp0:
0x13c: {  	v4 =	vmul.f32 v4, v12;
	(pc) =	sbr.rel @p0 .LBB2_2-.Ltmp0, $4  }
0x13d: {  	[tilespmem:s24+$0xFFFFFEF0] =	vst v3;
	v3 =	vmul.f32 v5, v13  }
0x13e: {  	s29 =	sadd.s32 $0x4, s29;
	s23 =	sadd.s32 $0x80, s23;
	s31 =	simm.s32 $0x0;
	[tilespmem:s24+$0xFFFFFFF0] =	vst v4;
	v63 =	vmul.f32 v6, v14  }
0x13f: {  	s0 =	simm.s32 $0x0;
	s30 =	simm.s32 $0x0;
	s28 =	sadd.s32 $0x80, s28;
	[tilespmem:s24+$0xF0] =	vst v3  }
0x140: {  	s26 =	sadd.s32 $0x80, s26;
	s25 =	sadd.s32 $0x400, s25;
	[tilespmem:s24+$0x1F0] =	vst v63;
	s24 =	sadd.s32 $0x400, s24  }
.LBB2_3:
0x141: {  	s24 =	sshll.u32 s0, $0x4  }
0x142: {  	s23 =	sand.u32 $0x3FFFFFF0, s24  }
0x143: {  	v3 =	vld [tilespmem:s23+$0x800];
	_ =	sdelay $0x4  }
0x144: {  	s25 =	simm.s32 $0xE00;
	v5 =	vand.u32 $0xFF, v3  }
0x145: {  	s26 =	simm.s32 $0x100;
	v8 =	vor.u32 s25, v5  }
0x146: {  	s18 =	simm.s32 $0x0;
	v10 =	vor.u32 s26, v5  }
0x147: {  	s17 =	simm.s32 $0x200;
	v12 =	vor.u32 s18, v5  }
0x148: {  	s1 =	simm.s32 $0x300;
	v13 =	vor.u32 s17, v5  }
0x149: {  	s2 =	simm.s32 $0x400;
	v15 =	vor.u32 s1, v5  }
0x14a: {  	s3 =	simm.s32 $0x500;
	v17 =	vor.u32 s2, v5;
	v8 =	vld.idx.msk [tilespmem:v8+s15+$0x0], $0xffff  }
0x14b: {  	s5 =	simm.s32 $0x600;
	v4 =	vshrl.u32 v3, $0x8;
	v19 =	vor.u32 s3, v5;
	v10 =	vld.idx.msk [tilespmem:v10+s15+$0x0], $0xffff  }
0x14c: {  	s23 =	simm.s32 $0xF00;
	v4 =	vand.u32 $0xFF, v4;
	v21 =	vor.u32 s5, v5;
	v12 =	vld.idx.msk [tilespmem:v12+s15+$0x0], $0xffff  }
0x14d: {  	s29 =	simm.s32 $0x800;
	v6 =	vor.u32 s23, v4;
	v13 =	vld.idx.msk [tilespmem:v13+s15+$0x0], $0xffff  }
0x14e: {  	v25 =	vor.u32 s29, v5;
	v15 =	vld.idx.msk [tilespmem:v15+s15+$0x0], $0xffff  }
0x14f: {  	v7 =	vor.u32 s25, v4;
	v17 =	vld.idx.msk [tilespmem:v17+s15+$0x0], $0xffff  }
0x150: {  	v9 =	vor.u32 s26, v4;
	v19 =	vld.idx.msk [tilespmem:v19+s15+$0x0], $0xffff  }
0x151: {  	v11 =	vor.u32 s17, v4;
	v21 =	vld.idx.msk [tilespmem:v21+s15+$0x0], $0xffff  }
0x152: {  	v3 =	vld.idx.msk [tilespmem:v6+s14+$0x0], $0xffff;
	v6 =	vor.u32 s18, v4  }
0x153: {  	v14 =	vor.u32 s1, v4;
	v62 =	vld.idx.msk [tilespmem:v25+s15+$0x0], $0xffff  }
0x154: {  	v16 =	vor.u32 s2, v4;
	v7 =	vld.idx.msk [tilespmem:v7+s14+$0x0], $0xffff  }
0x155: {  	s6 =	simm.s32 $0x700;
	v18 =	vor.u32 s3, v4;
	v9 =	vld.idx.msk [tilespmem:v9+s14+$0x0], $0xffff  }
0x156: {  	v22 =	vor.u32 s6, v4;
	v11 =	vld.idx.msk [tilespmem:v11+s14+$0x0], $0xffff  }
0x157: {  	s11 =	sshll.u32 s31, $0x2;
	s28 =	sand.u32 $0x3, s30;
	v23 =	vor.u32 s6, v5;
	v6 =	vld.idx.msk [tilespmem:v6+s14+$0x0], $0xffff  }
0x158: {  	v20 =	vor.u32 s5, v4;
	s17 =	sand.u32 $0xFFFFF000, s11;
	v14 =	vld.idx.msk [tilespmem:v14+s14+$0x0], $0xffff;
	s18 =	sshll.u32 s28, $0x7  }
0x159: {  	v24 =	vor.u32 s29, v4;
	v16 =	vld.idx.msk [tilespmem:v16+s14+$0x0], $0xffff;
	s25 =	sor.u32 s18, s17  }
0x15a: {  	v18 =	vld.idx.msk [tilespmem:v18+s14+$0x0], $0xffff;
	s28 =	simm.s32 $0x900;
	s25 =	sshrl.u32 s25, $0x2;
	v7 =	vmul.f32 v8, v7  }
0x15b: {  	v22 =	vld.idx.msk [tilespmem:v22+s14+$0x0], $0xffff;
	v27 =	vor.u32 s28, v5;
	s25 =	sadd.s32 $0xB000, s25;
	v8 =	vmul.f32 v10, v9  }
0x15c: {  	s29 =	simm.s32 $0xA00;
	v26 =	vor.u32 s28, v4;
	[tilespmem:s25+$0x300] =	vst v7;
	v7 =	vld.idx.msk [tilespmem:v23+s15+$0x0], $0xffff;
	v6 =	vmul.f32 v12, v6  }
0x15d: {  	v20 =	vld.idx.msk [tilespmem:v20+s14+$0x0], $0xffff;
	s28 =	simm.s32 $0xB00;
	v10 =	vor.u32 s29, v4;
	[tilespmem:s25+$0xFFFFF080] =	vst v8;
	v8 =	vmul.f32 v13, v11  }
0x15e: {  	v61 =	vor.u32 s28, v4;
	v63 =	vor.u32 s28, v5;
	s28 =	sand.u32 $0x7, s22;
	v13 =	vld.idx.msk [tilespmem:v24+s14+$0x0], $0xffff;
	[tilespmem:s25+$0xFFFFF000] =	vst v6;
	v6 =	vmul.f32 v15, v14  }
0x15f: {  	s28 =	sshll.u32 s28, $0x6;
	v11 =	vmul.f32 v17, v16;
	[tilespmem:s25+$0xFFFFF100] =	vst v8;
	v12 =	vor.u32 s29, v5  }
0x160: {  	s26 =	sor.u32 s28, s17;
	s28 =	simm.s32 $0xC00;
	v9 =	vld.idx.msk [tilespmem:v27+s15+$0x0], $0xffff;
	[tilespmem:s25+$0xFFFFF180] =	vst v6;
	v6 =	vmul.f32 v19, v18  }
0x161: {  	v16 =	vor.u32 s28, v4;
	v8 =	vld.idx.msk [tilespmem:v26+s14+$0x0], $0xffff;
	[tilespmem:s25+$0xFFFFF200] =	vst v11;
	v17 =	vmul.f32 v7, v22  }
0x162: {  	v10 =	vld.idx.msk [tilespmem:v10+s14+$0x0], $0xffff;
	s29 =	simm.s32 $0xD00;
	v14 =	vmul.f32 v21, v20;
	[tilespmem:s25+$0xFFFFF280] =	vst v6;
	v6 =	vor.u32 s28, v5  }
0x163: {  	s26 =	sshrl.u32 s26, $0x2;
	v15 =	vor.u32 s29, v4;
	[tilespmem:s25+$0xFFFFF380] =	vst v17;
	v17 =	vmul.f32 v62, v13;
	v13 =	vld.idx.msk [tilespmem:v63+s15+$0x0], $0xffff  }
0x164: {  	v7 =	vor.u32 s23, v5;
	s23 =	sadd.s32 $0xB010, s26;
	[tilespmem:s25+$0xFFFFF300] =	vst v14;
	v14 =	vor.u32 s29, v5;
	v11 =	vld.idx.msk [tilespmem:v12+s15+$0x0], $0xffff  }
0x165: {  	s26 =	smov.u32 s25;
	s29 =	simm.s32 $0x1F00;
	v12 =	vld.idx.msk [tilespmem:v61+s14+$0x0], $0xffff;
	s28 =	simm.s32 $0x0  }
.LBB2_4:
0x166: {  	s2 =	sadd.s32 $0xFFFFF200, s29;
	s1 =	sadd.s32 $0xFFFFF300, s29;
	s11 =	sadd.s32 $0xFFFFFF00, s29;
	v18 =	vor.u32 s29, v4;
	v19 =	vor.u32 s29, v5;
	v20 =	vld.idx.msk [tilespmem:v16+s14+$0x0], $0xffff  }
0x167: {  	s17 =	sadd.s32 $0xFFFFF500, s29;
	s28 =	sadd.s32 $0x10, s28;
	v16 =	vor.u32 s2, v4;
	v21 =	vor.u32 s2, v5;
	s2 =	sadd.s32 $0xFFFFF400, s29;
	v22 =	vor.u32 s11, v4;
	[tilespmem:s25+$0x0] =	vst v17;
	v17 =	vld.idx.msk [tilespmem:v6+s15+$0x0], $0xffff  }
0x168: {  	s18 =	sadd.s32 $0xFFFFF700, s29;
	v6 =	vor.u32 s1, v4;
	v23 =	vor.u32 s1, v5;
	s1 =	sadd.s32 $0xFFFFF600, s29;
	v24 =	vor.u32 s11, v5;
	p0 =	slt.u32 s28, $0x30;
	v25 =	vld.idx.msk [tilespmem:v15+s14+$0x0], $0xffff  }
0x169: {  	s3 =	sadd.s32 $0xFFFFFA00, s29;
	v28 =	vor.u32 s17, v4;
	s11 =	sadd.s32 $0xFFFFF900, s29;
	v26 =	vor.u32 s2, v4;
	v27 =	vor.u32 s2, v5;
	s2 =	sadd.s32 $0xFFFFF800, s29;
	v29 =	vld.idx.msk [tilespmem:v14+s15+$0x0], $0xffff  }
0x16a: {  	s5 =	sadd.s32 $0xFFFFFD00, s29;
	v30 =	vor.u32 s17, v5;
	s17 =	sadd.s32 $0xFFFFFC00, s29;
	v31 =	vor.u32 s1, v4;
	v32 =	vor.u32 s1, v5;
	s1 =	sadd.s32 $0xFFFFFB00, s29;
	v33 =	vld.idx.msk [tilespmem:v7+s15+$0x0], $0xffff;
	v7 =	vmovc v19  }
0x16b: {  	s6 =	sadd.s32 $0xFFFFF100, s29;
	v34 =	vor.u32 s18, v5;
	v35 =	vor.u32 s2, v4;
	v19 =	vor.u32 s18, v4;
	s18 =	sadd.s32 $0xFFFFFE00, s29;
	v18 =	vld.idx.msk [tilespmem:v18+s14+$0x0], $0xffff  }
0x16c: {  	v36 =	vor.u32 s6, v4;
	v37 =	vor.u32 s6, v5;
	v38 =	vor.u32 s2, v5;
	v22 =	vld.idx.msk [tilespmem:v22+s14+$0x0], $0xffff  }
0x16d: {  	v41 =	vor.u32 s3, v4;
	v39 =	vor.u32 s11, v4;
	v40 =	vor.u32 s11, v5;
	v24 =	vld.idx.msk [tilespmem:v24+s15+$0x0], $0xffff  }
0x16e: {  	v43 =	vor.u32 s3, v5;
	v44 =	vor.u32 s1, v4;
	v45 =	vor.u32 s1, v5;
	v42 =	vld.idx.msk [tilespmem:v16+s14+$0x0], $0xffff  }
0x16f: {  	v46 =	vor.u32 s17, v4;
	v47 =	vor.u32 s17, v5;
	v16 =	vor.u32 s5, v4;
	v21 =	vld.idx.msk [tilespmem:v21+s15+$0x0], $0xffff  }
0x170: {  	v15 =	vor.u32 s18, v4;
	v14 =	vor.u32 s18, v5;
	v48 =	vld.idx.msk [tilespmem:v6+s14+$0x0], $0xffff;
	v6 =	vor.u32 s5, v5  }
0x171: {  	v8 =	vmul.f32 v9, v8;
	v9 =	vmul.f32 v11, v10;
	v36 =	vld.idx.msk [tilespmem:v36+s14+$0x0], $0xffff  }
0x172: {  	v11 =	vmul.f32 v13, v12;
	v12 =	vmul.f32 v17, v20;
	v10 =	vld.idx.msk [tilespmem:v37+s15+$0x0], $0xffff  }
0x173: {  	v17 =	vmul.f32 v24, v22;
	v13 =	vld.idx.msk [tilespmem:v23+s15+$0x0], $0xffff;
	[tilespmem:s25+$0x80] =	vst v8;
	v8 =	vmul.f32 v29, v25  }
0x174: {  	s25 =	sadd.s32 $0x2000, s25;
	v20 =	vld.idx.msk [tilespmem:v26+s14+$0x0], $0xffff;
	[tilespmem:s26+$0x100] =	vst v9;
	v9 =	vmul.f32 v33, v3;
	v3 =	vmov v18  }
0x175: {  	v18 =	vmul.f32 v21, v42;
	v21 =	vld.idx.msk [tilespmem:v27+s15+$0x0], $0xffff;
	[tilespmem:s25+$0x300] =	vst v17  }
0x176: {  	v17 =	vld.idx.msk [tilespmem:v28+s14+$0x0], $0xffff;
	[tilespmem:s26+$0x180] =	vst v11  }
0x177: {  	[tilespmem:s25+$0xFFFFF080] =	vst v18;
	v11 =	vld.idx.msk [tilespmem:v30+s15+$0x0], $0xffff  }
0x178: {  	v10 =	vmul.f32 v10, v36;
	v18 =	vld.idx.msk [tilespmem:v31+s14+$0x0], $0xffff;
	[tilespmem:s26+$0x200] =	vst v12  }
0x179: {  	v12 =	vmul.f32 v13, v48;
	v13 =	vld.idx.msk [tilespmem:v32+s15+$0x0], $0xffff;
	[tilespmem:s26+$0x280] =	vst v8  }
0x17a: {  	[tilespmem:s25+$0xFFFFF000] =	vst v10;
	v10 =	vld.idx.msk [tilespmem:v19+s14+$0x0], $0xffff  }
0x17b: {  	v8 =	vmul.f32 v21, v20;
	[tilespmem:s25+$0xFFFFF100] =	vst v12;
	v12 =	vld.idx.msk [tilespmem:v34+s15+$0x0], $0xffff  }
0x17c: {  	v19 =	vld.idx.msk [tilespmem:v35+s14+$0x0], $0xffff;
	[tilespmem:s26+$0x380] =	vst v9;
	s26 =	smov.u32 s25  }
0x17d: {  	[tilespmem:s25+$0xFFFFF180] =	vst v8;
	v8 =	vmul.f32 v11, v17;
	v11 =	vld.idx.msk [tilespmem:v38+s15+$0x0], $0xffff  }
0x17e: {  	v17 =	vld.idx.msk [tilespmem:v39+s14+$0x0], $0xffff  }
0x17f: {  	v9 =	vmul.f32 v13, v18;
	[tilespmem:s25+$0xFFFFF200] =	vst v8;
	v13 =	vld.idx.msk [tilespmem:v40+s15+$0x0], $0xffff  }
0x180: {  	v8 =	vld.idx.msk [tilespmem:v41+s14+$0x0], $0xffff  }
.Ltmp1:
0x181: {  	v12 =	vmul.f32 v12, v10;
	[tilespmem:s25+$0xFFFFF280] =	vst v9;
	v9 =	vld.idx.msk [tilespmem:v43+s15+$0x0], $0xffff;
	(pc) =	sbr.rel @p0 .LBB2_4-.Ltmp1, $4  }
0x182: {  	v10 =	vld.idx.msk [tilespmem:v44+s14+$0x0], $0xffff  }
0x183: {  	v18 =	vmul.f32 v11, v19;
	[tilespmem:s25+$0xFFFFF300] =	vst v12;
	v11 =	vld.idx.msk [tilespmem:v45+s15+$0x0], $0xffff  }
0x184: {  	v12 =	vld.idx.msk [tilespmem:v46+s14+$0x0], $0xffff  }
0x185: {  	s29 =	sadd.s32 $0x1000, s29;
	v17 =	vmul.f32 v13, v17;
	[tilespmem:s25+$0xFFFFF380] =	vst v18;
	v13 =	vld.idx.msk [tilespmem:v47+s15+$0x0], $0xffff  }
0x186: {  	s1 =	sor.u32 $0x10, s24  }
0x187: {  	s1 =	sand.u32 $0x3FFFFFF0, s1  }
0x188: {  	v5 =	vld [tilespmem:s1+$0x800];
	_ =	sdelay $0x4  }
0x189: {  	s17 =	simm.s32 $0xE00;
	v19 =	vld.idx.msk [tilespmem:v6+s15+$0x0], $0xffff;
	v6 =	vand.u32 $0xFF, v5  }
0x18a: {  	s2 =	simm.s32 $0x100;
	v21 =	vor.u32 s17, v6  }
0x18b: {  	v16 =	vld.idx.msk [tilespmem:v16+s14+$0x0], $0xffff;
	s28 =	simm.s32 $0x0;
	v23 =	vor.u32 s2, v6  }
0x18c: {  	v15 =	vld.idx.msk [tilespmem:v15+s14+$0x0], $0xffff;
	s18 =	simm.s32 $0x200;
	v25 =	vor.u32 s28, v6  }
0x18d: {  	v14 =	vld.idx.msk [tilespmem:v14+s15+$0x0], $0xffff;
	s29 =	simm.s32 $0x300;
	v26 =	vor.u32 s18, v6  }
0x18e: {  	v7 =	vld.idx.msk [tilespmem:v7+s15+$0x0], $0xffff;
	s3 =	simm.s32 $0x400;
	v28 =	vor.u32 s29, v6  }
0x18f: {  	s5 =	simm.s32 $0x500;
	v30 =	vor.u32 s3, v6;
	v21 =	vld.idx.msk [tilespmem:v21+s15+$0x0], $0xffff  }
0x190: {  	s6 =	simm.s32 $0x600;
	v4 =	vshrl.u32 v5, $0x8;
	v32 =	vor.u32 s5, v6;
	v23 =	vld.idx.msk [tilespmem:v23+s15+$0x0], $0xffff  }
0x191: {  	s24 =	simm.s32 $0xF00;
	v10 =	vmul.f32 v11, v10;
	v4 =	vand.u32 $0xFF, v4;
	v11 =	vor.u32 s6, v6;
	v25 =	vld.idx.msk [tilespmem:v25+s15+$0x0], $0xffff  }
0x192: {  	v18 =	vor.u32 s24, v4;
	v26 =	vld.idx.msk [tilespmem:v26+s15+$0x0], $0xffff  }
0x193: {  	v20 =	vor.u32 s17, v4;
	v28 =	vld.idx.msk [tilespmem:v28+s15+$0x0], $0xffff  }
0x194: {  	v12 =	vmul.f32 v13, v12;
	v22 =	vor.u32 s2, v4;
	v13 =	vld.idx.msk [tilespmem:v30+s15+$0x0], $0xffff  }
0x195: {  	v14 =	vmul.f32 v14, v15;
	v24 =	vor.u32 s18, v4;
	v15 =	vld.idx.msk [tilespmem:v32+s15+$0x0], $0xffff  }
0x196: {  	v27 =	vor.u32 s29, v4;
	v11 =	vld.idx.msk [tilespmem:v11+s15+$0x0], $0xffff  }
0x197: {  	v8 =	vmul.f32 v9, v8;
	v9 =	vor.u32 s6, v4;
	v5 =	vld.idx.msk [tilespmem:v18+s14+$0x0], $0xffff  }
0x198: {  	v18 =	vor.u32 s28, v4;
	v20 =	vld.idx.msk [tilespmem:v20+s14+$0x0], $0xffff  }
0x199: {  	v31 =	vor.u32 s5, v4;
	v22 =	vld.idx.msk [tilespmem:v22+s14+$0x0], $0xffff  }
0x19a: {  	s11 =	simm.s32 $0x700;
	[tilespmem:s25+$0x80] =	vst v8;
	v16 =	vmul.f32 v19, v16;
	v29 =	vor.u32 s3, v4;
	v24 =	vld.idx.msk [tilespmem:v24+s14+$0x0], $0xffff  }
0x19b: {  	[tilespmem:s26+$0x180] =	vst v12;
	v8 =	vor.u32 s11, v4;
	s17 =	simm.s32 $0x800;
	v27 =	vld.idx.msk [tilespmem:v27+s14+$0x0], $0xffff  }
0x19c: {  	[tilespmem:s26+$0x200] =	vst v16;
	v12 =	vor.u32 s17, v4;
	v16 =	vld.idx.msk [tilespmem:v9+s14+$0x0], $0xffff  }
0x19d: {  	[tilespmem:s26+$0x100] =	vst v10;
	v10 =	vor.u32 s11, v6;
	v18 =	vld.idx.msk [tilespmem:v18+s14+$0x0], $0xffff  }
0x19e: {  	[tilespmem:s25+$0x0] =	vst v17;
	v3 =	vmul.f32 v7, v3;
	s18 =	simm.s32 $0x900;
	v7 =	vor.u32 s17, v6;
	v19 =	vld.idx.msk [tilespmem:v31+s14+$0x0], $0xffff  }
0x19f: {  	[tilespmem:s26+$0x280] =	vst v14;
	v17 =	vld.idx.msk [tilespmem:v29+s14+$0x0], $0xffff;
	v9 =	vor.u32 s18, v4;
	v14 =	vmul.f32 v21, v20  }
0x1a0: {  	s25 =	simm.s32 $0xA00;
	[tilespmem:s26+$0x380] =	vst v3;
	v3 =	vor.u32 s18, v6;
	v8 =	vld.idx.msk [tilespmem:v8+s14+$0x0], $0xffff;
	v57 =	vmul.f32 v23, v22  }
0x1a1: {  	s26 =	simm.s32 $0xB00;
	v59 =	vor.u32 s25, v6;
	v60 =	vld.idx.msk [tilespmem:v12+s14+$0x0], $0xffff;
	v12 =	vmul.f32 v28, v27;
	[tilespmem:s23+$0x300] =	vst v14  }
0x1a2: {  	v61 =	vor.u32 s26, v4;
	v11 =	vmul.f32 v11, v16;
	[tilespmem:s23+$0xFFFFF080] =	vst v57;
	v14 =	vmul.f32 v25, v18;
	v18 =	vld.idx.msk [tilespmem:v10+s15+$0x0], $0xffff  }
0x1a3: {  	v58 =	vor.u32 s25, v4;
	v62 =	vld.idx.msk [tilespmem:v7+s15+$0x0], $0xffff;
	[tilespmem:s23+$0xFFFFF180] =	vst v12;
	v12 =	vmul.f32 v15, v19  }
0x1a4: {  	v63 =	vor.u32 s26, v6;
	s28 =	simm.s32 $0xC00;
	v7 =	vld.idx.msk [tilespmem:v9+s14+$0x0], $0xffff;
	[tilespmem:s23+$0xFFFFF300] =	vst v11;
	v10 =	vmul.f32 v26, v24  }
0x1a5: {  	v9 =	vld.idx.msk [tilespmem:v3+s15+$0x0], $0xffff;
	v15 =	vor.u32 s28, v4;
	[tilespmem:s23+$0xFFFFF280] =	vst v12  }
0x1a6: {  	s29 =	simm.s32 $0xD00;
	v12 =	vor.u32 s28, v6;
	[tilespmem:s23+$0xFFFFF100] =	vst v10;
	v10 =	vmul.f32 v13, v17;
	v13 =	vld.idx.msk [tilespmem:v59+s15+$0x0], $0xffff  }
0x1a7: {  	v11 =	vor.u32 s29, v4;
	[tilespmem:s23+$0xFFFFF000] =	vst v14;
	v14 =	vld.idx.msk [tilespmem:v61+s14+$0x0], $0xffff;
	v16 =	vmul.f32 v18, v8  }
0x1a8: {  	[tilespmem:s23+$0xFFFFF200] =	vst v10;
	v10 =	vld.idx.msk [tilespmem:v58+s14+$0x0], $0xffff;
	v8 =	vor.u32 s29, v6  }
0x1a9: {  	s25 =	simm.s32 $0x0;
	s26 =	simm.s32 $0x1F00;
	v3 =	vor.u32 s24, v6;
	s24 =	smov.u32 s23;
	v17 =	vmul.f32 v62, v60;
	[tilespmem:s23+$0xFFFFF380] =	vst v16;
	v16 =	vld.idx.msk [tilespmem:v63+s15+$0x0], $0xffff  }
.LBB2_6:
0x1aa: {  	s1 =	sadd.s32 $0xFFFFF200, s26;
	s2 =	sadd.s32 $0xFFFFF300, s26;
	s3 =	sadd.s32 $0xFFFFFF00, s26;
	v18 =	vor.u32 s26, v4;
	v19 =	vor.u32 s26, v6;
	v20 =	vld.idx.msk [tilespmem:v15+s14+$0x0], $0xffff  }
0x1ab: {  	s5 =	sadd.s32 $0xFFFFF500, s26;
	s25 =	sadd.s32 $0x10, s25;
	v15 =	vor.u32 s1, v4;
	v21 =	vor.u32 s1, v6;
	s1 =	sadd.s32 $0xFFFFF400, s26;
	v22 =	vor.u32 s3, v4;
	[tilespmem:s23+$0x0] =	vst v17;
	v17 =	vld.idx.msk [tilespmem:v12+s15+$0x0], $0xffff  }
0x1ac: {  	s6 =	sadd.s32 $0xFFFFF700, s26;
	v12 =	vor.u32 s2, v4;
	v23 =	vor.u32 s2, v6;
	s2 =	sadd.s32 $0xFFFFF600, s26;
	v24 =	vor.u32 s3, v6;
	p0 =	slt.u32 s25, $0x30;
	v25 =	vld.idx.msk [tilespmem:v11+s14+$0x0], $0xffff  }
0x1ad: {  	s11 =	sadd.s32 $0xFFFFFA00, s26;
	v28 =	vor.u32 s5, v4;
	s3 =	sadd.s32 $0xFFFFF900, s26;
	v26 =	vor.u32 s1, v4;
	v27 =	vor.u32 s1, v6;
	s1 =	sadd.s32 $0xFFFFF800, s26;
	v29 =	vld.idx.msk [tilespmem:v8+s15+$0x0], $0xffff  }
0x1ae: {  	s17 =	sadd.s32 $0xFFFFFD00, s26;
	v30 =	vor.u32 s5, v6;
	s5 =	sadd.s32 $0xFFFFFC00, s26;
	v31 =	vor.u32 s2, v4;
	v32 =	vor.u32 s2, v6;
	s2 =	sadd.s32 $0xFFFFFB00, s26;
	v33 =	vld.idx.msk [tilespmem:v3+s15+$0x0], $0xffff;
	v3 =	vmovc v19  }
0x1af: {  	s18 =	sadd.s32 $0xFFFFF100, s26;
	v34 =	vor.u32 s6, v6;
	v35 =	vor.u32 s1, v4;
	v19 =	vor.u32 s6, v4;
	s6 =	sadd.s32 $0xFFFFFE00, s26;
	v18 =	vld.idx.msk [tilespmem:v18+s14+$0x0], $0xffff  }
0x1b0: {  	v36 =	vor.u32 s18, v4;
	v37 =	vor.u32 s18, v6;
	v38 =	vor.u32 s1, v6;
	v22 =	vld.idx.msk [tilespmem:v22+s14+$0x0], $0xffff  }
0x1b1: {  	v41 =	vor.u32 s11, v4;
	v39 =	vor.u32 s3, v4;
	v40 =	vor.u32 s3, v6;
	v24 =	vld.idx.msk [tilespmem:v24+s15+$0x0], $0xffff  }
0x1b2: {  	v43 =	vor.u32 s11, v6;
	v44 =	vor.u32 s2, v4;
	v45 =	vor.u32 s2, v6;
	v42 =	vld.idx.msk [tilespmem:v15+s14+$0x0], $0xffff  }
0x1b3: {  	v46 =	vor.u32 s5, v4;
	v47 =	vor.u32 s5, v6;
	v15 =	vor.u32 s17, v4;
	v21 =	vld.idx.msk [tilespmem:v21+s15+$0x0], $0xffff  }
0x1b4: {  	v11 =	vor.u32 s6, v4;
	v8 =	vor.u32 s6, v6;
	v48 =	vld.idx.msk [tilespmem:v12+s14+$0x0], $0xffff;
	v12 =	vor.u32 s17, v6  }
0x1b5: {  	v7 =	vmul.f32 v9, v7;
	v9 =	vmul.f32 v13, v10;
	v36 =	vld.idx.msk [tilespmem:v36+s14+$0x0], $0xffff  }
0x1b6: {  	v13 =	vmul.f32 v16, v14;
	v14 =	vmul.f32 v17, v20;
	v10 =	vld.idx.msk [tilespmem:v37+s15+$0x0], $0xffff  }
0x1b7: {  	v17 =	vmul.f32 v24, v22;
	v16 =	vld.idx.msk [tilespmem:v23+s15+$0x0], $0xffff;
	[tilespmem:s23+$0x80] =	vst v7;
	v7 =	vmul.f32 v29, v25  }
0x1b8: {  	s23 =	sadd.s32 $0x2000, s23;
	v20 =	vld.idx.msk [tilespmem:v26+s14+$0x0], $0xffff;
	[tilespmem:s24+$0x100] =	vst v9;
	v9 =	vmul.f32 v33, v5;
	v5 =	vmov v18  }
0x1b9: {  	v18 =	vmul.f32 v21, v42;
	v21 =	vld.idx.msk [tilespmem:v27+s15+$0x0], $0xffff;
	[tilespmem:s23+$0x300] =	vst v17  }
0x1ba: {  	v17 =	vld.idx.msk [tilespmem:v28+s14+$0x0], $0xffff;
	[tilespmem:s24+$0x180] =	vst v13  }
0x1bb: {  	[tilespmem:s23+$0xFFFFF080] =	vst v18;
	v13 =	vld.idx.msk [tilespmem:v30+s15+$0x0], $0xffff  }
0x1bc: {  	v10 =	vmul.f32 v10, v36;
	v18 =	vld.idx.msk [tilespmem:v31+s14+$0x0], $0xffff;
	[tilespmem:s24+$0x200] =	vst v14  }
0x1bd: {  	v14 =	vmul.f32 v16, v48;
	v16 =	vld.idx.msk [tilespmem:v32+s15+$0x0], $0xffff;
	[tilespmem:s24+$0x280] =	vst v7  }
0x1be: {  	[tilespmem:s23+$0xFFFFF000] =	vst v10;
	v10 =	vld.idx.msk [tilespmem:v19+s14+$0x0], $0xffff  }
0x1bf: {  	v7 =	vmul.f32 v21, v20;
	[tilespmem:s23+$0xFFFFF100] =	vst v14;
	v14 =	vld.idx.msk [tilespmem:v34+s15+$0x0], $0xffff  }
0x1c0: {  	v19 =	vld.idx.msk [tilespmem:v35+s14+$0x0], $0xffff;
	[tilespmem:s24+$0x380] =	vst v9;
	s24 =	smov.u32 s23  }
0x1c1: {  	[tilespmem:s23+$0xFFFFF180] =	vst v7;
	v7 =	vmul.f32 v13, v17;
	v13 =	vld.idx.msk [tilespmem:v38+s15+$0x0], $0xffff  }
0x1c2: {  	v17 =	vld.idx.msk [tilespmem:v39+s14+$0x0], $0xffff  }
0x1c3: {  	v9 =	vmul.f32 v16, v18;
	[tilespmem:s23+$0xFFFFF200] =	vst v7;
	v16 =	vld.idx.msk [tilespmem:v40+s15+$0x0], $0xffff  }
0x1c4: {  	v7 =	vld.idx.msk [tilespmem:v41+s14+$0x0], $0xffff  }
.Ltmp2:
0x1c5: {  	v14 =	vmul.f32 v14, v10;
	[tilespmem:s23+$0xFFFFF280] =	vst v9;
	v9 =	vld.idx.msk [tilespmem:v43+s15+$0x0], $0xffff;
	(pc) =	sbr.rel @p0 .LBB2_6-.Ltmp2, $4  }
0x1c6: {  	v10 =	vld.idx.msk [tilespmem:v44+s14+$0x0], $0xffff  }
0x1c7: {  	v18 =	vmul.f32 v13, v19;
	[tilespmem:s23+$0xFFFFF300] =	vst v14;
	v13 =	vld.idx.msk [tilespmem:v45+s15+$0x0], $0xffff  }
0x1c8: {  	v14 =	vld.idx.msk [tilespmem:v46+s14+$0x0], $0xffff  }
0x1c9: {  	s26 =	sadd.s32 $0x1000, s26;
	v17 =	vmul.f32 v16, v17;
	[tilespmem:s23+$0xFFFFF380] =	vst v18;
	v16 =	vld.idx.msk [tilespmem:v47+s15+$0x0], $0xffff  }
0x1ca: {  	_ =	sdelay $0x3  }
0x1cb: {  	v4 =	vld.idx.msk [tilespmem:v15+s14+$0x0], $0xffff  }
0x1cc: {  	v6 =	vld.idx.msk [tilespmem:v12+s15+$0x0], $0xffff  }
0x1cd: {  	v11 =	vld.idx.msk [tilespmem:v11+s14+$0x0], $0xffff  }
0x1ce: {  	v8 =	vld.idx.msk [tilespmem:v8+s15+$0x0], $0xffff  }
0x1cf: {  	v3 =	vld.idx.msk [tilespmem:v3+s15+$0x0], $0xffff;
	v7 =	vmul.f32 v9, v7  }
0x1d0: {  	[tilespmem:s23+$0x0] =	vst v17;
	v61 =	vmul.f32 v13, v10  }
0x1d1: {  	p0 =	slt.u32 s0, $0x1E;
	[tilespmem:s23+$0x80] =	vst v7;
	v62 =	vmul.f32 v16, v14  }
.Ltmp3:
0x1d2: {  	[tilespmem:s24+$0x100] =	vst v61;
	v4 =	vmul.f32 v6, v4;
	(pc) =	sbr.rel @p0 .LBB2_3-.Ltmp3, $4  }
0x1d3: {  	v63 =	vmul.f32 v8, v11;
	[tilespmem:s24+$0x180] =	vst v62  }
0x1d4: {  	v3 =	vmul.f32 v3, v5;
	[tilespmem:s24+$0x200] =	vst v4  }
0x1d5: {  	s1 =	sadd.s32 $0x2, s0;
	s31 =	sadd.s32 $0x100, s31;
	[tilespmem:s24+$0x280] =	vst v63  }
0x1d6: {  	s30 =	sadd.s32 $0x1, s30;
	s22 =	sadd.s32 $0x2, s22;
	s0 =	smov.u32 s1;
	[tilespmem:s24+$0x380] =	vst v3  }
0x1d7: {  	s0 =	simm.s32 $0xA000;
	s25 =	simm.s32 $0x0  }
0x1d8: {  	s22 =	simm.s32 $0x0;
	s23 =	simm.s32 $0x0;
	s24 =	simm.s32 $0x0  }
0x1d9: {  	[hbm4b:s4+s14] =	stream.strided.scatter [tilespmem:s0], [sflag:$0x1], $0x8000, s16, s14, $0x38;
	[tilespmem:$0x1A000] =	vst v63  }
.LBB2_9:
0x1da: {  	s26 =	sshll.u32 s25, $0x4  }
0x1db: {  	s0 =	sand.u32 $0x3FFFFFF0, s26  }
0x1dc: {  	v3 =	vld [tilespmem:s0+$0xA00];
	_ =	sdelay $0x4  }
0x1dd: {  	s1 =	simm.s32 $0xE00;
	v5 =	vand.u32 $0xFF, v3  }
0x1de: {  	s2 =	simm.s32 $0x100;
	v8 =	vor.u32 s1, v5  }
0x1df: {  	s11 =	simm.s32 $0x0;
	v10 =	vor.u32 s2, v5  }
0x1e0: {  	s6 =	simm.s32 $0x200;
	v12 =	vor.u32 s11, v5  }
0x1e1: {  	s17 =	simm.s32 $0x300;
	v13 =	vor.u32 s6, v5  }
0x1e2: {  	s18 =	simm.s32 $0x400;
	v15 =	vor.u32 s17, v5  }
0x1e3: {  	s3 =	simm.s32 $0x500;
	v17 =	vor.u32 s18, v5;
	v8 =	vld.idx.msk [tilespmem:v8+s15+$0x0], $0xffff  }
0x1e4: {  	s5 =	simm.s32 $0x600;
	v4 =	vshrl.u32 v3, $0x8;
	v19 =	vor.u32 s3, v5;
	v10 =	vld.idx.msk [tilespmem:v10+s15+$0x0], $0xffff  }
0x1e5: {  	s0 =	simm.s32 $0xF00;
	v4 =	vand.u32 $0xFF, v4;
	v21 =	vor.u32 s5, v5;
	v12 =	vld.idx.msk [tilespmem:v12+s15+$0x0], $0xffff  }
0x1e6: {  	v6 =	vor.u32 s0, v4;
	v13 =	vld.idx.msk [tilespmem:v13+s15+$0x0], $0xffff  }
0x1e7: {  	v7 =	vor.u32 s1, v4;
	v15 =	vld.idx.msk [tilespmem:v15+s15+$0x0], $0xffff  }
0x1e8: {  	v9 =	vor.u32 s2, v4;
	v17 =	vld.idx.msk [tilespmem:v17+s15+$0x0], $0xffff  }
0x1e9: {  	v11 =	vor.u32 s6, v4;
	v19 =	vld.idx.msk [tilespmem:v19+s15+$0x0], $0xffff  }
0x1ea: {  	v14 =	vor.u32 s17, v4;
	v21 =	vld.idx.msk [tilespmem:v21+s15+$0x0], $0xffff  }
0x1eb: {  	v3 =	vld.idx.msk [tilespmem:v6+s14+$0x0], $0xffff;
	v6 =	vor.u32 s11, v4  }
0x1ec: {  	v16 =	vor.u32 s18, v4;
	v7 =	vld.idx.msk [tilespmem:v7+s14+$0x0], $0xffff  }
0x1ed: {  	v18 =	vor.u32 s3, v4;
	v9 =	vld.idx.msk [tilespmem:v9+s14+$0x0], $0xffff  }
0x1ee: {  	v20 =	vor.u32 s5, v4;
	s6 =	simm.s32 $0x700;
	v11 =	vld.idx.msk [tilespmem:v11+s14+$0x0], $0xffff  }
0x1ef: {  	v22 =	vor.u32 s6, v4;
	v14 =	vld.idx.msk [tilespmem:v14+s14+$0x0], $0xffff  }
0x1f0: {  	s3 =	sand.u32 $0x3, s23;
	s5 =	simm.s32 $0x800;
	v23 =	vor.u32 s6, v5;
	s11 =	sshll.u32 s24, $0x2;
	v6 =	vld.idx.msk [tilespmem:v6+s14+$0x0], $0xffff  }
0x1f1: {  	s17 =	sshll.u32 s3, $0x7;
	v25 =	vor.u32 s5, v5;
	v16 =	vld.idx.msk [tilespmem:v16+s14+$0x0], $0xffff;
	s1 =	sand.u32 $0xFFFFF000, s11  }
0x1f2: {  	v24 =	vor.u32 s5, v4;
	v18 =	vld.idx.msk [tilespmem:v18+s14+$0x0], $0xffff;
	s2 =	sor.u32 s17, s1  }
0x1f3: {  	s18 =	simm.s32 $0x900;
	v20 =	vld.idx.msk [tilespmem:v20+s14+$0x0], $0xffff;
	s2 =	sshrl.u32 s2, $0x2;
	v7 =	vmul.f32 v8, v7  }
0x1f4: {  	v27 =	vor.u32 s18, v5;
	v22 =	vld.idx.msk [tilespmem:v22+s14+$0x0], $0xffff;
	s28 =	sadd.s32 $0x13000, s2;
	v8 =	vmul.f32 v10, v9  }
0x1f5: {  	v26 =	vor.u32 s18, v4;
	s5 =	simm.s32 $0xA00;
	[tilespmem:s28+$0x300] =	vst v7;
	v7 =	vld.idx.msk [tilespmem:v23+s15+$0x0], $0xffff;
	v6 =	vmul.f32 v12, v6  }
0x1f6: {  	s6 =	simm.s32 $0xB00;
	v62 =	vld.idx.msk [tilespmem:v25+s15+$0x0], $0xffff;
	v10 =	vor.u32 s5, v4;
	[tilespmem:s28+$0xFFFFF080] =	vst v8;
	v8 =	vmul.f32 v13, v11  }
0x1f7: {  	v63 =	vor.u32 s6, v5;
	v13 =	vld.idx.msk [tilespmem:v24+s14+$0x0], $0xffff;
	[tilespmem:s28+$0xFFFFF000] =	vst v6;
	v6 =	vmul.f32 v15, v14  }
0x1f8: {  	v11 =	vmul.f32 v17, v16;
	[tilespmem:s28+$0xFFFFF100] =	vst v8;
	v12 =	vor.u32 s5, v5  }
0x1f9: {  	v61 =	vor.u32 s6, v4;
	s17 =	simm.s32 $0xC00;
	v9 =	vld.idx.msk [tilespmem:v27+s15+$0x0], $0xffff;
	[tilespmem:s28+$0xFFFFF180] =	vst v6;
	v6 =	vmul.f32 v19, v18  }
0x1fa: {  	s11 =	sand.u32 $0x7, s22;
	v16 =	vor.u32 s17, v4;
	v8 =	vld.idx.msk [tilespmem:v26+s14+$0x0], $0xffff;
	[tilespmem:s28+$0xFFFFF200] =	vst v11;
	v17 =	vmul.f32 v7, v22  }
0x1fb: {  	s18 =	simm.s32 $0xD00;
	s2 =	sshll.u32 s11, $0x6;
	v10 =	vld.idx.msk [tilespmem:v10+s14+$0x0], $0xffff;
	v14 =	vmul.f32 v21, v20;
	[tilespmem:s28+$0xFFFFF280] =	vst v6;
	v6 =	vor.u32 s17, v5  }
0x1fc: {  	s1 =	sor.u32 s2, s1;
	v15 =	vor.u32 s18, v4;
	[tilespmem:s28+$0xFFFFF380] =	vst v17;
	v17 =	vmul.f32 v62, v13;
	v13 =	vld.idx.msk [tilespmem:v63+s15+$0x0], $0xffff  }
0x1fd: {  	s30 =	simm.s32 $0x0;
	s1 =	sshrl.u32 s1, $0x2;
	[tilespmem:s28+$0xFFFFF300] =	vst v14;
	v14 =	vor.u32 s18, v5;
	v11 =	vld.idx.msk [tilespmem:v12+s15+$0x0], $0xffff  }
0x1fe: {  	s31 =	simm.s32 $0x1F00;
	s29 =	smov.u32 s28;
	v7 =	vor.u32 s0, v5;
	s0 =	sadd.s32 $0x13010, s1;
	v12 =	vld.idx.msk [tilespmem:v61+s14+$0x0], $0xffff  }
.LBB2_10:
0x1ff: {  	s1 =	sadd.s32 $0xFFFFF200, s31;
	s2 =	sadd.s32 $0xFFFFF300, s31;
	s3 =	sadd.s32 $0xFFFFFF00, s31;
	v18 =	vor.u32 s31, v4;
	v19 =	vor.u32 s31, v5;
	v20 =	vld.idx.msk [tilespmem:v16+s14+$0x0], $0xffff  }
0x200: {  	s5 =	sadd.s32 $0xFFFFF500, s31;
	s30 =	sadd.s32 $0x10, s30;
	v16 =	vor.u32 s1, v4;
	v21 =	vor.u32 s1, v5;
	s1 =	sadd.s32 $0xFFFFF400, s31;
	v22 =	vor.u32 s3, v4;
	[tilespmem:s28+$0x0] =	vst v17;
	v17 =	vld.idx.msk [tilespmem:v6+s15+$0x0], $0xffff  }
0x201: {  	s6 =	sadd.s32 $0xFFFFF700, s31;
	v6 =	vor.u32 s2, v4;
	v23 =	vor.u32 s2, v5;
	s2 =	sadd.s32 $0xFFFFF600, s31;
	v24 =	vor.u32 s3, v5;
	p0 =	slt.u32 s30, $0x30;
	v25 =	vld.idx.msk [tilespmem:v15+s14+$0x0], $0xffff  }
0x202: {  	s11 =	sadd.s32 $0xFFFFFA00, s31;
	v28 =	vor.u32 s5, v4;
	s3 =	sadd.s32 $0xFFFFF900, s31;
	v26 =	vor.u32 s1, v4;
	v27 =	vor.u32 s1, v5;
	s1 =	sadd.s32 $0xFFFFF800, s31;
	v29 =	vld.idx.msk [tilespmem:v14+s15+$0x0], $0xffff  }
0x203: {  	s17 =	sadd.s32 $0xFFFFFD00, s31;
	v30 =	vor.u32 s5, v5;
	s5 =	sadd.s32 $0xFFFFFC00, s31;
	v31 =	vor.u32 s2, v4;
	v32 =	vor.u32 s2, v5;
	s2 =	sadd.s32 $0xFFFFFB00, s31;
	v33 =	vld.idx.msk [tilespmem:v7+s15+$0x0], $0xffff;
	v7 =	vmovc v19  }
0x204: {  	s18 =	sadd.s32 $0xFFFFF100, s31;
	v34 =	vor.u32 s6, v5;
	v35 =	vor.u32 s1, v4;
	v19 =	vor.u32 s6, v4;
	s6 =	sadd.s32 $0xFFFFFE00, s31;
	v18 =	vld.idx.msk [tilespmem:v18+s14+$0x0], $0xffff  }
0x205: {  	v36 =	vor.u32 s18, v4;
	v37 =	vor.u32 s18, v5;
	v38 =	vor.u32 s1, v5;
	v22 =	vld.idx.msk [tilespmem:v22+s14+$0x0], $0xffff  }
0x206: {  	v41 =	vor.u32 s11, v4;
	v39 =	vor.u32 s3, v4;
	v40 =	vor.u32 s3, v5;
	v24 =	vld.idx.msk [tilespmem:v24+s15+$0x0], $0xffff  }
0x207: {  	v43 =	vor.u32 s11, v5;
	v44 =	vor.u32 s2, v4;
	v45 =	vor.u32 s2, v5;
	v42 =	vld.idx.msk [tilespmem:v16+s14+$0x0], $0xffff  }
0x208: {  	v46 =	vor.u32 s5, v4;
	v47 =	vor.u32 s5, v5;
	v16 =	vor.u32 s17, v4;
	v21 =	vld.idx.msk [tilespmem:v21+s15+$0x0], $0xffff  }
0x209: {  	v15 =	vor.u32 s6, v4;
	v14 =	vor.u32 s6, v5;
	v48 =	vld.idx.msk [tilespmem:v6+s14+$0x0], $0xffff;
	v6 =	vor.u32 s17, v5  }
0x20a: {  	v8 =	vmul.f32 v9, v8;
	v9 =	vmul.f32 v11, v10;
	v36 =	vld.idx.msk [tilespmem:v36+s14+$0x0], $0xffff  }
0x20b: {  	v11 =	vmul.f32 v13, v12;
	v12 =	vmul.f32 v17, v20;
	v10 =	vld.idx.msk [tilespmem:v37+s15+$0x0], $0xffff  }
0x20c: {  	v17 =	vmul.f32 v24, v22;
	v13 =	vld.idx.msk [tilespmem:v23+s15+$0x0], $0xffff;
	[tilespmem:s28+$0x80] =	vst v8;
	v8 =	vmul.f32 v29, v25  }
0x20d: {  	s28 =	sadd.s32 $0x2000, s28;
	v20 =	vld.idx.msk [tilespmem:v26+s14+$0x0], $0xffff;
	[tilespmem:s29+$0x100] =	vst v9;
	v9 =	vmul.f32 v33, v3;
	v3 =	vmov v18  }
0x20e: {  	v18 =	vmul.f32 v21, v42;
	v21 =	vld.idx.msk [tilespmem:v27+s15+$0x0], $0xffff;
	[tilespmem:s28+$0x300] =	vst v17  }
0x20f: {  	v17 =	vld.idx.msk [tilespmem:v28+s14+$0x0], $0xffff;
	[tilespmem:s29+$0x180] =	vst v11  }
0x210: {  	[tilespmem:s28+$0xFFFFF080] =	vst v18;
	v11 =	vld.idx.msk [tilespmem:v30+s15+$0x0], $0xffff  }
0x211: {  	v10 =	vmul.f32 v10, v36;
	v18 =	vld.idx.msk [tilespmem:v31+s14+$0x0], $0xffff;
	[tilespmem:s29+$0x200] =	vst v12  }
0x212: {  	v12 =	vmul.f32 v13, v48;
	v13 =	vld.idx.msk [tilespmem:v32+s15+$0x0], $0xffff;
	[tilespmem:s29+$0x280] =	vst v8  }
0x213: {  	[tilespmem:s28+$0xFFFFF000] =	vst v10;
	v10 =	vld.idx.msk [tilespmem:v19+s14+$0x0], $0xffff  }
0x214: {  	v8 =	vmul.f32 v21, v20;
	[tilespmem:s28+$0xFFFFF100] =	vst v12;
	v12 =	vld.idx.msk [tilespmem:v34+s15+$0x0], $0xffff  }
0x215: {  	v19 =	vld.idx.msk [tilespmem:v35+s14+$0x0], $0xffff;
	[tilespmem:s29+$0x380] =	vst v9;
	s29 =	smov.u32 s28  }
0x216: {  	[tilespmem:s28+$0xFFFFF180] =	vst v8;
	v8 =	vmul.f32 v11, v17;
	v11 =	vld.idx.msk [tilespmem:v38+s15+$0x0], $0xffff  }
0x217: {  	v17 =	vld.idx.msk [tilespmem:v39+s14+$0x0], $0xffff  }
0x218: {  	v9 =	vmul.f32 v13, v18;
	[tilespmem:s28+$0xFFFFF200] =	vst v8;
	v13 =	vld.idx.msk [tilespmem:v40+s15+$0x0], $0xffff  }
0x219: {  	v8 =	vld.idx.msk [tilespmem:v41+s14+$0x0], $0xffff  }
.Ltmp4:
0x21a: {  	v12 =	vmul.f32 v12, v10;
	[tilespmem:s28+$0xFFFFF280] =	vst v9;
	v9 =	vld.idx.msk [tilespmem:v43+s15+$0x0], $0xffff;
	(pc) =	sbr.rel @p0 .LBB2_10-.Ltmp4, $4  }
0x21b: {  	v10 =	vld.idx.msk [tilespmem:v44+s14+$0x0], $0xffff  }
0x21c: {  	v18 =	vmul.f32 v11, v19;
	[tilespmem:s28+$0xFFFFF300] =	vst v12;
	v11 =	vld.idx.msk [tilespmem:v45+s15+$0x0], $0xffff  }
0x21d: {  	v12 =	vld.idx.msk [tilespmem:v46+s14+$0x0], $0xffff  }
0x21e: {  	s31 =	sadd.s32 $0x1000, s31;
	v17 =	vmul.f32 v13, v17;
	[tilespmem:s28+$0xFFFFF380] =	vst v18;
	v13 =	vld.idx.msk [tilespmem:v47+s15+$0x0], $0xffff  }
0x21f: {  	s1 =	sor.u32 $0x10, s26  }
0x220: {  	s1 =	sand.u32 $0x3FFFFFF0, s1  }
0x221: {  	v5 =	vld [tilespmem:s1+$0xA00];
	_ =	sdelay $0x4  }
0x222: {  	s6 =	simm.s32 $0xE00;
	v19 =	vld.idx.msk [tilespmem:v6+s15+$0x0], $0xffff;
	v6 =	vand.u32 $0xFF, v5  }
0x223: {  	s2 =	simm.s32 $0x100;
	v21 =	vor.u32 s6, v6  }
0x224: {  	v16 =	vld.idx.msk [tilespmem:v16+s14+$0x0], $0xffff;
	s17 =	simm.s32 $0x0;
	v23 =	vor.u32 s2, v6  }
0x225: {  	v15 =	vld.idx.msk [tilespmem:v15+s14+$0x0], $0xffff;
	s11 =	simm.s32 $0x200;
	v25 =	vor.u32 s17, v6  }
0x226: {  	v14 =	vld.idx.msk [tilespmem:v14+s15+$0x0], $0xffff;
	s18 =	simm.s32 $0x300;
	v26 =	vor.u32 s11, v6  }
0x227: {  	v7 =	vld.idx.msk [tilespmem:v7+s15+$0x0], $0xffff;
	s30 =	simm.s32 $0x400;
	v28 =	vor.u32 s18, v6  }
0x228: {  	s31 =	simm.s32 $0x500;
	v30 =	vor.u32 s30, v6;
	v21 =	vld.idx.msk [tilespmem:v21+s15+$0x0], $0xffff  }
0x229: {  	s3 =	simm.s32 $0x600;
	v4 =	vshrl.u32 v5, $0x8;
	v32 =	vor.u32 s31, v6;
	v23 =	vld.idx.msk [tilespmem:v23+s15+$0x0], $0xffff  }
0x22a: {  	s26 =	simm.s32 $0xF00;
	v10 =	vmul.f32 v11, v10;
	v4 =	vand.u32 $0xFF, v4;
	v11 =	vor.u32 s3, v6;
	v25 =	vld.idx.msk [tilespmem:v25+s15+$0x0], $0xffff  }
0x22b: {  	v18 =	vor.u32 s26, v4;
	v26 =	vld.idx.msk [tilespmem:v26+s15+$0x0], $0xffff  }
0x22c: {  	v20 =	vor.u32 s6, v4;
	v28 =	vld.idx.msk [tilespmem:v28+s15+$0x0], $0xffff  }
0x22d: {  	v12 =	vmul.f32 v13, v12;
	v22 =	vor.u32 s2, v4;
	v13 =	vld.idx.msk [tilespmem:v30+s15+$0x0], $0xffff  }
0x22e: {  	v14 =	vmul.f32 v14, v15;
	v24 =	vor.u32 s11, v4;
	v15 =	vld.idx.msk [tilespmem:v32+s15+$0x0], $0xffff  }
0x22f: {  	v27 =	vor.u32 s18, v4;
	v11 =	vld.idx.msk [tilespmem:v11+s15+$0x0], $0xffff  }
0x230: {  	v8 =	vmul.f32 v9, v8;
	v9 =	vor.u32 s3, v4;
	v5 =	vld.idx.msk [tilespmem:v18+s14+$0x0], $0xffff  }
0x231: {  	v18 =	vor.u32 s17, v4;
	v20 =	vld.idx.msk [tilespmem:v20+s14+$0x0], $0xffff  }
0x232: {  	v31 =	vor.u32 s31, v4;
	v22 =	vld.idx.msk [tilespmem:v22+s14+$0x0], $0xffff  }
0x233: {  	s5 =	simm.s32 $0x700;
	[tilespmem:s28+$0x80] =	vst v8;
	v16 =	vmul.f32 v19, v16;
	v29 =	vor.u32 s30, v4;
	v24 =	vld.idx.msk [tilespmem:v24+s14+$0x0], $0xffff  }
0x234: {  	[tilespmem:s29+$0x180] =	vst v12;
	v8 =	vor.u32 s5, v4;
	s6 =	simm.s32 $0x800;
	v27 =	vld.idx.msk [tilespmem:v27+s14+$0x0], $0xffff  }
0x235: {  	[tilespmem:s29+$0x200] =	vst v16;
	v12 =	vor.u32 s6, v4;
	v16 =	vld.idx.msk [tilespmem:v9+s14+$0x0], $0xffff  }
0x236: {  	[tilespmem:s29+$0x100] =	vst v10;
	v10 =	vor.u32 s5, v6;
	v18 =	vld.idx.msk [tilespmem:v18+s14+$0x0], $0xffff  }
0x237: {  	[tilespmem:s28+$0x0] =	vst v17;
	v3 =	vmul.f32 v7, v3;
	s11 =	simm.s32 $0x900;
	v7 =	vor.u32 s6, v6;
	v19 =	vld.idx.msk [tilespmem:v31+s14+$0x0], $0xffff  }
0x238: {  	[tilespmem:s29+$0x280] =	vst v14;
	v17 =	vld.idx.msk [tilespmem:v29+s14+$0x0], $0xffff;
	v9 =	vor.u32 s11, v4;
	v14 =	vmul.f32 v21, v20  }
0x239: {  	[tilespmem:s29+$0x380] =	vst v3;
	v3 =	vor.u32 s11, v6;
	s17 =	simm.s32 $0xA00;
	v8 =	vld.idx.msk [tilespmem:v8+s14+$0x0], $0xffff;
	v57 =	vmul.f32 v23, v22  }
0x23a: {  	s18 =	simm.s32 $0xB00;
	v59 =	vor.u32 s17, v6;
	v60 =	vld.idx.msk [tilespmem:v12+s14+$0x0], $0xffff;
	v12 =	vmul.f32 v28, v27;
	[tilespmem:s0+$0x300] =	vst v14  }
0x23b: {  	v61 =	vor.u32 s18, v4;
	v11 =	vmul.f32 v11, v16;
	[tilespmem:s0+$0xFFFFF080] =	vst v57;
	v14 =	vmul.f32 v25, v18;
	v18 =	vld.idx.msk [tilespmem:v10+s15+$0x0], $0xffff  }
0x23c: {  	v58 =	vor.u32 s17, v4;
	v62 =	vld.idx.msk [tilespmem:v7+s15+$0x0], $0xffff;
	[tilespmem:s0+$0xFFFFF180] =	vst v12;
	v12 =	vmul.f32 v15, v19  }
0x23d: {  	s30 =	simm.s32 $0xC00;
	v63 =	vor.u32 s18, v6;
	v7 =	vld.idx.msk [tilespmem:v9+s14+$0x0], $0xffff;
	[tilespmem:s0+$0xFFFFF300] =	vst v11;
	v10 =	vmul.f32 v26, v24  }
0x23e: {  	v9 =	vld.idx.msk [tilespmem:v3+s15+$0x0], $0xffff;
	v15 =	vor.u32 s30, v4;
	[tilespmem:s0+$0xFFFFF280] =	vst v12  }
0x23f: {  	s31 =	simm.s32 $0xD00;
	v12 =	vor.u32 s30, v6;
	[tilespmem:s0+$0xFFFFF100] =	vst v10;
	v10 =	vmul.f32 v13, v17;
	v13 =	vld.idx.msk [tilespmem:v59+s15+$0x0], $0xffff  }
0x240: {  	v11 =	vor.u32 s31, v4;
	[tilespmem:s0+$0xFFFFF000] =	vst v14;
	v14 =	vld.idx.msk [tilespmem:v61+s14+$0x0], $0xffff;
	v16 =	vmul.f32 v18, v8  }
0x241: {  	[tilespmem:s0+$0xFFFFF200] =	vst v10;
	v10 =	vld.idx.msk [tilespmem:v58+s14+$0x0], $0xffff;
	v8 =	vor.u32 s31, v6  }
0x242: {  	s28 =	simm.s32 $0x0;
	s29 =	simm.s32 $0x1F00;
	v3 =	vor.u32 s26, v6;
	s26 =	smov.u32 s0;
	v17 =	vmul.f32 v62, v60;
	[tilespmem:s0+$0xFFFFF380] =	vst v16;
	v16 =	vld.idx.msk [tilespmem:v63+s15+$0x0], $0xffff  }
.LBB2_12:
0x243: {  	s1 =	sadd.s32 $0xFFFFF200, s29;
	s2 =	sadd.s32 $0xFFFFF300, s29;
	s3 =	sadd.s32 $0xFFFFFF00, s29;
	v18 =	vor.u32 s29, v4;
	v19 =	vor.u32 s29, v6;
	v20 =	vld.idx.msk [tilespmem:v15+s14+$0x0], $0xffff  }
0x244: {  	s5 =	sadd.s32 $0xFFFFF500, s29;
	s28 =	sadd.s32 $0x10, s28;
	v15 =	vor.u32 s1, v4;
	v21 =	vor.u32 s1, v6;
	s1 =	sadd.s32 $0xFFFFF400, s29;
	v22 =	vor.u32 s3, v4;
	[tilespmem:s0+$0x0] =	vst v17;
	v17 =	vld.idx.msk [tilespmem:v12+s15+$0x0], $0xffff  }
0x245: {  	s6 =	sadd.s32 $0xFFFFF700, s29;
	v12 =	vor.u32 s2, v4;
	v23 =	vor.u32 s2, v6;
	s2 =	sadd.s32 $0xFFFFF600, s29;
	v24 =	vor.u32 s3, v6;
	p0 =	slt.u32 s28, $0x30;
	v25 =	vld.idx.msk [tilespmem:v11+s14+$0x0], $0xffff  }
0x246: {  	s11 =	sadd.s32 $0xFFFFFA00, s29;
	v28 =	vor.u32 s5, v4;
	s3 =	sadd.s32 $0xFFFFF900, s29;
	v26 =	vor.u32 s1, v4;
	v27 =	vor.u32 s1, v6;
	s1 =	sadd.s32 $0xFFFFF800, s29;
	v29 =	vld.idx.msk [tilespmem:v8+s15+$0x0], $0xffff  }
0x247: {  	s17 =	sadd.s32 $0xFFFFFD00, s29;
	v30 =	vor.u32 s5, v6;
	s5 =	sadd.s32 $0xFFFFFC00, s29;
	v31 =	vor.u32 s2, v4;
	v32 =	vor.u32 s2, v6;
	s2 =	sadd.s32 $0xFFFFFB00, s29;
	v33 =	vld.idx.msk [tilespmem:v3+s15+$0x0], $0xffff;
	v3 =	vmovc v19  }
0x248: {  	s18 =	sadd.s32 $0xFFFFF100, s29;
	v34 =	vor.u32 s6, v6;
	v35 =	vor.u32 s1, v4;
	v19 =	vor.u32 s6, v4;
	s6 =	sadd.s32 $0xFFFFFE00, s29;
	v18 =	vld.idx.msk [tilespmem:v18+s14+$0x0], $0xffff  }
0x249: {  	v36 =	vor.u32 s18, v4;
	v37 =	vor.u32 s18, v6;
	v38 =	vor.u32 s1, v6;
	v22 =	vld.idx.msk [tilespmem:v22+s14+$0x0], $0xffff  }
0x24a: {  	v41 =	vor.u32 s11, v4;
	v39 =	vor.u32 s3, v4;
	v40 =	vor.u32 s3, v6;
	v24 =	vld.idx.msk [tilespmem:v24+s15+$0x0], $0xffff  }
0x24b: {  	v43 =	vor.u32 s11, v6;
	v44 =	vor.u32 s2, v4;
	v45 =	vor.u32 s2, v6;
	v42 =	vld.idx.msk [tilespmem:v15+s14+$0x0], $0xffff  }
0x24c: {  	v46 =	vor.u32 s5, v4;
	v47 =	vor.u32 s5, v6;
	v15 =	vor.u32 s17, v4;
	v21 =	vld.idx.msk [tilespmem:v21+s15+$0x0], $0xffff  }
0x24d: {  	v11 =	vor.u32 s6, v4;
	v8 =	vor.u32 s6, v6;
	v48 =	vld.idx.msk [tilespmem:v12+s14+$0x0], $0xffff;
	v12 =	vor.u32 s17, v6  }
0x24e: {  	v7 =	vmul.f32 v9, v7;
	v9 =	vmul.f32 v13, v10;
	v36 =	vld.idx.msk [tilespmem:v36+s14+$0x0], $0xffff  }
0x24f: {  	v13 =	vmul.f32 v16, v14;
	v14 =	vmul.f32 v17, v20;
	v10 =	vld.idx.msk [tilespmem:v37+s15+$0x0], $0xffff  }
0x250: {  	v17 =	vmul.f32 v24, v22;
	v16 =	vld.idx.msk [tilespmem:v23+s15+$0x0], $0xffff;
	[tilespmem:s0+$0x80] =	vst v7;
	v7 =	vmul.f32 v29, v25  }
0x251: {  	s0 =	sadd.s32 $0x2000, s0;
	v20 =	vld.idx.msk [tilespmem:v26+s14+$0x0], $0xffff;
	[tilespmem:s26+$0x100] =	vst v9;
	v9 =	vmul.f32 v33, v5;
	v5 =	vmov v18  }
0x252: {  	v18 =	vmul.f32 v21, v42;
	v21 =	vld.idx.msk [tilespmem:v27+s15+$0x0], $0xffff;
	[tilespmem:s0+$0x300] =	vst v17  }
0x253: {  	v17 =	vld.idx.msk [tilespmem:v28+s14+$0x0], $0xffff;
	[tilespmem:s26+$0x180] =	vst v13  }
0x254: {  	[tilespmem:s0+$0xFFFFF080] =	vst v18;
	v13 =	vld.idx.msk [tilespmem:v30+s15+$0x0], $0xffff  }
0x255: {  	v10 =	vmul.f32 v10, v36;
	v18 =	vld.idx.msk [tilespmem:v31+s14+$0x0], $0xffff;
	[tilespmem:s26+$0x200] =	vst v14  }
0x256: {  	v14 =	vmul.f32 v16, v48;
	v16 =	vld.idx.msk [tilespmem:v32+s15+$0x0], $0xffff;
	[tilespmem:s26+$0x280] =	vst v7  }
0x257: {  	[tilespmem:s0+$0xFFFFF000] =	vst v10;
	v10 =	vld.idx.msk [tilespmem:v19+s14+$0x0], $0xffff  }
0x258: {  	v7 =	vmul.f32 v21, v20;
	[tilespmem:s0+$0xFFFFF100] =	vst v14;
	v14 =	vld.idx.msk [tilespmem:v34+s15+$0x0], $0xffff  }
0x259: {  	v19 =	vld.idx.msk [tilespmem:v35+s14+$0x0], $0xffff;
	[tilespmem:s26+$0x380] =	vst v9;
	s26 =	smov.u32 s0  }
0x25a: {  	[tilespmem:s0+$0xFFFFF180] =	vst v7;
	v7 =	vmul.f32 v13, v17;
	v13 =	vld.idx.msk [tilespmem:v38+s15+$0x0], $0xffff  }
0x25b: {  	v17 =	vld.idx.msk [tilespmem:v39+s14+$0x0], $0xffff  }
0x25c: {  	v9 =	vmul.f32 v16, v18;
	[tilespmem:s0+$0xFFFFF200] =	vst v7;
	v16 =	vld.idx.msk [tilespmem:v40+s15+$0x0], $0xffff  }
0x25d: {  	v7 =	vld.idx.msk [tilespmem:v41+s14+$0x0], $0xffff  }
.Ltmp5:
0x25e: {  	v14 =	vmul.f32 v14, v10;
	[tilespmem:s0+$0xFFFFF280] =	vst v9;
	v9 =	vld.idx.msk [tilespmem:v43+s15+$0x0], $0xffff;
	(pc) =	sbr.rel @p0 .LBB2_12-.Ltmp5, $4  }
0x25f: {  	v10 =	vld.idx.msk [tilespmem:v44+s14+$0x0], $0xffff  }
0x260: {  	v18 =	vmul.f32 v13, v19;
	[tilespmem:s0+$0xFFFFF300] =	vst v14;
	v13 =	vld.idx.msk [tilespmem:v45+s15+$0x0], $0xffff  }
0x261: {  	v14 =	vld.idx.msk [tilespmem:v46+s14+$0x0], $0xffff  }
0x262: {  	s29 =	sadd.s32 $0x1000, s29;
	v17 =	vmul.f32 v16, v17;
	[tilespmem:s0+$0xFFFFF380] =	vst v18;
	v16 =	vld.idx.msk [tilespmem:v47+s15+$0x0], $0xffff  }
0x263: {  	_ =	sdelay $0x3  }
0x264: {  	v4 =	vld.idx.msk [tilespmem:v15+s14+$0x0], $0xffff  }
0x265: {  	v6 =	vld.idx.msk [tilespmem:v12+s15+$0x0], $0xffff  }
0x266: {  	v11 =	vld.idx.msk [tilespmem:v11+s14+$0x0], $0xffff  }
0x267: {  	v8 =	vld.idx.msk [tilespmem:v8+s15+$0x0], $0xffff  }
0x268: {  	v3 =	vld.idx.msk [tilespmem:v3+s15+$0x0], $0xffff;
	v7 =	vmul.f32 v9, v7  }
0x269: {  	[tilespmem:s0+$0x0] =	vst v17;
	v61 =	vmul.f32 v13, v10  }
0x26a: {  	p0 =	slt.u32 s25, $0x1E;
	[tilespmem:s0+$0x80] =	vst v7;
	v62 =	vmul.f32 v16, v14  }
.Ltmp6:
0x26b: {  	[tilespmem:s26+$0x100] =	vst v61;
	v4 =	vmul.f32 v6, v4;
	(pc) =	sbr.rel @p0 .LBB2_9-.Ltmp6, $4  }
0x26c: {  	v63 =	vmul.f32 v8, v11;
	[tilespmem:s26+$0x180] =	vst v62  }
0x26d: {  	v3 =	vmul.f32 v3, v5;
	[tilespmem:s26+$0x200] =	vst v4  }
0x26e: {  	s31 =	sadd.s32 $0x2, s25;
	s24 =	sadd.s32 $0x100, s24;
	[tilespmem:s26+$0x280] =	vst v63  }
0x26f: {  	s23 =	sadd.s32 $0x1, s23;
	s22 =	sadd.s32 $0x2, s22;
	s25 =	smov.u32 s31;
	[tilespmem:s26+$0x380] =	vst v3  }
0x270: {  	s0 =	rddreg [dreg:$0x5];
	s1 =	simm.s32 $0x12000  }
0x271: {  	[hbm4b:s0+s14] =	stream.strided.scatter [tilespmem:s1], [sflag:$0x2], $0x8000, s16, s14, $0x38;
	[tilespmem:$0x1A000] =	vst v63  }
0x272: {  	_ =	swait.ge [sflag:s19], $0x8000  }
0x273: {  	s25 =	simm.s32 $0x0;
	s22 =	simm.s32 $0x0;
	[sflag:s19] =	ssyncset.done $0x0  }
0x274: {  	s23 =	simm.s32 $0x0;
	s24 =	simm.s32 $0x0;
	[sflag:s19] =	ssyncadd.s32 $0xFFFF8000  }
.LBB2_15:
0x275: {  	s26 =	sshll.u32 s25, $0x4  }
0x276: {  	s0 =	sand.u32 $0x3FFFFFF0, s26  }
0x277: {  	v3 =	vld [tilespmem:s0+$0xC00];
	_ =	sdelay $0x4  }
0x278: {  	s1 =	simm.s32 $0xE00;
	v5 =	vand.u32 $0xFF, v3  }
0x279: {  	s2 =	simm.s32 $0x100;
	v8 =	vor.u32 s1, v5  }
0x27a: {  	s11 =	simm.s32 $0x0;
	v10 =	vor.u32 s2, v5  }
0x27b: {  	s6 =	simm.s32 $0x200;
	v12 =	vor.u32 s11, v5  }
0x27c: {  	s17 =	simm.s32 $0x300;
	v13 =	vor.u32 s6, v5  }
0x27d: {  	s18 =	simm.s32 $0x400;
	v15 =	vor.u32 s17, v5  }
0x27e: {  	s3 =	simm.s32 $0x500;
	v17 =	vor.u32 s18, v5;
	v8 =	vld.idx.msk [tilespmem:v8+s15+$0x0], $0xffff  }
0x27f: {  	s5 =	simm.s32 $0x600;
	v4 =	vshrl.u32 v3, $0x8;
	v19 =	vor.u32 s3, v5;
	v10 =	vld.idx.msk [tilespmem:v10+s15+$0x0], $0xffff  }
0x280: {  	s0 =	simm.s32 $0xF00;
	v4 =	vand.u32 $0xFF, v4;
	v21 =	vor.u32 s5, v5;
	v12 =	vld.idx.msk [tilespmem:v12+s15+$0x0], $0xffff  }
0x281: {  	v6 =	vor.u32 s0, v4;
	v13 =	vld.idx.msk [tilespmem:v13+s15+$0x0], $0xffff  }
0x282: {  	v7 =	vor.u32 s1, v4;
	v15 =	vld.idx.msk [tilespmem:v15+s15+$0x0], $0xffff  }
0x283: {  	v9 =	vor.u32 s2, v4;
	v17 =	vld.idx.msk [tilespmem:v17+s15+$0x0], $0xffff  }
0x284: {  	v11 =	vor.u32 s6, v4;
	v19 =	vld.idx.msk [tilespmem:v19+s15+$0x0], $0xffff  }
0x285: {  	v14 =	vor.u32 s17, v4;
	v21 =	vld.idx.msk [tilespmem:v21+s15+$0x0], $0xffff  }
0x286: {  	v3 =	vld.idx.msk [tilespmem:v6+s14+$0x0], $0xffff;
	v6 =	vor.u32 s11, v4  }
0x287: {  	v16 =	vor.u32 s18, v4;
	v7 =	vld.idx.msk [tilespmem:v7+s14+$0x0], $0xffff  }
0x288: {  	v18 =	vor.u32 s3, v4;
	v9 =	vld.idx.msk [tilespmem:v9+s14+$0x0], $0xffff  }
0x289: {  	v20 =	vor.u32 s5, v4;
	s6 =	simm.s32 $0x700;
	v11 =	vld.idx.msk [tilespmem:v11+s14+$0x0], $0xffff  }
0x28a: {  	v22 =	vor.u32 s6, v4;
	v14 =	vld.idx.msk [tilespmem:v14+s14+$0x0], $0xffff  }
0x28b: {  	s3 =	sand.u32 $0x3, s23;
	s5 =	simm.s32 $0x800;
	v23 =	vor.u32 s6, v5;
	s11 =	sshll.u32 s24, $0x2;
	v6 =	vld.idx.msk [tilespmem:v6+s14+$0x0], $0xffff  }
0x28c: {  	s17 =	sshll.u32 s3, $0x7;
	v25 =	vor.u32 s5, v5;
	v16 =	vld.idx.msk [tilespmem:v16+s14+$0x0], $0xffff;
	s1 =	sand.u32 $0xFFFFF000, s11  }
0x28d: {  	v24 =	vor.u32 s5, v4;
	v18 =	vld.idx.msk [tilespmem:v18+s14+$0x0], $0xffff;
	s2 =	sor.u32 s17, s1  }
0x28e: {  	s18 =	simm.s32 $0x900;
	v20 =	vld.idx.msk [tilespmem:v20+s14+$0x0], $0xffff;
	s2 =	sshrl.u32 s2, $0x2;
	v7 =	vmul.f32 v8, v7  }
0x28f: {  	v27 =	vor.u32 s18, v5;
	v22 =	vld.idx.msk [tilespmem:v22+s14+$0x0], $0xffff;
	s28 =	sadd.s32 $0xB000, s2;
	v8 =	vmul.f32 v10, v9  }
0x290: {  	v26 =	vor.u32 s18, v4;
	s5 =	simm.s32 $0xA00;
	[tilespmem:s28+$0x300] =	vst v7;
	v7 =	vld.idx.msk [tilespmem:v23+s15+$0x0], $0xffff;
	v6 =	vmul.f32 v12, v6  }
0x291: {  	s6 =	simm.s32 $0xB00;
	v62 =	vld.idx.msk [tilespmem:v25+s15+$0x0], $0xffff;
	v10 =	vor.u32 s5, v4;
	[tilespmem:s28+$0xFFFFF080] =	vst v8;
	v8 =	vmul.f32 v13, v11  }
0x292: {  	v63 =	vor.u32 s6, v5;
	v13 =	vld.idx.msk [tilespmem:v24+s14+$0x0], $0xffff;
	[tilespmem:s28+$0xFFFFF000] =	vst v6;
	v6 =	vmul.f32 v15, v14  }
0x293: {  	v11 =	vmul.f32 v17, v16;
	[tilespmem:s28+$0xFFFFF100] =	vst v8;
	v12 =	vor.u32 s5, v5  }
0x294: {  	v61 =	vor.u32 s6, v4;
	s17 =	simm.s32 $0xC00;
	v9 =	vld.idx.msk [tilespmem:v27+s15+$0x0], $0xffff;
	[tilespmem:s28+$0xFFFFF180] =	vst v6;
	v6 =	vmul.f32 v19, v18  }
0x295: {  	s11 =	sand.u32 $0x7, s22;
	v16 =	vor.u32 s17, v4;
	v8 =	vld.idx.msk [tilespmem:v26+s14+$0x0], $0xffff;
	[tilespmem:s28+$0xFFFFF200] =	vst v11;
	v17 =	vmul.f32 v7, v22  }
0x296: {  	s18 =	simm.s32 $0xD00;
	s2 =	sshll.u32 s11, $0x6;
	v10 =	vld.idx.msk [tilespmem:v10+s14+$0x0], $0xffff;
	v14 =	vmul.f32 v21, v20;
	[tilespmem:s28+$0xFFFFF280] =	vst v6;
	v6 =	vor.u32 s17, v5  }
0x297: {  	s1 =	sor.u32 s2, s1;
	v15 =	vor.u32 s18, v4;
	[tilespmem:s28+$0xFFFFF380] =	vst v17;
	v17 =	vmul.f32 v62, v13;
	v13 =	vld.idx.msk [tilespmem:v63+s15+$0x0], $0xffff  }
0x298: {  	s30 =	simm.s32 $0x0;
	s1 =	sshrl.u32 s1, $0x2;
	[tilespmem:s28+$0xFFFFF300] =	vst v14;
	v14 =	vor.u32 s18, v5;
	v11 =	vld.idx.msk [tilespmem:v12+s15+$0x0], $0xffff  }
0x299: {  	s31 =	simm.s32 $0x1F00;
	s29 =	smov.u32 s28;
	v7 =	vor.u32 s0, v5;
	s0 =	sadd.s32 $0xB010, s1;
	v12 =	vld.idx.msk [tilespmem:v61+s14+$0x0], $0xffff  }
.LBB2_16:
0x29a: {  	s1 =	sadd.s32 $0xFFFFF200, s31;
	s2 =	sadd.s32 $0xFFFFF300, s31;
	s3 =	sadd.s32 $0xFFFFFF00, s31;
	v18 =	vor.u32 s31, v4;
	v19 =	vor.u32 s31, v5;
	v20 =	vld.idx.msk [tilespmem:v16+s14+$0x0], $0xffff  }
0x29b: {  	s5 =	sadd.s32 $0xFFFFF500, s31;
	s30 =	sadd.s32 $0x10, s30;
	v16 =	vor.u32 s1, v4;
	v21 =	vor.u32 s1, v5;
	s1 =	sadd.s32 $0xFFFFF400, s31;
	v22 =	vor.u32 s3, v4;
	[tilespmem:s28+$0x0] =	vst v17;
	v17 =	vld.idx.msk [tilespmem:v6+s15+$0x0], $0xffff  }
0x29c: {  	s6 =	sadd.s32 $0xFFFFF700, s31;
	v6 =	vor.u32 s2, v4;
	v23 =	vor.u32 s2, v5;
	s2 =	sadd.s32 $0xFFFFF600, s31;
	v24 =	vor.u32 s3, v5;
	p0 =	slt.u32 s30, $0x30;
	v25 =	vld.idx.msk [tilespmem:v15+s14+$0x0], $0xffff  }
0x29d: {  	s11 =	sadd.s32 $0xFFFFFA00, s31;
	v28 =	vor.u32 s5, v4;
	s3 =	sadd.s32 $0xFFFFF900, s31;
	v26 =	vor.u32 s1, v4;
	v27 =	vor.u32 s1, v5;
	s1 =	sadd.s32 $0xFFFFF800, s31;
	v29 =	vld.idx.msk [tilespmem:v14+s15+$0x0], $0xffff  }
0x29e: {  	s17 =	sadd.s32 $0xFFFFFD00, s31;
	v30 =	vor.u32 s5, v5;
	s5 =	sadd.s32 $0xFFFFFC00, s31;
	v31 =	vor.u32 s2, v4;
	v32 =	vor.u32 s2, v5;
	s2 =	sadd.s32 $0xFFFFFB00, s31;
	v33 =	vld.idx.msk [tilespmem:v7+s15+$0x0], $0xffff;
	v7 =	vmovc v19  }
0x29f: {  	s18 =	sadd.s32 $0xFFFFF100, s31;
	v34 =	vor.u32 s6, v5;
	v35 =	vor.u32 s1, v4;
	v19 =	vor.u32 s6, v4;
	s6 =	sadd.s32 $0xFFFFFE00, s31;
	v18 =	vld.idx.msk [tilespmem:v18+s14+$0x0], $0xffff  }
0x2a0: {  	v36 =	vor.u32 s18, v4;
	v37 =	vor.u32 s18, v5;
	v38 =	vor.u32 s1, v5;
	v22 =	vld.idx.msk [tilespmem:v22+s14+$0x0], $0xffff  }
0x2a1: {  	v41 =	vor.u32 s11, v4;
	v39 =	vor.u32 s3, v4;
	v40 =	vor.u32 s3, v5;
	v24 =	vld.idx.msk [tilespmem:v24+s15+$0x0], $0xffff  }
0x2a2: {  	v43 =	vor.u32 s11, v5;
	v44 =	vor.u32 s2, v4;
	v45 =	vor.u32 s2, v5;
	v42 =	vld.idx.msk [tilespmem:v16+s14+$0x0], $0xffff  }
0x2a3: {  	v46 =	vor.u32 s5, v4;
	v47 =	vor.u32 s5, v5;
	v16 =	vor.u32 s17, v4;
	v21 =	vld.idx.msk [tilespmem:v21+s15+$0x0], $0xffff  }
0x2a4: {  	v15 =	vor.u32 s6, v4;
	v14 =	vor.u32 s6, v5;
	v48 =	vld.idx.msk [tilespmem:v6+s14+$0x0], $0xffff;
	v6 =	vor.u32 s17, v5  }
0x2a5: {  	v8 =	vmul.f32 v9, v8;
	v9 =	vmul.f32 v11, v10;
	v36 =	vld.idx.msk [tilespmem:v36+s14+$0x0], $0xffff  }
0x2a6: {  	v11 =	vmul.f32 v13, v12;
	v12 =	vmul.f32 v17, v20;
	v10 =	vld.idx.msk [tilespmem:v37+s15+$0x0], $0xffff  }
0x2a7: {  	v17 =	vmul.f32 v24, v22;
	v13 =	vld.idx.msk [tilespmem:v23+s15+$0x0], $0xffff;
	[tilespmem:s28+$0x80] =	vst v8;
	v8 =	vmul.f32 v29, v25  }
0x2a8: {  	s28 =	sadd.s32 $0x2000, s28;
	v20 =	vld.idx.msk [tilespmem:v26+s14+$0x0], $0xffff;
	[tilespmem:s29+$0x100] =	vst v9;
	v9 =	vmul.f32 v33, v3;
	v3 =	vmov v18  }
0x2a9: {  	v18 =	vmul.f32 v21, v42;
	v21 =	vld.idx.msk [tilespmem:v27+s15+$0x0], $0xffff;
	[tilespmem:s28+$0x300] =	vst v17  }
0x2aa: {  	v17 =	vld.idx.msk [tilespmem:v28+s14+$0x0], $0xffff;
	[tilespmem:s29+$0x180] =	vst v11  }
0x2ab: {  	[tilespmem:s28+$0xFFFFF080] =	vst v18;
	v11 =	vld.idx.msk [tilespmem:v30+s15+$0x0], $0xffff  }
0x2ac: {  	v10 =	vmul.f32 v10, v36;
	v18 =	vld.idx.msk [tilespmem:v31+s14+$0x0], $0xffff;
	[tilespmem:s29+$0x200] =	vst v12  }
0x2ad: {  	v12 =	vmul.f32 v13, v48;
	v13 =	vld.idx.msk [tilespmem:v32+s15+$0x0], $0xffff;
	[tilespmem:s29+$0x280] =	vst v8  }
0x2ae: {  	[tilespmem:s28+$0xFFFFF000] =	vst v10;
	v10 =	vld.idx.msk [tilespmem:v19+s14+$0x0], $0xffff  }
0x2af: {  	v8 =	vmul.f32 v21, v20;
	[tilespmem:s28+$0xFFFFF100] =	vst v12;
	v12 =	vld.idx.msk [tilespmem:v34+s15+$0x0], $0xffff  }
0x2b0: {  	v19 =	vld.idx.msk [tilespmem:v35+s14+$0x0], $0xffff;
	[tilespmem:s29+$0x380] =	vst v9;
	s29 =	smov.u32 s28  }
0x2b1: {  	[tilespmem:s28+$0xFFFFF180] =	vst v8;
	v8 =	vmul.f32 v11, v17;
	v11 =	vld.idx.msk [tilespmem:v38+s15+$0x0], $0xffff  }
0x2b2: {  	v17 =	vld.idx.msk [tilespmem:v39+s14+$0x0], $0xffff  }
0x2b3: {  	v9 =	vmul.f32 v13, v18;
	[tilespmem:s28+$0xFFFFF200] =	vst v8;
	v13 =	vld.idx.msk [tilespmem:v40+s15+$0x0], $0xffff  }
0x2b4: {  	v8 =	vld.idx.msk [tilespmem:v41+s14+$0x0], $0xffff  }
.Ltmp7:
0x2b5: {  	v12 =	vmul.f32 v12, v10;
	[tilespmem:s28+$0xFFFFF280] =	vst v9;
	v9 =	vld.idx.msk [tilespmem:v43+s15+$0x0], $0xffff;
	(pc) =	sbr.rel @p0 .LBB2_16-.Ltmp7, $4  }
0x2b6: {  	v10 =	vld.idx.msk [tilespmem:v44+s14+$0x0], $0xffff  }
0x2b7: {  	v18 =	vmul.f32 v11, v19;
	[tilespmem:s28+$0xFFFFF300] =	vst v12;
	v11 =	vld.idx.msk [tilespmem:v45+s15+$0x0], $0xffff  }
0x2b8: {  	v12 =	vld.idx.msk [tilespmem:v46+s14+$0x0], $0xffff  }
0x2b9: {  	s31 =	sadd.s32 $0x1000, s31;
	v17 =	vmul.f32 v13, v17;
	[tilespmem:s28+$0xFFFFF380] =	vst v18;
	v13 =	vld.idx.msk [tilespmem:v47+s15+$0x0], $0xffff  }
0x2ba: {  	s1 =	sor.u32 $0x10, s26  }
0x2bb: {  	s1 =	sand.u32 $0x3FFFFFF0, s1  }
0x2bc: {  	v5 =	vld [tilespmem:s1+$0xC00];
	_ =	sdelay $0x4  }
0x2bd: {  	s6 =	simm.s32 $0xE00;
	v19 =	vld.idx.msk [tilespmem:v6+s15+$0x0], $0xffff;
	v6 =	vand.u32 $0xFF, v5  }
0x2be: {  	s2 =	simm.s32 $0x100;
	v21 =	vor.u32 s6, v6  }
0x2bf: {  	v16 =	vld.idx.msk [tilespmem:v16+s14+$0x0], $0xffff;
	s17 =	simm.s32 $0x0;
	v23 =	vor.u32 s2, v6  }
0x2c0: {  	v15 =	vld.idx.msk [tilespmem:v15+s14+$0x0], $0xffff;
	s11 =	simm.s32 $0x200;
	v25 =	vor.u32 s17, v6  }
0x2c1: {  	v14 =	vld.idx.msk [tilespmem:v14+s15+$0x0], $0xffff;
	s18 =	simm.s32 $0x300;
	v26 =	vor.u32 s11, v6  }
0x2c2: {  	v7 =	vld.idx.msk [tilespmem:v7+s15+$0x0], $0xffff;
	s30 =	simm.s32 $0x400;
	v28 =	vor.u32 s18, v6  }
0x2c3: {  	s31 =	simm.s32 $0x500;
	v30 =	vor.u32 s30, v6;
	v21 =	vld.idx.msk [tilespmem:v21+s15+$0x0], $0xffff  }
0x2c4: {  	s3 =	simm.s32 $0x600;
	v4 =	vshrl.u32 v5, $0x8;
	v32 =	vor.u32 s31, v6;
	v23 =	vld.idx.msk [tilespmem:v23+s15+$0x0], $0xffff  }
0x2c5: {  	s26 =	simm.s32 $0xF00;
	v10 =	vmul.f32 v11, v10;
	v4 =	vand.u32 $0xFF, v4;
	v11 =	vor.u32 s3, v6;
	v25 =	vld.idx.msk [tilespmem:v25+s15+$0x0], $0xffff  }
0x2c6: {  	v18 =	vor.u32 s26, v4;
	v26 =	vld.idx.msk [tilespmem:v26+s15+$0x0], $0xffff  }
0x2c7: {  	v20 =	vor.u32 s6, v4;
	v28 =	vld.idx.msk [tilespmem:v28+s15+$0x0], $0xffff  }
0x2c8: {  	v12 =	vmul.f32 v13, v12;
	v22 =	vor.u32 s2, v4;
	v13 =	vld.idx.msk [tilespmem:v30+s15+$0x0], $0xffff  }
0x2c9: {  	v14 =	vmul.f32 v14, v15;
	v24 =	vor.u32 s11, v4;
	v15 =	vld.idx.msk [tilespmem:v32+s15+$0x0], $0xffff  }
0x2ca: {  	v27 =	vor.u32 s18, v4;
	v11 =	vld.idx.msk [tilespmem:v11+s15+$0x0], $0xffff  }
0x2cb: {  	v8 =	vmul.f32 v9, v8;
	v9 =	vor.u32 s3, v4;
	v5 =	vld.idx.msk [tilespmem:v18+s14+$0x0], $0xffff  }
0x2cc: {  	v18 =	vor.u32 s17, v4;
	v20 =	vld.idx.msk [tilespmem:v20+s14+$0x0], $0xffff  }
0x2cd: {  	v31 =	vor.u32 s31, v4;
	v22 =	vld.idx.msk [tilespmem:v22+s14+$0x0], $0xffff  }
0x2ce: {  	s5 =	simm.s32 $0x700;
	[tilespmem:s28+$0x80] =	vst v8;
	v16 =	vmul.f32 v19, v16;
	v29 =	vor.u32 s30, v4;
	v24 =	vld.idx.msk [tilespmem:v24+s14+$0x0], $0xffff  }
0x2cf: {  	[tilespmem:s29+$0x180] =	vst v12;
	v8 =	vor.u32 s5, v4;
	s6 =	simm.s32 $0x800;
	v27 =	vld.idx.msk [tilespmem:v27+s14+$0x0], $0xffff  }
0x2d0: {  	[tilespmem:s29+$0x200] =	vst v16;
	v12 =	vor.u32 s6, v4;
	v16 =	vld.idx.msk [tilespmem:v9+s14+$0x0], $0xffff  }
0x2d1: {  	[tilespmem:s29+$0x100] =	vst v10;
	v10 =	vor.u32 s5, v6;
	v18 =	vld.idx.msk [tilespmem:v18+s14+$0x0], $0xffff  }
0x2d2: {  	[tilespmem:s28+$0x0] =	vst v17;
	v3 =	vmul.f32 v7, v3;
	s11 =	simm.s32 $0x900;
	v7 =	vor.u32 s6, v6;
	v19 =	vld.idx.msk [tilespmem:v31+s14+$0x0], $0xffff  }
0x2d3: {  	[tilespmem:s29+$0x280] =	vst v14;
	v17 =	vld.idx.msk [tilespmem:v29+s14+$0x0], $0xffff;
	v9 =	vor.u32 s11, v4;
	v14 =	vmul.f32 v21, v20  }
0x2d4: {  	[tilespmem:s29+$0x380] =	vst v3;
	v3 =	vor.u32 s11, v6;
	s17 =	simm.s32 $0xA00;
	v8 =	vld.idx.msk [tilespmem:v8+s14+$0x0], $0xffff;
	v57 =	vmul.f32 v23, v22  }
0x2d5: {  	s18 =	simm.s32 $0xB00;
	v59 =	vor.u32 s17, v6;
	v60 =	vld.idx.msk [tilespmem:v12+s14+$0x0], $0xffff;
	v12 =	vmul.f32 v28, v27;
	[tilespmem:s0+$0x300] =	vst v14  }
0x2d6: {  	v61 =	vor.u32 s18, v4;
	v11 =	vmul.f32 v11, v16;
	[tilespmem:s0+$0xFFFFF080] =	vst v57;
	v14 =	vmul.f32 v25, v18;
	v18 =	vld.idx.msk [tilespmem:v10+s15+$0x0], $0xffff  }
0x2d7: {  	v58 =	vor.u32 s17, v4;
	v62 =	vld.idx.msk [tilespmem:v7+s15+$0x0], $0xffff;
	[tilespmem:s0+$0xFFFFF180] =	vst v12;
	v12 =	vmul.f32 v15, v19  }
0x2d8: {  	s30 =	simm.s32 $0xC00;
	v63 =	vor.u32 s18, v6;
	v7 =	vld.idx.msk [tilespmem:v9+s14+$0x0], $0xffff;
	[tilespmem:s0+$0xFFFFF300] =	vst v11;
	v10 =	vmul.f32 v26, v24  }
0x2d9: {  	v9 =	vld.idx.msk [tilespmem:v3+s15+$0x0], $0xffff;
	v15 =	vor.u32 s30, v4;
	[tilespmem:s0+$0xFFFFF280] =	vst v12  }
0x2da: {  	s31 =	simm.s32 $0xD00;
	v12 =	vor.u32 s30, v6;
	[tilespmem:s0+$0xFFFFF100] =	vst v10;
	v10 =	vmul.f32 v13, v17;
	v13 =	vld.idx.msk [tilespmem:v59+s15+$0x0], $0xffff  }
0x2db: {  	v11 =	vor.u32 s31, v4;
	[tilespmem:s0+$0xFFFFF000] =	vst v14;
	v14 =	vld.idx.msk [tilespmem:v61+s14+$0x0], $0xffff;
	v16 =	vmul.f32 v18, v8  }
0x2dc: {  	[tilespmem:s0+$0xFFFFF200] =	vst v10;
	v10 =	vld.idx.msk [tilespmem:v58+s14+$0x0], $0xffff;
	v8 =	vor.u32 s31, v6  }
0x2dd: {  	s28 =	simm.s32 $0x0;
	s29 =	simm.s32 $0x1F00;
	v3 =	vor.u32 s26, v6;
	s26 =	smov.u32 s0;
	v17 =	vmul.f32 v62, v60;
	[tilespmem:s0+$0xFFFFF380] =	vst v16;
	v16 =	vld.idx.msk [tilespmem:v63+s15+$0x0], $0xffff  }
.LBB2_18:
0x2de: {  	s1 =	sadd.s32 $0xFFFFF200, s29;
	s2 =	sadd.s32 $0xFFFFF300, s29;
	s3 =	sadd.s32 $0xFFFFFF00, s29;
	v18 =	vor.u32 s29, v4;
	v19 =	vor.u32 s29, v6;
	v20 =	vld.idx.msk [tilespmem:v15+s14+$0x0], $0xffff  }
0x2df: {  	s5 =	sadd.s32 $0xFFFFF500, s29;
	s28 =	sadd.s32 $0x10, s28;
	v15 =	vor.u32 s1, v4;
	v21 =	vor.u32 s1, v6;
	s1 =	sadd.s32 $0xFFFFF400, s29;
	v22 =	vor.u32 s3, v4;
	[tilespmem:s0+$0x0] =	vst v17;
	v17 =	vld.idx.msk [tilespmem:v12+s15+$0x0], $0xffff  }
0x2e0: {  	s6 =	sadd.s32 $0xFFFFF700, s29;
	v12 =	vor.u32 s2, v4;
	v23 =	vor.u32 s2, v6;
	s2 =	sadd.s32 $0xFFFFF600, s29;
	v24 =	vor.u32 s3, v6;
	p0 =	slt.u32 s28, $0x30;
	v25 =	vld.idx.msk [tilespmem:v11+s14+$0x0], $0xffff  }
0x2e1: {  	s11 =	sadd.s32 $0xFFFFFA00, s29;
	v28 =	vor.u32 s5, v4;
	s3 =	sadd.s32 $0xFFFFF900, s29;
	v26 =	vor.u32 s1, v4;
	v27 =	vor.u32 s1, v6;
	s1 =	sadd.s32 $0xFFFFF800, s29;
	v29 =	vld.idx.msk [tilespmem:v8+s15+$0x0], $0xffff  }
0x2e2: {  	s17 =	sadd.s32 $0xFFFFFD00, s29;
	v30 =	vor.u32 s5, v6;
	s5 =	sadd.s32 $0xFFFFFC00, s29;
	v31 =	vor.u32 s2, v4;
	v32 =	vor.u32 s2, v6;
	s2 =	sadd.s32 $0xFFFFFB00, s29;
	v33 =	vld.idx.msk [tilespmem:v3+s15+$0x0], $0xffff;
	v3 =	vmovc v19  }
0x2e3: {  	s18 =	sadd.s32 $0xFFFFF100, s29;
	v34 =	vor.u32 s6, v6;
	v35 =	vor.u32 s1, v4;
	v19 =	vor.u32 s6, v4;
	s6 =	sadd.s32 $0xFFFFFE00, s29;
	v18 =	vld.idx.msk [tilespmem:v18+s14+$0x0], $0xffff  }
0x2e4: {  	v36 =	vor.u32 s18, v4;
	v37 =	vor.u32 s18, v6;
	v38 =	vor.u32 s1, v6;
	v22 =	vld.idx.msk [tilespmem:v22+s14+$0x0], $0xffff  }
0x2e5: {  	v41 =	vor.u32 s11, v4;
	v39 =	vor.u32 s3, v4;
	v40 =	vor.u32 s3, v6;
	v24 =	vld.idx.msk [tilespmem:v24+s15+$0x0], $0xffff  }
0x2e6: {  	v43 =	vor.u32 s11, v6;
	v44 =	vor.u32 s2, v4;
	v45 =	vor.u32 s2, v6;
	v42 =	vld.idx.msk [tilespmem:v15+s14+$0x0], $0xffff  }
0x2e7: {  	v46 =	vor.u32 s5, v4;
	v47 =	vor.u32 s5, v6;
	v15 =	vor.u32 s17, v4;
	v21 =	vld.idx.msk [tilespmem:v21+s15+$0x0], $0xffff  }
0x2e8: {  	v11 =	vor.u32 s6, v4;
	v8 =	vor.u32 s6, v6;
	v48 =	vld.idx.msk [tilespmem:v12+s14+$0x0], $0xffff;
	v12 =	vor.u32 s17, v6  }
0x2e9: {  	v7 =	vmul.f32 v9, v7;
	v9 =	vmul.f32 v13, v10;
	v36 =	vld.idx.msk [tilespmem:v36+s14+$0x0], $0xffff  }
0x2ea: {  	v13 =	vmul.f32 v16, v14;
	v14 =	vmul.f32 v17, v20;
	v10 =	vld.idx.msk [tilespmem:v37+s15+$0x0], $0xffff  }
0x2eb: {  	v17 =	vmul.f32 v24, v22;
	v16 =	vld.idx.msk [tilespmem:v23+s15+$0x0], $0xffff;
	[tilespmem:s0+$0x80] =	vst v7;
	v7 =	vmul.f32 v29, v25  }
0x2ec: {  	s0 =	sadd.s32 $0x2000, s0;
	v20 =	vld.idx.msk [tilespmem:v26+s14+$0x0], $0xffff;
	[tilespmem:s26+$0x100] =	vst v9;
	v9 =	vmul.f32 v33, v5;
	v5 =	vmov v18  }
0x2ed: {  	v18 =	vmul.f32 v21, v42;
	v21 =	vld.idx.msk [tilespmem:v27+s15+$0x0], $0xffff;
	[tilespmem:s0+$0x300] =	vst v17  }
0x2ee: {  	v17 =	vld.idx.msk [tilespmem:v28+s14+$0x0], $0xffff;
	[tilespmem:s26+$0x180] =	vst v13  }
0x2ef: {  	[tilespmem:s0+$0xFFFFF080] =	vst v18;
	v13 =	vld.idx.msk [tilespmem:v30+s15+$0x0], $0xffff  }
0x2f0: {  	v10 =	vmul.f32 v10, v36;
	v18 =	vld.idx.msk [tilespmem:v31+s14+$0x0], $0xffff;
	[tilespmem:s26+$0x200] =	vst v14  }
0x2f1: {  	v14 =	vmul.f32 v16, v48;
	v16 =	vld.idx.msk [tilespmem:v32+s15+$0x0], $0xffff;
	[tilespmem:s26+$0x280] =	vst v7  }
0x2f2: {  	[tilespmem:s0+$0xFFFFF000] =	vst v10;
	v10 =	vld.idx.msk [tilespmem:v19+s14+$0x0], $0xffff  }
0x2f3: {  	v7 =	vmul.f32 v21, v20;
	[tilespmem:s0+$0xFFFFF100] =	vst v14;
	v14 =	vld.idx.msk [tilespmem:v34+s15+$0x0], $0xffff  }
0x2f4: {  	v19 =	vld.idx.msk [tilespmem:v35+s14+$0x0], $0xffff;
	[tilespmem:s26+$0x380] =	vst v9;
	s26 =	smov.u32 s0  }
0x2f5: {  	[tilespmem:s0+$0xFFFFF180] =	vst v7;
	v7 =	vmul.f32 v13, v17;
	v13 =	vld.idx.msk [tilespmem:v38+s15+$0x0], $0xffff  }
0x2f6: {  	v17 =	vld.idx.msk [tilespmem:v39+s14+$0x0], $0xffff  }
0x2f7: {  	v9 =	vmul.f32 v16, v18;
	[tilespmem:s0+$0xFFFFF200] =	vst v7;
	v16 =	vld.idx.msk [tilespmem:v40+s15+$0x0], $0xffff  }
0x2f8: {  	v7 =	vld.idx.msk [tilespmem:v41+s14+$0x0], $0xffff  }
.Ltmp8:
0x2f9: {  	v14 =	vmul.f32 v14, v10;
	[tilespmem:s0+$0xFFFFF280] =	vst v9;
	v9 =	vld.idx.msk [tilespmem:v43+s15+$0x0], $0xffff;
	(pc) =	sbr.rel @p0 .LBB2_18-.Ltmp8, $4  }
0x2fa: {  	v10 =	vld.idx.msk [tilespmem:v44+s14+$0x0], $0xffff  }
0x2fb: {  	v18 =	vmul.f32 v13, v19;
	[tilespmem:s0+$0xFFFFF300] =	vst v14;
	v13 =	vld.idx.msk [tilespmem:v45+s15+$0x0], $0xffff  }
0x2fc: {  	v14 =	vld.idx.msk [tilespmem:v46+s14+$0x0], $0xffff  }
0x2fd: {  	s29 =	sadd.s32 $0x1000, s29;
	v17 =	vmul.f32 v16, v17;
	[tilespmem:s0+$0xFFFFF380] =	vst v18;
	v16 =	vld.idx.msk [tilespmem:v47+s15+$0x0], $0xffff  }
0x2fe: {  	_ =	sdelay $0x3  }
0x2ff: {  	v4 =	vld.idx.msk [tilespmem:v15+s14+$0x0], $0xffff  }
0x300: {  	v6 =	vld.idx.msk [tilespmem:v12+s15+$0x0], $0xffff  }
0x301: {  	v11 =	vld.idx.msk [tilespmem:v11+s14+$0x0], $0xffff  }
0x302: {  	v8 =	vld.idx.msk [tilespmem:v8+s15+$0x0], $0xffff  }
0x303: {  	v3 =	vld.idx.msk [tilespmem:v3+s15+$0x0], $0xffff;
	v7 =	vmul.f32 v9, v7  }
0x304: {  	[tilespmem:s0+$0x0] =	vst v17;
	v61 =	vmul.f32 v13, v10  }
0x305: {  	p0 =	slt.u32 s25, $0x1E;
	[tilespmem:s0+$0x80] =	vst v7;
	v62 =	vmul.f32 v16, v14  }
.Ltmp9:
0x306: {  	[tilespmem:s26+$0x100] =	vst v61;
	v4 =	vmul.f32 v6, v4;
	(pc) =	sbr.rel @p0 .LBB2_15-.Ltmp9, $4  }
0x307: {  	v63 =	vmul.f32 v8, v11;
	[tilespmem:s26+$0x180] =	vst v62  }
0x308: {  	v3 =	vmul.f32 v3, v5;
	[tilespmem:s26+$0x200] =	vst v4  }
0x309: {  	s31 =	sadd.s32 $0x2, s25;
	s24 =	sadd.s32 $0x100, s24;
	[tilespmem:s26+$0x280] =	vst v63  }
0x30a: {  	s23 =	sadd.s32 $0x1, s23;
	s22 =	sadd.s32 $0x2, s22;
	s25 =	smov.u32 s31;
	[tilespmem:s26+$0x380] =	vst v3  }
0x30b: {  	s0 =	simm.s32 $0xA000  }
0x30c: {  	[hbm4b:s7+s14] =	stream.strided.scatter [tilespmem:s0], [sflag:$0x1], $0x8000, s16, s14, $0x38;
	[tilespmem:$0x1A000] =	vst v63  }
0x30d: {  	_ =	swait.ge [sflag:s20], $0x8000  }
0x30e: {  	s25 =	simm.s32 $0x0;
	s22 =	simm.s32 $0x0;
	[sflag:s20] =	ssyncset.done $0x0  }
0x30f: {  	s23 =	simm.s32 $0x0;
	s24 =	simm.s32 $0x0;
	[sflag:s20] =	ssyncadd.s32 $0xFFFF8000  }
.LBB2_21:
0x310: {  	s26 =	sshll.u32 s25, $0x4  }
0x311: {  	s0 =	sand.u32 $0x3FFFFFF0, s26  }
0x312: {  	v3 =	vld [tilespmem:s0+$0xE00];
	_ =	sdelay $0x4  }
0x313: {  	s1 =	simm.s32 $0xE00;
	v5 =	vand.u32 $0xFF, v3  }
0x314: {  	s2 =	simm.s32 $0x100;
	v8 =	vor.u32 s1, v5  }
0x315: {  	s11 =	simm.s32 $0x0;
	v10 =	vor.u32 s2, v5  }
0x316: {  	s6 =	simm.s32 $0x200;
	v12 =	vor.u32 s11, v5  }
0x317: {  	s17 =	simm.s32 $0x300;
	v13 =	vor.u32 s6, v5  }
0x318: {  	s18 =	simm.s32 $0x400;
	v15 =	vor.u32 s17, v5  }
0x319: {  	s3 =	simm.s32 $0x500;
	v17 =	vor.u32 s18, v5;
	v8 =	vld.idx.msk [tilespmem:v8+s15+$0x0], $0xffff  }
0x31a: {  	s5 =	simm.s32 $0x600;
	v4 =	vshrl.u32 v3, $0x8;
	v19 =	vor.u32 s3, v5;
	v10 =	vld.idx.msk [tilespmem:v10+s15+$0x0], $0xffff  }
0x31b: {  	s0 =	simm.s32 $0xF00;
	v4 =	vand.u32 $0xFF, v4;
	v21 =	vor.u32 s5, v5;
	v12 =	vld.idx.msk [tilespmem:v12+s15+$0x0], $0xffff  }
0x31c: {  	v6 =	vor.u32 s0, v4;
	v13 =	vld.idx.msk [tilespmem:v13+s15+$0x0], $0xffff  }
0x31d: {  	v7 =	vor.u32 s1, v4;
	v15 =	vld.idx.msk [tilespmem:v15+s15+$0x0], $0xffff  }
0x31e: {  	v9 =	vor.u32 s2, v4;
	v17 =	vld.idx.msk [tilespmem:v17+s15+$0x0], $0xffff  }
0x31f: {  	v11 =	vor.u32 s6, v4;
	v19 =	vld.idx.msk [tilespmem:v19+s15+$0x0], $0xffff  }
0x320: {  	v14 =	vor.u32 s17, v4;
	v21 =	vld.idx.msk [tilespmem:v21+s15+$0x0], $0xffff  }
0x321: {  	v3 =	vld.idx.msk [tilespmem:v6+s14+$0x0], $0xffff;
	v6 =	vor.u32 s11, v4  }
0x322: {  	v16 =	vor.u32 s18, v4;
	v7 =	vld.idx.msk [tilespmem:v7+s14+$0x0], $0xffff  }
0x323: {  	v18 =	vor.u32 s3, v4;
	v9 =	vld.idx.msk [tilespmem:v9+s14+$0x0], $0xffff  }
0x324: {  	v20 =	vor.u32 s5, v4;
	s6 =	simm.s32 $0x700;
	v11 =	vld.idx.msk [tilespmem:v11+s14+$0x0], $0xffff  }
0x325: {  	v22 =	vor.u32 s6, v4;
	v14 =	vld.idx.msk [tilespmem:v14+s14+$0x0], $0xffff  }
0x326: {  	s3 =	sand.u32 $0x3, s23;
	s5 =	simm.s32 $0x800;
	v23 =	vor.u32 s6, v5;
	s11 =	sshll.u32 s24, $0x2;
	v6 =	vld.idx.msk [tilespmem:v6+s14+$0x0], $0xffff  }
0x327: {  	s17 =	sshll.u32 s3, $0x7;
	v25 =	vor.u32 s5, v5;
	v16 =	vld.idx.msk [tilespmem:v16+s14+$0x0], $0xffff;
	s1 =	sand.u32 $0xFFFFF000, s11  }
0x328: {  	v24 =	vor.u32 s5, v4;
	v18 =	vld.idx.msk [tilespmem:v18+s14+$0x0], $0xffff;
	s2 =	sor.u32 s17, s1  }
0x329: {  	s18 =	simm.s32 $0x900;
	v20 =	vld.idx.msk [tilespmem:v20+s14+$0x0], $0xffff;
	s2 =	sshrl.u32 s2, $0x2;
	v7 =	vmul.f32 v8, v7  }
0x32a: {  	v27 =	vor.u32 s18, v5;
	v22 =	vld.idx.msk [tilespmem:v22+s14+$0x0], $0xffff;
	s28 =	sadd.s32 $0x13000, s2;
	v8 =	vmul.f32 v10, v9  }
0x32b: {  	v26 =	vor.u32 s18, v4;
	s5 =	simm.s32 $0xA00;
	[tilespmem:s28+$0x300] =	vst v7;
	v7 =	vld.idx.msk [tilespmem:v23+s15+$0x0], $0xffff;
	v6 =	vmul.f32 v12, v6  }
0x32c: {  	s6 =	simm.s32 $0xB00;
	v62 =	vld.idx.msk [tilespmem:v25+s15+$0x0], $0xffff;
	v10 =	vor.u32 s5, v4;
	[tilespmem:s28+$0xFFFFF080] =	vst v8;
	v8 =	vmul.f32 v13, v11  }
0x32d: {  	v63 =	vor.u32 s6, v5;
	v13 =	vld.idx.msk [tilespmem:v24+s14+$0x0], $0xffff;
	[tilespmem:s28+$0xFFFFF000] =	vst v6;
	v6 =	vmul.f32 v15, v14  }
0x32e: {  	v11 =	vmul.f32 v17, v16;
	[tilespmem:s28+$0xFFFFF100] =	vst v8;
	v12 =	vor.u32 s5, v5  }
0x32f: {  	v61 =	vor.u32 s6, v4;
	s17 =	simm.s32 $0xC00;
	v9 =	vld.idx.msk [tilespmem:v27+s15+$0x0], $0xffff;
	[tilespmem:s28+$0xFFFFF180] =	vst v6;
	v6 =	vmul.f32 v19, v18  }
0x330: {  	s11 =	sand.u32 $0x7, s22;
	v16 =	vor.u32 s17, v4;
	v8 =	vld.idx.msk [tilespmem:v26+s14+$0x0], $0xffff;
	[tilespmem:s28+$0xFFFFF200] =	vst v11;
	v17 =	vmul.f32 v7, v22  }
0x331: {  	s18 =	simm.s32 $0xD00;
	s2 =	sshll.u32 s11, $0x6;
	v10 =	vld.idx.msk [tilespmem:v10+s14+$0x0], $0xffff;
	v14 =	vmul.f32 v21, v20;
	[tilespmem:s28+$0xFFFFF280] =	vst v6;
	v6 =	vor.u32 s17, v5  }
0x332: {  	s1 =	sor.u32 s2, s1;
	v15 =	vor.u32 s18, v4;
	[tilespmem:s28+$0xFFFFF380] =	vst v17;
	v17 =	vmul.f32 v62, v13;
	v13 =	vld.idx.msk [tilespmem:v63+s15+$0x0], $0xffff  }
0x333: {  	s30 =	simm.s32 $0x0;
	s1 =	sshrl.u32 s1, $0x2;
	[tilespmem:s28+$0xFFFFF300] =	vst v14;
	v14 =	vor.u32 s18, v5;
	v11 =	vld.idx.msk [tilespmem:v12+s15+$0x0], $0xffff  }
0x334: {  	s31 =	simm.s32 $0x1F00;
	s29 =	smov.u32 s28;
	v7 =	vor.u32 s0, v5;
	s0 =	sadd.s32 $0x13010, s1;
	v12 =	vld.idx.msk [tilespmem:v61+s14+$0x0], $0xffff  }
.LBB2_22:
0x335: {  	s1 =	sadd.s32 $0xFFFFF200, s31;
	s2 =	sadd.s32 $0xFFFFF300, s31;
	s3 =	sadd.s32 $0xFFFFFF00, s31;
	v18 =	vor.u32 s31, v4;
	v19 =	vor.u32 s31, v5;
	v20 =	vld.idx.msk [tilespmem:v16+s14+$0x0], $0xffff  }
0x336: {  	s5 =	sadd.s32 $0xFFFFF500, s31;
	s30 =	sadd.s32 $0x10, s30;
	v16 =	vor.u32 s1, v4;
	v21 =	vor.u32 s1, v5;
	s1 =	sadd.s32 $0xFFFFF400, s31;
	v22 =	vor.u32 s3, v4;
	[tilespmem:s28+$0x0] =	vst v17;
	v17 =	vld.idx.msk [tilespmem:v6+s15+$0x0], $0xffff  }
0x337: {  	s6 =	sadd.s32 $0xFFFFF700, s31;
	v6 =	vor.u32 s2, v4;
	v23 =	vor.u32 s2, v5;
	s2 =	sadd.s32 $0xFFFFF600, s31;
	v24 =	vor.u32 s3, v5;
	p0 =	slt.u32 s30, $0x30;
	v25 =	vld.idx.msk [tilespmem:v15+s14+$0x0], $0xffff  }
0x338: {  	s11 =	sadd.s32 $0xFFFFFA00, s31;
	v28 =	vor.u32 s5, v4;
	s3 =	sadd.s32 $0xFFFFF900, s31;
	v26 =	vor.u32 s1, v4;
	v27 =	vor.u32 s1, v5;
	s1 =	sadd.s32 $0xFFFFF800, s31;
	v29 =	vld.idx.msk [tilespmem:v14+s15+$0x0], $0xffff  }
0x339: {  	s17 =	sadd.s32 $0xFFFFFD00, s31;
	v30 =	vor.u32 s5, v5;
	s5 =	sadd.s32 $0xFFFFFC00, s31;
	v31 =	vor.u32 s2, v4;
	v32 =	vor.u32 s2, v5;
	s2 =	sadd.s32 $0xFFFFFB00, s31;
	v33 =	vld.idx.msk [tilespmem:v7+s15+$0x0], $0xffff;
	v7 =	vmovc v19  }
0x33a: {  	s18 =	sadd.s32 $0xFFFFF100, s31;
	v34 =	vor.u32 s6, v5;
	v35 =	vor.u32 s1, v4;
	v19 =	vor.u32 s6, v4;
	s6 =	sadd.s32 $0xFFFFFE00, s31;
	v18 =	vld.idx.msk [tilespmem:v18+s14+$0x0], $0xffff  }
0x33b: {  	v36 =	vor.u32 s18, v4;
	v37 =	vor.u32 s18, v5;
	v38 =	vor.u32 s1, v5;
	v22 =	vld.idx.msk [tilespmem:v22+s14+$0x0], $0xffff  }
0x33c: {  	v41 =	vor.u32 s11, v4;
	v39 =	vor.u32 s3, v4;
	v40 =	vor.u32 s3, v5;
	v24 =	vld.idx.msk [tilespmem:v24+s15+$0x0], $0xffff  }
0x33d: {  	v43 =	vor.u32 s11, v5;
	v44 =	vor.u32 s2, v4;
	v45 =	vor.u32 s2, v5;
	v42 =	vld.idx.msk [tilespmem:v16+s14+$0x0], $0xffff  }
0x33e: {  	v46 =	vor.u32 s5, v4;
	v47 =	vor.u32 s5, v5;
	v16 =	vor.u32 s17, v4;
	v21 =	vld.idx.msk [tilespmem:v21+s15+$0x0], $0xffff  }
0x33f: {  	v15 =	vor.u32 s6, v4;
	v14 =	vor.u32 s6, v5;
	v48 =	vld.idx.msk [tilespmem:v6+s14+$0x0], $0xffff;
	v6 =	vor.u32 s17, v5  }
0x340: {  	v8 =	vmul.f32 v9, v8;
	v9 =	vmul.f32 v11, v10;
	v36 =	vld.idx.msk [tilespmem:v36+s14+$0x0], $0xffff  }
0x341: {  	v11 =	vmul.f32 v13, v12;
	v12 =	vmul.f32 v17, v20;
	v10 =	vld.idx.msk [tilespmem:v37+s15+$0x0], $0xffff  }
0x342: {  	v17 =	vmul.f32 v24, v22;
	v13 =	vld.idx.msk [tilespmem:v23+s15+$0x0], $0xffff;
	[tilespmem:s28+$0x80] =	vst v8;
	v8 =	vmul.f32 v29, v25  }
0x343: {  	s28 =	sadd.s32 $0x2000, s28;
	v20 =	vld.idx.msk [tilespmem:v26+s14+$0x0], $0xffff;
	[tilespmem:s29+$0x100] =	vst v9;
	v9 =	vmul.f32 v33, v3;
	v3 =	vmov v18  }
0x344: {  	v18 =	vmul.f32 v21, v42;
	v21 =	vld.idx.msk [tilespmem:v27+s15+$0x0], $0xffff;
	[tilespmem:s28+$0x300] =	vst v17  }
0x345: {  	v17 =	vld.idx.msk [tilespmem:v28+s14+$0x0], $0xffff;
	[tilespmem:s29+$0x180] =	vst v11  }
0x346: {  	[tilespmem:s28+$0xFFFFF080] =	vst v18;
	v11 =	vld.idx.msk [tilespmem:v30+s15+$0x0], $0xffff  }
0x347: {  	v10 =	vmul.f32 v10, v36;
	v18 =	vld.idx.msk [tilespmem:v31+s14+$0x0], $0xffff;
	[tilespmem:s29+$0x200] =	vst v12  }
0x348: {  	v12 =	vmul.f32 v13, v48;
	v13 =	vld.idx.msk [tilespmem:v32+s15+$0x0], $0xffff;
	[tilespmem:s29+$0x280] =	vst v8  }
0x349: {  	[tilespmem:s28+$0xFFFFF000] =	vst v10;
	v10 =	vld.idx.msk [tilespmem:v19+s14+$0x0], $0xffff  }
0x34a: {  	v8 =	vmul.f32 v21, v20;
	[tilespmem:s28+$0xFFFFF100] =	vst v12;
	v12 =	vld.idx.msk [tilespmem:v34+s15+$0x0], $0xffff  }
0x34b: {  	v19 =	vld.idx.msk [tilespmem:v35+s14+$0x0], $0xffff;
	[tilespmem:s29+$0x380] =	vst v9;
	s29 =	smov.u32 s28  }
0x34c: {  	[tilespmem:s28+$0xFFFFF180] =	vst v8;
	v8 =	vmul.f32 v11, v17;
	v11 =	vld.idx.msk [tilespmem:v38+s15+$0x0], $0xffff  }
0x34d: {  	v17 =	vld.idx.msk [tilespmem:v39+s14+$0x0], $0xffff  }
0x34e: {  	v9 =	vmul.f32 v13, v18;
	[tilespmem:s28+$0xFFFFF200] =	vst v8;
	v13 =	vld.idx.msk [tilespmem:v40+s15+$0x0], $0xffff  }
0x34f: {  	v8 =	vld.idx.msk [tilespmem:v41+s14+$0x0], $0xffff  }
.Ltmp10:
0x350: {  	v12 =	vmul.f32 v12, v10;
	[tilespmem:s28+$0xFFFFF280] =	vst v9;
	v9 =	vld.idx.msk [tilespmem:v43+s15+$0x0], $0xffff;
	(pc) =	sbr.rel @p0 .LBB2_22-.Ltmp10, $4  }
0x351: {  	v10 =	vld.idx.msk [tilespmem:v44+s14+$0x0], $0xffff  }
0x352: {  	v18 =	vmul.f32 v11, v19;
	[tilespmem:s28+$0xFFFFF300] =	vst v12;
	v11 =	vld.idx.msk [tilespmem:v45+s15+$0x0], $0xffff  }
0x353: {  	v12 =	vld.idx.msk [tilespmem:v46+s14+$0x0], $0xffff  }
0x354: {  	s31 =	sadd.s32 $0x1000, s31;
	v17 =	vmul.f32 v13, v17;
	[tilespmem:s28+$0xFFFFF380] =	vst v18;
	v13 =	vld.idx.msk [tilespmem:v47+s15+$0x0], $0xffff  }
0x355: {  	s1 =	sor.u32 $0x10, s26  }
0x356: {  	s1 =	sand.u32 $0x3FFFFFF0, s1  }
0x357: {  	v5 =	vld [tilespmem:s1+$0xE00];
	_ =	sdelay $0x4  }
0x358: {  	s6 =	simm.s32 $0xE00;
	v19 =	vld.idx.msk [tilespmem:v6+s15+$0x0], $0xffff;
	v6 =	vand.u32 $0xFF, v5  }
0x359: {  	s2 =	simm.s32 $0x100;
	v21 =	vor.u32 s6, v6  }
0x35a: {  	v16 =	vld.idx.msk [tilespmem:v16+s14+$0x0], $0xffff;
	s17 =	simm.s32 $0x0;
	v23 =	vor.u32 s2, v6  }
0x35b: {  	v15 =	vld.idx.msk [tilespmem:v15+s14+$0x0], $0xffff;
	s11 =	simm.s32 $0x200;
	v25 =	vor.u32 s17, v6  }
0x35c: {  	v14 =	vld.idx.msk [tilespmem:v14+s15+$0x0], $0xffff;
	s18 =	simm.s32 $0x300;
	v26 =	vor.u32 s11, v6  }
0x35d: {  	v7 =	vld.idx.msk [tilespmem:v7+s15+$0x0], $0xffff;
	s30 =	simm.s32 $0x400;
	v28 =	vor.u32 s18, v6  }
0x35e: {  	s31 =	simm.s32 $0x500;
	v30 =	vor.u32 s30, v6;
	v21 =	vld.idx.msk [tilespmem:v21+s15+$0x0], $0xffff  }
0x35f: {  	s3 =	simm.s32 $0x600;
	v4 =	vshrl.u32 v5, $0x8;
	v32 =	vor.u32 s31, v6;
	v23 =	vld.idx.msk [tilespmem:v23+s15+$0x0], $0xffff  }
0x360: {  	s26 =	simm.s32 $0xF00;
	v10 =	vmul.f32 v11, v10;
	v4 =	vand.u32 $0xFF, v4;
	v11 =	vor.u32 s3, v6;
	v25 =	vld.idx.msk [tilespmem:v25+s15+$0x0], $0xffff  }
0x361: {  	v18 =	vor.u32 s26, v4;
	v26 =	vld.idx.msk [tilespmem:v26+s15+$0x0], $0xffff  }
0x362: {  	v20 =	vor.u32 s6, v4;
	v28 =	vld.idx.msk [tilespmem:v28+s15+$0x0], $0xffff  }
0x363: {  	v12 =	vmul.f32 v13, v12;
	v22 =	vor.u32 s2, v4;
	v13 =	vld.idx.msk [tilespmem:v30+s15+$0x0], $0xffff  }
0x364: {  	v14 =	vmul.f32 v14, v15;
	v24 =	vor.u32 s11, v4;
	v15 =	vld.idx.msk [tilespmem:v32+s15+$0x0], $0xffff  }
0x365: {  	v27 =	vor.u32 s18, v4;
	v11 =	vld.idx.msk [tilespmem:v11+s15+$0x0], $0xffff  }
0x366: {  	v8 =	vmul.f32 v9, v8;
	v9 =	vor.u32 s3, v4;
	v5 =	vld.idx.msk [tilespmem:v18+s14+$0x0], $0xffff  }
0x367: {  	v18 =	vor.u32 s17, v4;
	v20 =	vld.idx.msk [tilespmem:v20+s14+$0x0], $0xffff  }
0x368: {  	v31 =	vor.u32 s31, v4;
	v22 =	vld.idx.msk [tilespmem:v22+s14+$0x0], $0xffff  }
0x369: {  	s5 =	simm.s32 $0x700;
	[tilespmem:s28+$0x80] =	vst v8;
	v16 =	vmul.f32 v19, v16;
	v29 =	vor.u32 s30, v4;
	v24 =	vld.idx.msk [tilespmem:v24+s14+$0x0], $0xffff  }
0x36a: {  	[tilespmem:s29+$0x180] =	vst v12;
	v8 =	vor.u32 s5, v4;
	s6 =	simm.s32 $0x800;
	v27 =	vld.idx.msk [tilespmem:v27+s14+$0x0], $0xffff  }
0x36b: {  	[tilespmem:s29+$0x200] =	vst v16;
	v12 =	vor.u32 s6, v4;
	v16 =	vld.idx.msk [tilespmem:v9+s14+$0x0], $0xffff  }
0x36c: {  	[tilespmem:s29+$0x100] =	vst v10;
	v10 =	vor.u32 s5, v6;
	v18 =	vld.idx.msk [tilespmem:v18+s14+$0x0], $0xffff  }
0x36d: {  	[tilespmem:s28+$0x0] =	vst v17;
	v3 =	vmul.f32 v7, v3;
	s11 =	simm.s32 $0x900;
	v7 =	vor.u32 s6, v6;
	v19 =	vld.idx.msk [tilespmem:v31+s14+$0x0], $0xffff  }
0x36e: {  	[tilespmem:s29+$0x280] =	vst v14;
	v17 =	vld.idx.msk [tilespmem:v29+s14+$0x0], $0xffff;
	v9 =	vor.u32 s11, v4;
	v14 =	vmul.f32 v21, v20  }
0x36f: {  	[tilespmem:s29+$0x380] =	vst v3;
	v3 =	vor.u32 s11, v6;
	s17 =	simm.s32 $0xA00;
	v8 =	vld.idx.msk [tilespmem:v8+s14+$0x0], $0xffff;
	v57 =	vmul.f32 v23, v22  }
0x370: {  	s18 =	simm.s32 $0xB00;
	v59 =	vor.u32 s17, v6;
	v60 =	vld.idx.msk [tilespmem:v12+s14+$0x0], $0xffff;
	v12 =	vmul.f32 v28, v27;
	[tilespmem:s0+$0x300] =	vst v14  }
0x371: {  	v61 =	vor.u32 s18, v4;
	v11 =	vmul.f32 v11, v16;
	[tilespmem:s0+$0xFFFFF080] =	vst v57;
	v14 =	vmul.f32 v25, v18;
	v18 =	vld.idx.msk [tilespmem:v10+s15+$0x0], $0xffff  }
0x372: {  	v58 =	vor.u32 s17, v4;
	v62 =	vld.idx.msk [tilespmem:v7+s15+$0x0], $0xffff;
	[tilespmem:s0+$0xFFFFF180] =	vst v12;
	v12 =	vmul.f32 v15, v19  }
0x373: {  	s30 =	simm.s32 $0xC00;
	v63 =	vor.u32 s18, v6;
	v7 =	vld.idx.msk [tilespmem:v9+s14+$0x0], $0xffff;
	[tilespmem:s0+$0xFFFFF300] =	vst v11;
	v10 =	vmul.f32 v26, v24  }
0x374: {  	v9 =	vld.idx.msk [tilespmem:v3+s15+$0x0], $0xffff;
	v15 =	vor.u32 s30, v4;
	[tilespmem:s0+$0xFFFFF280] =	vst v12  }
0x375: {  	s31 =	simm.s32 $0xD00;
	v12 =	vor.u32 s30, v6;
	[tilespmem:s0+$0xFFFFF100] =	vst v10;
	v10 =	vmul.f32 v13, v17;
	v13 =	vld.idx.msk [tilespmem:v59+s15+$0x0], $0xffff  }
0x376: {  	v11 =	vor.u32 s31, v4;
	[tilespmem:s0+$0xFFFFF000] =	vst v14;
	v14 =	vld.idx.msk [tilespmem:v61+s14+$0x0], $0xffff;
	v16 =	vmul.f32 v18, v8  }
0x377: {  	[tilespmem:s0+$0xFFFFF200] =	vst v10;
	v10 =	vld.idx.msk [tilespmem:v58+s14+$0x0], $0xffff;
	v8 =	vor.u32 s31, v6  }
0x378: {  	s28 =	simm.s32 $0x0;
	s29 =	simm.s32 $0x1F00;
	v3 =	vor.u32 s26, v6;
	s26 =	smov.u32 s0;
	v17 =	vmul.f32 v62, v60;
	[tilespmem:s0+$0xFFFFF380] =	vst v16;
	v16 =	vld.idx.msk [tilespmem:v63+s15+$0x0], $0xffff  }
.LBB2_24:
0x379: {  	s1 =	sadd.s32 $0xFFFFF200, s29;
	s2 =	sadd.s32 $0xFFFFF300, s29;
	s3 =	sadd.s32 $0xFFFFFF00, s29;
	v18 =	vor.u32 s29, v4;
	v19 =	vor.u32 s29, v6;
	v20 =	vld.idx.msk [tilespmem:v15+s14+$0x0], $0xffff  }
0x37a: {  	s5 =	sadd.s32 $0xFFFFF500, s29;
	s28 =	sadd.s32 $0x10, s28;
	v15 =	vor.u32 s1, v4;
	v21 =	vor.u32 s1, v6;
	s1 =	sadd.s32 $0xFFFFF400, s29;
	v22 =	vor.u32 s3, v4;
	[tilespmem:s0+$0x0] =	vst v17;
	v17 =	vld.idx.msk [tilespmem:v12+s15+$0x0], $0xffff  }
0x37b: {  	s6 =	sadd.s32 $0xFFFFF700, s29;
	v12 =	vor.u32 s2, v4;
	v23 =	vor.u32 s2, v6;
	s2 =	sadd.s32 $0xFFFFF600, s29;
	v24 =	vor.u32 s3, v6;
	p0 =	slt.u32 s28, $0x30;
	v25 =	vld.idx.msk [tilespmem:v11+s14+$0x0], $0xffff  }
0x37c: {  	s11 =	sadd.s32 $0xFFFFFA00, s29;
	v28 =	vor.u32 s5, v4;
	s3 =	sadd.s32 $0xFFFFF900, s29;
	v26 =	vor.u32 s1, v4;
	v27 =	vor.u32 s1, v6;
	s1 =	sadd.s32 $0xFFFFF800, s29;
	v29 =	vld.idx.msk [tilespmem:v8+s15+$0x0], $0xffff  }
0x37d: {  	s17 =	sadd.s32 $0xFFFFFD00, s29;
	v30 =	vor.u32 s5, v6;
	s5 =	sadd.s32 $0xFFFFFC00, s29;
	v31 =	vor.u32 s2, v4;
	v32 =	vor.u32 s2, v6;
	s2 =	sadd.s32 $0xFFFFFB00, s29;
	v33 =	vld.idx.msk [tilespmem:v3+s15+$0x0], $0xffff;
	v3 =	vmovc v19  }
0x37e: {  	s18 =	sadd.s32 $0xFFFFF100, s29;
	v34 =	vor.u32 s6, v6;
	v35 =	vor.u32 s1, v4;
	v19 =	vor.u32 s6, v4;
	s6 =	sadd.s32 $0xFFFFFE00, s29;
	v18 =	vld.idx.msk [tilespmem:v18+s14+$0x0], $0xffff  }
0x37f: {  	v36 =	vor.u32 s18, v4;
	v37 =	vor.u32 s18, v6;
	v38 =	vor.u32 s1, v6;
	v22 =	vld.idx.msk [tilespmem:v22+s14+$0x0], $0xffff  }
0x380: {  	v41 =	vor.u32 s11, v4;
	v39 =	vor.u32 s3, v4;
	v40 =	vor.u32 s3, v6;
	v24 =	vld.idx.msk [tilespmem:v24+s15+$0x0], $0xffff  }
0x381: {  	v43 =	vor.u32 s11, v6;
	v44 =	vor.u32 s2, v4;
	v45 =	vor.u32 s2, v6;
	v42 =	vld.idx.msk [tilespmem:v15+s14+$0x0], $0xffff  }
0x382: {  	v46 =	vor.u32 s5, v4;
	v47 =	vor.u32 s5, v6;
	v15 =	vor.u32 s17, v4;
	v21 =	vld.idx.msk [tilespmem:v21+s15+$0x0], $0xffff  }
0x383: {  	v11 =	vor.u32 s6, v4;
	v8 =	vor.u32 s6, v6;
	v48 =	vld.idx.msk [tilespmem:v12+s14+$0x0], $0xffff;
	v12 =	vor.u32 s17, v6  }
0x384: {  	v7 =	vmul.f32 v9, v7;
	v9 =	vmul.f32 v13, v10;
	v36 =	vld.idx.msk [tilespmem:v36+s14+$0x0], $0xffff  }
0x385: {  	v13 =	vmul.f32 v16, v14;
	v14 =	vmul.f32 v17, v20;
	v10 =	vld.idx.msk [tilespmem:v37+s15+$0x0], $0xffff  }
0x386: {  	v17 =	vmul.f32 v24, v22;
	v16 =	vld.idx.msk [tilespmem:v23+s15+$0x0], $0xffff;
	[tilespmem:s0+$0x80] =	vst v7;
	v7 =	vmul.f32 v29, v25  }
0x387: {  	s0 =	sadd.s32 $0x2000, s0;
	v20 =	vld.idx.msk [tilespmem:v26+s14+$0x0], $0xffff;
	[tilespmem:s26+$0x100] =	vst v9;
	v9 =	vmul.f32 v33, v5;
	v5 =	vmov v18  }
0x388: {  	v18 =	vmul.f32 v21, v42;
	v21 =	vld.idx.msk [tilespmem:v27+s15+$0x0], $0xffff;
	[tilespmem:s0+$0x300] =	vst v17  }
0x389: {  	v17 =	vld.idx.msk [tilespmem:v28+s14+$0x0], $0xffff;
	[tilespmem:s26+$0x180] =	vst v13  }
0x38a: {  	[tilespmem:s0+$0xFFFFF080] =	vst v18;
	v13 =	vld.idx.msk [tilespmem:v30+s15+$0x0], $0xffff  }
0x38b: {  	v10 =	vmul.f32 v10, v36;
	v18 =	vld.idx.msk [tilespmem:v31+s14+$0x0], $0xffff;
	[tilespmem:s26+$0x200] =	vst v14  }
0x38c: {  	v14 =	vmul.f32 v16, v48;
	v16 =	vld.idx.msk [tilespmem:v32+s15+$0x0], $0xffff;
	[tilespmem:s26+$0x280] =	vst v7  }
0x38d: {  	[tilespmem:s0+$0xFFFFF000] =	vst v10;
	v10 =	vld.idx.msk [tilespmem:v19+s14+$0x0], $0xffff  }
0x38e: {  	v7 =	vmul.f32 v21, v20;
	[tilespmem:s0+$0xFFFFF100] =	vst v14;
	v14 =	vld.idx.msk [tilespmem:v34+s15+$0x0], $0xffff  }
0x38f: {  	v19 =	vld.idx.msk [tilespmem:v35+s14+$0x0], $0xffff;
	[tilespmem:s26+$0x380] =	vst v9;
	s26 =	smov.u32 s0  }
0x390: {  	[tilespmem:s0+$0xFFFFF180] =	vst v7;
	v7 =	vmul.f32 v13, v17;
	v13 =	vld.idx.msk [tilespmem:v38+s15+$0x0], $0xffff  }
0x391: {  	v17 =	vld.idx.msk [tilespmem:v39+s14+$0x0], $0xffff  }
0x392: {  	v9 =	vmul.f32 v16, v18;
	[tilespmem:s0+$0xFFFFF200] =	vst v7;
	v16 =	vld.idx.msk [tilespmem:v40+s15+$0x0], $0xffff  }
0x393: {  	v7 =	vld.idx.msk [tilespmem:v41+s14+$0x0], $0xffff  }
.Ltmp11:
0x394: {  	v14 =	vmul.f32 v14, v10;
	[tilespmem:s0+$0xFFFFF280] =	vst v9;
	v9 =	vld.idx.msk [tilespmem:v43+s15+$0x0], $0xffff;
	(pc) =	sbr.rel @p0 .LBB2_24-.Ltmp11, $4  }
0x395: {  	v10 =	vld.idx.msk [tilespmem:v44+s14+$0x0], $0xffff  }
0x396: {  	v18 =	vmul.f32 v13, v19;
	[tilespmem:s0+$0xFFFFF300] =	vst v14;
	v13 =	vld.idx.msk [tilespmem:v45+s15+$0x0], $0xffff  }
0x397: {  	v14 =	vld.idx.msk [tilespmem:v46+s14+$0x0], $0xffff  }
0x398: {  	s29 =	sadd.s32 $0x1000, s29;
	v17 =	vmul.f32 v16, v17;
	[tilespmem:s0+$0xFFFFF380] =	vst v18;
	v16 =	vld.idx.msk [tilespmem:v47+s15+$0x0], $0xffff  }
0x399: {  	_ =	sdelay $0x3  }
0x39a: {  	v4 =	vld.idx.msk [tilespmem:v15+s14+$0x0], $0xffff  }
0x39b: {  	v6 =	vld.idx.msk [tilespmem:v12+s15+$0x0], $0xffff  }
0x39c: {  	v11 =	vld.idx.msk [tilespmem:v11+s14+$0x0], $0xffff  }
0x39d: {  	v8 =	vld.idx.msk [tilespmem:v8+s15+$0x0], $0xffff  }
0x39e: {  	v3 =	vld.idx.msk [tilespmem:v3+s15+$0x0], $0xffff;
	v7 =	vmul.f32 v9, v7  }
0x39f: {  	[tilespmem:s0+$0x0] =	vst v17;
	v61 =	vmul.f32 v13, v10  }
0x3a0: {  	p0 =	slt.u32 s25, $0x1E;
	[tilespmem:s0+$0x80] =	vst v7;
	v62 =	vmul.f32 v16, v14  }
.Ltmp12:
0x3a1: {  	[tilespmem:s26+$0x100] =	vst v61;
	v4 =	vmul.f32 v6, v4;
	(pc) =	sbr.rel @p0 .LBB2_21-.Ltmp12, $4  }
0x3a2: {  	v63 =	vmul.f32 v8, v11;
	[tilespmem:s26+$0x180] =	vst v62  }
0x3a3: {  	v3 =	vmul.f32 v3, v5;
	[tilespmem:s26+$0x200] =	vst v4  }
0x3a4: {  	s31 =	sadd.s32 $0x2, s25;
	s24 =	sadd.s32 $0x100, s24;
	[tilespmem:s26+$0x280] =	vst v63  }
0x3a5: {  	s23 =	sadd.s32 $0x1, s23;
	s22 =	sadd.s32 $0x2, s22;
	s25 =	smov.u32 s31;
	[tilespmem:s26+$0x380] =	vst v3  }
0x3a6: {  	s0 =	simm.s32 $0x12000;
	s21 =	sadd.s32 $0x1, s21  }
0x3a7: {  	[hbm4b:s8+s14] =	stream.strided.scatter [tilespmem:s0], [sflag:$0x2], $0x8000, s16, s14, $0x38;
	[tilespmem:$0x1A000] =	vst v63  }
0x3a8: {  	p0 =	sne.s32 s21, s9;
	_ =	swait.ge [sflag:s19], $0x8000  }
.Ltmp13:
0x3a9: {  	[sflag:s19] =	ssyncset.done $0x0;
	(pc) =	sbr.rel @p0 .LBB2_1-.Ltmp13, $4  }
0x3aa: {  	[sflag:s19] =	ssyncadd.s32 $0xFFFF8000  }
0x3ab: {  	_ =	swait.ge [sflag:s20], $0x8000  }
0x3ac: {  	[sflag:s20] =	ssyncset.done $0x0  }
0x3ad: {  	[sflag:s20] =	ssyncadd.s32 $0xFFFF8000  }
0x3ae: {  	_ =	sfence.sel $0x180000  }
0x3af: {  	[bflag:$0x0] =	sbarrier.arrive $0xFFFF  }
0x3b0: {  	_ =	strace $0x90000047  }
0x3b1: {  	s0 =	stileid.u32;
	[bflag:$0x2] =	sbarrier.arrive $0xFFFF  }
0x3b2: {  	p0 =	sne.s32 s0, $0x0;
	s0 =	rddreg [dreg:$0x3]  }
0x3b3: {  	s0 =	sadd.s32 @!p0 $0x100000, s0  }
0x3b4: {  	[sflag:s0] =	ssyncadd.tile.s32 @!p0 $0x1;
	_ =	shalt  }
.Lfunc_end2:
_tile_overlayer_lowered:
.L_overlay_start_2:
0x3b5: {  	(tag) =	ssettag $0x2  }
0x3b6: {  	s0 =	rddreg [dreg:$0x0];
	s2 =	stileid.u32  }
0x3b7: {  	s1 =	rddreg [dreg:$0x1];
	p0 =	sne.s32 s2, $0x0  }
0x3b8: {  	s3 =	rddreg [dreg:$0x2];
	[bflag:$0x3] =	sbarrier.arrive $0xFFFF;
	s2 =	simm.s32 @!p0 $0x1C03  }
0x3b9: {  	[timem:s3], [sflag:s2] =	dma.local @!p0 [hbm:s0], s1  }
0x3ba: {  	s0 =	simm.s32 @!p0 $0x3  }
0x3bb: {  	_ =	swait.ge @!p0 [sflag:s0], s1  }
0x3bc: {  	s1 =	ssub.s32 @!p0 $0x0, s1;
	[sflag:s0] =	ssyncset.done @!p0 $0x0  }
0x3bd: {  	[sflag:s0] =	ssyncadd.s32 @!p0 s1  }
0x3be: {  	[bflag:$0x3] =	sbarrier.arrive $0xFFFF  }
0x3bf: {  	_ =	shalt  }

</sc_bundles>
